<compile_context>
chip_gen: v7x
topology: tpu7x:2x2x1
jax: 0.10.2.dev20260603
libtpu: 0.0.44.dev20260713+nightly
codegen_flags: <defaults>
</compile_context>

<pallas_src>
import functools

import jax
import jax.numpy as jnp
from jax import lax
from jax.experimental import pallas as pl
from jax.experimental.pallas import tpu as pltpu
from jax.experimental.pallas import tpu_sc as plsc

B = 2048
G = 128
ARITY = 3
OUT_DIM = 64
NTILES = 32
GPT = G // NTILES
NB = 256
NPAIRS = NB * GPT
PAD = OUT_DIM + 1
TBL = GPT * 27 * PAD
L = 16


def _sc_body(x_hbm, p_hbm, out_hbm, xv, tbl, outv, sem):
    wid = lax.axis_index("s") * 2 + lax.axis_index("c")

    pltpu.sync_copy(p_hbm.at[wid], tbl)

    iota = lax.iota(jnp.int32, L)
    g_loc = iota & (GPT - 1)

    def chunk_body(chunk, _):
        pltpu.sync_copy(x_hbm.at[wid, pl.ds(chunk * NB * 12, NB * 12)], xv)

        def blk_body(blk, _):
            base = blk * L
            p = base + iota
            ip = p * ARITY
            a0 = plsc.load_gather(xv, [ip])
            a1 = plsc.load_gather(xv, [ip + 1])
            a2 = plsc.load_gather(xv, [ip + 2])
            b0, b1, b2 = jnp.abs(a0), jnp.abs(a1), jnp.abs(a2)
            mn = jnp.minimum(jnp.minimum(b0, b1), b2)
            mx = jnp.maximum(jnp.maximum(b0, b1), b2)
            md = jnp.maximum(jnp.minimum(b0, b1),
                             jnp.minimum(jnp.maximum(b0, b1), b2))
            one = jnp.int32(1)
            t0 = jnp.where(a0 >= 0, one, -one)
            t1 = jnp.where(a1 >= 0, jnp.int32(3), jnp.int32(-3))
            t2 = jnp.where(a2 >= 0, jnp.int32(9), jnp.int32(-9))
            s_all = t0 + t1 + t2
            m1 = b1 < b0
            tmin = jnp.where(m1, t1, t0)
            bmin = jnp.where(m1, b1, b0)
            tmin = jnp.where(b2 < bmin, t2, tmin)
            m2 = b1 >= b0
            tmax = jnp.where(m2, t1, t0)
            bmax = jnp.where(m2, b1, b0)
            tmax = jnp.where(b2 >= bmax, t2, tmax)

            gbase = g_loc * 27 + 13
            r0 = (gbase + s_all) * PAD
            r1 = (gbase + (s_all - tmin)) * PAD
            r2 = (gbase + tmax) * PAD
            c0 = mn
            c1 = md - mn
            c2 = mx - md

            row = lax.shift_right_logical(p, 2)
            col0 = g_loc * OUT_DIM
            for d in range(OUT_DIM):
                dl = (iota + d) & (OUT_DIM - 1)
                v0 = plsc.load_gather(tbl, [r0 + dl])
                v1 = plsc.load_gather(tbl, [r1 + dl])
                v2 = plsc.load_gather(tbl, [r2 + dl])
                acc = c0 * v0 + c1 * v1 + c2 * v2
                plsc.store_scatter(outv, [row, col0 + dl], acc)
            return _

        lax.fori_loop(0, NPAIRS // L, blk_body, None)
        pltpu.sync_copy(
            outv,
            out_hbm.at[pl.ds(chunk * NB, NB), pl.ds(wid * GPT * OUT_DIM,
                                                    GPT * OUT_DIM)])
        return _

    lax.fori_loop(0, B // NB, chunk_body, None)


@jax.jit
def _sc_call(x_t, p_t):
    mesh = plsc.VectorSubcoreMesh(core_axis_name="c", subcore_axis_name="s")
    k = pl.kernel(
        _sc_body,
        mesh=mesh,
        compiler_params=pltpu.CompilerParams(needs_layout_passes=False),
        out_type=jax.ShapeDtypeStruct((B, G * OUT_DIM), jnp.float32),
        scratch_types=[
            pltpu.VMEM((NB * 12,), jnp.float32),
            pltpu.VMEM((TBL,), jnp.float32),
            pltpu.VMEM((NB, GPT * OUT_DIM), jnp.float32),
            pltpu.SemaphoreType.DMA,
        ],
    )
    return k(x_t, p_t)


def kernel(X, params):
    x_t = X.reshape(B, NTILES, GPT * ARITY).transpose(1, 0, 2)
    x_t = x_t.reshape(NTILES, B * GPT * ARITY)
    p_pad = jnp.pad(params, ((0, 0), (0, 0), (0, PAD - OUT_DIM)))
    p_t = p_pad.reshape(NTILES, TBL)
    return _sc_call(x_t, p_t)

# --- scband reference (transcript-rebuilt; emitter-appended) ---
"""Pipeline reference for scband-high-order-activation-b-16741782520154 (READ-ONLY COPY).

The authoritative reference and input builder live on the scoring server;
editing this copy changes nothing except your own understanding.
"""

import jax, jax.numpy as jnp
import numpy as np

ARITY = 3
INPUT_GROUPS = 128
OUT_DIM = 64
ACT_FACTOR = 1.0
BATCH = 2048


def high_order_act_b(A, params):
    # A: [B, G, arity], params: [G, 3**arity, out_dim]
    arity = A.shape[2]
    ref_ind = sum(3 ** i for i in range(arity))
    A_abs = jnp.abs(A)
    A_ind = jnp.argsort(A_abs, axis=2)
    A_sort = jnp.take_along_axis(A_abs, A_ind, axis=2)
    A_sgn_raw = jnp.where(A >= 0, 1, -1)
    A_sgn = jnp.take_along_axis(A_sgn_raw, A_ind, axis=2)
    A_diff = A_sort[:, :, 1:] - A_sort[:, :, :-1]
    coef = jnp.concatenate([A_sort[:, :, 0:1], A_diff], axis=2)
    pow3 = 3 ** A_ind
    params_A_ind = jnp.flip(jnp.cumsum(jnp.flip(A_sgn * pow3, axis=2), axis=2), axis=2) + ref_ind
    # params_gather[j, i, k, l] = params[j, params_A_ind[i, j, k], l]
    ind1b = jnp.transpose(params_A_ind, (1, 0, 2))  # [G, B, arity]
    ind0b = jnp.arange(params.shape[0])[:, None, None]  # [G, 1, 1]
    params_gather = params[ind0b, ind1b, :]  # [G, B, arity, out_dim]
    out = jnp.einsum('jikl,ijk->ijl', params_gather, coef)  # [B, G, out_dim]
    return out


def setup_inputs(seed: int = 0) -> dict:
    key = jax.random.key(seed)
    kx, kp = jax.random.split(key)
    X = jax.random.normal(kx, (BATCH, INPUT_GROUPS * ARITY), dtype=jnp.float32)
    params = jax.random.normal(kp, (INPUT_GROUPS, 3 ** ARITY, OUT_DIM), dtype=jnp.float32)
    return {"X": X, "params": params}


def reference(X, params):
    B = X.shape[0]
    X1 = X.reshape(B, INPUT_GROUPS, ARITY)
    out1 = high_order_act_b(X1, params)
    out = out1.reshape(B, INPUT_GROUPS * OUT_DIM) * ACT_FACTOR
    return out

if __name__ == "__main__":
    import jax
    _d = setup_inputs()
    print(jax.jit(kernel)(*tuple(_d.values())))

</pallas_src>

<mosaic_0001>
#map = affine_map<(d0, d1) -> (0, 0)>
module attributes {stable_mosaic.version = 14 : i64} {
  func.func @_sc_body(%arg0: i32, %arg1: i32, %arg2: memref<32x24576xf32, #tpu.memory_space<hbm>>, %arg3: memref<32x7020xf32, #tpu.memory_space<hbm>>, %arg4: memref<2048x8192xf32, #tpu.memory_space<hbm>>, %arg5: memref<3072xf32, #tpu.memory_space<vmem>>, %arg6: memref<7020xf32, #tpu.memory_space<vmem>>, %arg7: memref<256x256xf32, #tpu.memory_space<vmem>>, %arg8: memref<!tpu.dma_semaphore, #tpu.memory_space<semaphore_mem>>) attributes {dimension_semantics = [#tpu.dimension_semantics<core_parallel>, #tpu.dimension_semantics<subcore_parallel>], iteration_bounds = array<i64: 2, 16>, scalar_prefetch = 0 : i64, scratch_operands = 4 : i64, tpu.core_type = #tpu.core_type<sc_vector_subcore>, window_params = [{transform_indices = #map}, {transform_indices = #map}, {transform_indices = #map}]} {
    %mul3A = arith.constant 2 : i32
    %mul3A_0 = arith.muli %arg1, %mul3A : i32
    %add3A = arith.addi %mul3A_0, %arg0 : i32
    "tpu.region"() ({
      %run_scoped3A = tpu.sem_alloc : memref<!tpu.dma_semaphore, #tpu.memory_space<semaphore_mem>>
      %dma_start3A = arith.constant 0 : i32
      %dma_start3A_7 = tpu.memref_slice %arg3[%add3A, %dma_start3A] : memref<32x7020xf32, #tpu.memory_space<hbm>> -> memref<1x7020xf32, #tpu.memory_space<hbm>>
      %dma_start3A_8 = tpu.memref_squeeze %dma_start3A_7 : memref<1x7020xf32, #tpu.memory_space<hbm>> -> memref<7020xf32, #tpu.memory_space<hbm>>
      %dma_start3A_9 = arith.constant 0 : i32
      %dma_start3A_10 = tpu.memref_slice %arg3[%add3A, %dma_start3A_9] : memref<32x7020xf32, #tpu.memory_space<hbm>> -> memref<1x7020xf32, #tpu.memory_space<hbm>>
      %dma_start3A_11 = tpu.memref_squeeze %dma_start3A_10 : memref<1x7020xf32, #tpu.memory_space<hbm>> -> memref<7020xf32, #tpu.memory_space<hbm>>
      tpu.enqueue_dma source(%dma_start3A_11 : memref<7020xf32, #tpu.memory_space<hbm>>) target(%arg6 : memref<7020xf32, #tpu.memory_space<vmem>>) target_semaphore(%run_scoped3A : memref<!tpu.dma_semaphore, #tpu.memory_space<semaphore_mem>>)
      %dma_wait3A = arith.constant 0 : i32
      %dma_wait3A_12 = tpu.memref_slice %arg3[%add3A, %dma_wait3A] : memref<32x7020xf32, #tpu.memory_space<hbm>> -> memref<1x7020xf32, #tpu.memory_space<hbm>>
      %dma_wait3A_13 = tpu.memref_squeeze %dma_wait3A_12 : memref<1x7020xf32, #tpu.memory_space<hbm>> -> memref<7020xf32, #tpu.memory_space<hbm>>
      %dma_wait3A_14 = arith.constant 0 : i32
      %dma_wait3A_15 = tpu.memref_slice %arg3[%add3A, %dma_wait3A_14] : memref<32x7020xf32, #tpu.memory_space<hbm>> -> memref<1x7020xf32, #tpu.memory_space<hbm>>
      %dma_wait3A_16 = tpu.memref_squeeze %dma_wait3A_15 : memref<1x7020xf32, #tpu.memory_space<hbm>> -> memref<7020xf32, #tpu.memory_space<hbm>>
      tpu.wait_dma2 semaphore(%run_scoped3A : memref<!tpu.dma_semaphore, #tpu.memory_space<semaphore_mem>>) src(%dma_wait3A_16 : memref<7020xf32, #tpu.memory_space<hbm>>) dst(%arg6 : memref<7020xf32, #tpu.memory_space<vmem>>)
      tpu.yield
    }) : () -> ()
    %iota3A = tpu.iota {dimensions = array<i32: 0>} : vector<16xi32>
    %and3A = arith.constant 3 : i32
    %and3A_1 = vector.broadcast %and3A : i32 to vector<16xi32>
    %and3A_2 = arith.andi %iota3A, %and3A_1 : vector<16xi32>
    %scan3A = arith.constant 0 : i32
    %scan3A_3 = arith.constant 8 : i32
    %scan3A_4 = arith.addi %scan3A, %scan3A_3 : i32
    %scan3A_5 = arith.constant 1 : i32
    scf.for %scan3A_7 = %scan3A to %scan3A_4 step %scan3A_5  : i32 {
      %mul3A_8 = arith.constant 256 : i32
      %mul3A_9 = arith.muli %scan3A_7, %mul3A_8 : i32
      %mul3A_10 = arith.constant 12 : i32
      %mul3A_11 = arith.muli %mul3A_9, %mul3A_10 : i32
      "tpu.region"() ({
        %run_scoped3A = tpu.sem_alloc : memref<!tpu.dma_semaphore, #tpu.memory_space<semaphore_mem>>
        %dma_start3A = tpu.memref_slice %arg2[%add3A, %mul3A_11] : memref<32x24576xf32, #tpu.memory_space<hbm>> -> memref<1x3072xf32, #tpu.memory_space<hbm>>
        %dma_start3A_23 = tpu.memref_squeeze %dma_start3A : memref<1x3072xf32, #tpu.memory_space<hbm>> -> memref<3072xf32, #tpu.memory_space<hbm>>
        %dma_start3A_24 = tpu.memref_slice %arg2[%add3A, %mul3A_11] : memref<32x24576xf32, #tpu.memory_space<hbm>> -> memref<1x3072xf32, #tpu.memory_space<hbm>>
        %dma_start3A_25 = tpu.memref_squeeze %dma_start3A_24 : memref<1x3072xf32, #tpu.memory_space<hbm>> -> memref<3072xf32, #tpu.memory_space<hbm>>
        tpu.enqueue_dma source(%dma_start3A_25 : memref<3072xf32, #tpu.memory_space<hbm>>) target(%arg5 : memref<3072xf32, #tpu.memory_space<vmem>>) target_semaphore(%run_scoped3A : memref<!tpu.dma_semaphore, #tpu.memory_space<semaphore_mem>>)
        %dma_wait3A = tpu.memref_slice %arg2[%add3A, %mul3A_11] : memref<32x24576xf32, #tpu.memory_space<hbm>> -> memref<1x3072xf32, #tpu.memory_space<hbm>>
        %dma_wait3A_26 = tpu.memref_squeeze %dma_wait3A : memref<1x3072xf32, #tpu.memory_space<hbm>> -> memref<3072xf32, #tpu.memory_space<hbm>>
        %dma_wait3A_27 = tpu.memref_slice %arg2[%add3A, %mul3A_11] : memref<32x24576xf32, #tpu.memory_space<hbm>> -> memref<1x3072xf32, #tpu.memory_space<hbm>>
        %dma_wait3A_28 = tpu.memref_squeeze %dma_wait3A_27 : memref<1x3072xf32, #tpu.memory_space<hbm>> -> memref<3072xf32, #tpu.memory_space<hbm>>
        tpu.wait_dma2 semaphore(%run_scoped3A : memref<!tpu.dma_semaphore, #tpu.memory_space<semaphore_mem>>) src(%dma_wait3A_28 : memref<3072xf32, #tpu.memory_space<hbm>>) dst(%arg5 : memref<3072xf32, #tpu.memory_space<vmem>>)
        tpu.yield
      }) : () -> ()
      %scan3A_12 = arith.constant 0 : i32
      %scan3A_13 = arith.constant 64 : i32
      %scan3A_14 = arith.addi %scan3A_12, %scan3A_13 : i32
      %scan3A_15 = arith.constant 1 : i32
      scf.for %scan3A_23 = %scan3A_12 to %scan3A_14 step %scan3A_15  : i32 {
        %mul3A_24 = arith.constant 16 : i32
        %mul3A_25 = arith.muli %scan3A_23, %mul3A_24 : i32
        %add3A_26 = vector.broadcast %mul3A_25 : i32 to vector<16xi32>
        %add3A_27 = arith.addi %add3A_26, %iota3A : vector<16xi32>
        %mul3A_28 = arith.constant 3 : i32
        %mul3A_29 = vector.broadcast %mul3A_28 : i32 to vector<16xi32>
        %mul3A_30 = arith.muli %add3A_27, %mul3A_29 : vector<16xi32>
        %gather3A = tpu.vector_load_idx %arg5[%mul3A_30] : memref<3072xf32, #tpu.memory_space<vmem>>[vector<16xi32>], vector<16xf32>,
        %add3A_31 = arith.constant 1 : i32
        %add3A_32 = vector.broadcast %add3A_31 : i32 to vector<16xi32>
        %add3A_33 = arith.addi %mul3A_30, %add3A_32 : vector<16xi32>
        %gather3A_34 = tpu.vector_load_idx %arg5[%add3A_33] : memref<3072xf32, #tpu.memory_space<vmem>>[vector<16xi32>], vector<16xf32>,
        %add3A_35 = arith.constant 2 : i32
        %add3A_36 = vector.broadcast %add3A_35 : i32 to vector<16xi32>
        %add3A_37 = arith.addi %mul3A_30, %add3A_36 : vector<16xi32>
        %gather3A_38 = tpu.vector_load_idx %arg5[%add3A_37] : memref<3072xf32, #tpu.memory_space<vmem>>[vector<16xi32>], vector<16xf32>,
        %abs3A = math.absf %gather3A : vector<16xf32>
        %abs3A_39 = math.absf %gather3A_34 : vector<16xf32>
        %abs3A_40 = math.absf %gather3A_38 : vector<16xf32>
        %min3A = arith.minimumf %abs3A, %abs3A_39 : vector<16xf32>
        %min3A_41 = arith.minimumf %min3A, %abs3A_40 : vector<16xf32>
        %max3A = arith.maximumf %abs3A, %abs3A_39 : vector<16xf32>
        %max3A_42 = arith.maximumf %max3A, %abs3A_40 : vector<16xf32>
        %min3A_43 = arith.minimumf %abs3A, %abs3A_39 : vector<16xf32>
        %max3A_44 = arith.maximumf %abs3A, %abs3A_39 : vector<16xf32>
        %min3A_45 = arith.minimumf %max3A_44, %abs3A_40 : vector<16xf32>
        %max3A_46 = arith.maximumf %min3A_43, %min3A_45 : vector<16xf32>
        %ge3A = arith.constant 0.000000e+00 : f32
        %ge3A_47 = vector.broadcast %ge3A : f32 to vector<16xf32>
        %ge3A_48 = arith.cmpf oge, %gather3A, %ge3A_47 : vector<16xf32>
        %neg3A = arith.constant 0 : i32
        %neg3A_49 = arith.constant 1 : i32
        %neg3A_50 = arith.subi %neg3A, %neg3A_49 : i32
        %jit3A = arith.constant 1 : i32
        %broadcast_in_dim3A = vector.broadcast %jit3A : i32 to vector<16xi32>
        %broadcast_in_dim3A_51 = vector.broadcast %neg3A_50 : i32 to vector<16xi32>
        %select_n3A = arith.select %ge3A_48, %broadcast_in_dim3A, %broadcast_in_dim3A_51 : vector<16xi1>, vector<16xi32>
        %ge3A_52 = arith.constant 0.000000e+00 : f32
        %ge3A_53 = vector.broadcast %ge3A_52 : f32 to vector<16xf32>
        %ge3A_54 = arith.cmpf oge, %gather3A_34, %ge3A_53 : vector<16xf32>
        %jit3A_55 = arith.constant 3 : i32
        %jit3A_56 = arith.constant -3 : i32
        %broadcast_in_dim3A_57 = vector.broadcast %jit3A_55 : i32 to vector<16xi32>
        %broadcast_in_dim3A_58 = vector.broadcast %jit3A_56 : i32 to vector<16xi32>
        %select_n3A_59 = arith.select %ge3A_54, %broadcast_in_dim3A_57, %broadcast_in_dim3A_58 : vector<16xi1>, vector<16xi32>
        %ge3A_60 = arith.constant 0.000000e+00 : f32
        %ge3A_61 = vector.broadcast %ge3A_60 : f32 to vector<16xf32>
        %ge3A_62 = arith.cmpf oge, %gather3A_38, %ge3A_61 : vector<16xf32>
        %jit3A_63 = arith.constant 9 : i32
        %jit3A_64 = arith.constant -9 : i32
        %broadcast_in_dim3A_65 = vector.broadcast %jit3A_63 : i32 to vector<16xi32>
        %broadcast_in_dim3A_66 = vector.broadcast %jit3A_64 : i32 to vector<16xi32>
        %select_n3A_67 = arith.select %ge3A_62, %broadcast_in_dim3A_65, %broadcast_in_dim3A_66 : vector<16xi1>, vector<16xi32>
        %add3A_68 = arith.addi %select_n3A, %select_n3A_59 : vector<16xi32>
        %add3A_69 = arith.addi %add3A_68, %select_n3A_67 : vector<16xi32>
        %lt3A = arith.cmpf olt, %abs3A_39, %abs3A : vector<16xf32>
        %select_n3A_70 = arith.select %lt3A, %select_n3A_59, %select_n3A : vector<16xi1>, vector<16xi32>
        %select_n3A_71 = arith.select %lt3A, %abs3A_39, %abs3A : vector<16xi1>, vector<16xf32>
        %lt3A_72 = arith.cmpf olt, %abs3A_40, %select_n3A_71 : vector<16xf32>
        %select_n3A_73 = arith.select %lt3A_72, %select_n3A_67, %select_n3A_70 : vector<16xi1>, vector<16xi32>
        %ge3A_74 = arith.cmpf oge, %abs3A_39, %abs3A : vector<16xf32>
        %select_n3A_75 = arith.select %ge3A_74, %select_n3A_59, %select_n3A : vector<16xi1>, vector<16xi32>
        %select_n3A_76 = arith.select %ge3A_74, %abs3A_39, %abs3A : vector<16xi1>, vector<16xf32>
        %ge3A_77 = arith.cmpf oge, %abs3A_40, %select_n3A_76 : vector<16xf32>
        %select_n3A_78 = arith.select %ge3A_77, %select_n3A_67, %select_n3A_75 : vector<16xi1>, vector<16xi32>
        %mul3A_79 = arith.constant 27 : i32
        %mul3A_80 = vector.broadcast %mul3A_79 : i32 to vector<16xi32>
        %mul3A_81 = arith.muli %and3A_2, %mul3A_80 : vector<16xi32>
        %add3A_82 = arith.constant 13 : i32
        %add3A_83 = vector.broadcast %add3A_82 : i32 to vector<16xi32>
        %add3A_84 = arith.addi %mul3A_81, %add3A_83 : vector<16xi32>
        %add3A_85 = arith.addi %add3A_84, %add3A_69 : vector<16xi32>
        %mul3A_86 = arith.constant 65 : i32
        %mul3A_87 = vector.broadcast %mul3A_86 : i32 to vector<16xi32>
        %mul3A_88 = arith.muli %add3A_85, %mul3A_87 : vector<16xi32>
        %sub3A = arith.subi %add3A_69, %select_n3A_73 : vector<16xi32>
        %add3A_89 = arith.addi %add3A_84, %sub3A : vector<16xi32>
        %mul3A_90 = arith.constant 65 : i32
        %mul3A_91 = vector.broadcast %mul3A_90 : i32 to vector<16xi32>
        %mul3A_92 = arith.muli %add3A_89, %mul3A_91 : vector<16xi32>
        %add3A_93 = arith.addi %add3A_84, %select_n3A_78 : vector<16xi32>
        %mul3A_94 = arith.constant 65 : i32
        %mul3A_95 = vector.broadcast %mul3A_94 : i32 to vector<16xi32>
        %mul3A_96 = arith.muli %add3A_93, %mul3A_95 : vector<16xi32>
        %sub3A_97 = arith.subf %max3A_46, %min3A_41 : vector<16xf32>
        %sub3A_98 = arith.subf %max3A_42, %max3A_46 : vector<16xf32>
        %shift_right_logical3A = arith.constant 2 : i32
        %shift_right_logical3A_99 = vector.broadcast %shift_right_logical3A : i32 to vector<16xi32>
        %shift_right_logical3A_100 = arith.shrui %add3A_27, %shift_right_logical3A_99 : vector<16xi32>
        %mul3A_101 = arith.constant 64 : i32
        %mul3A_102 = vector.broadcast %mul3A_101 : i32 to vector<16xi32>
        %mul3A_103 = arith.muli %and3A_2, %mul3A_102 : vector<16xi32>
        %add3A_104 = arith.constant 0 : i32
        %add3A_105 = vector.broadcast %add3A_104 : i32 to vector<16xi32>
        %add3A_106 = arith.addi %iota3A, %add3A_105 : vector<16xi32>
        %and3A_107 = arith.constant 63 : i32
        %and3A_108 = vector.broadcast %and3A_107 : i32 to vector<16xi32>
        %and3A_109 = arith.andi %add3A_106, %and3A_108 : vector<16xi32>
        %add3A_110 = arith.addi %mul3A_88, %and3A_109 : vector<16xi32>
        %gather3A_111 = tpu.vector_load_idx %arg6[%add3A_110] : memref<7020xf32, #tpu.memory_space<vmem>>[vector<16xi32>], vector<16xf32>,
        %add3A_112 = arith.addi %mul3A_92, %and3A_109 : vector<16xi32>
        %gather3A_113 = tpu.vector_load_idx %arg6[%add3A_112] : memref<7020xf32, #tpu.memory_space<vmem>>[vector<16xi32>], vector<16xf32>,
        %add3A_114 = arith.addi %mul3A_96, %and3A_109 : vector<16xi32>
        %gather3A_115 = tpu.vector_load_idx %arg6[%add3A_114] : memref<7020xf32, #tpu.memory_space<vmem>>[vector<16xi32>], vector<16xf32>,
        %mul3A_116 = arith.mulf %min3A_41, %gather3A_111 : vector<16xf32>
        %mul3A_117 = arith.mulf %sub3A_97, %gather3A_113 : vector<16xf32>
        %add3A_118 = arith.addf %mul3A_116, %mul3A_117 : vector<16xf32>
        %mul3A_119 = arith.mulf %sub3A_98, %gather3A_115 : vector<16xf32>
        %add3A_120 = arith.addf %add3A_118, %mul3A_119 : vector<16xf32>
        %add3A_121 = arith.addi %mul3A_103, %and3A_109 : vector<16xi32>
        tpu.vector_store_idx %arg7[%shift_right_logical3A_100, %add3A_121], %add3A_120 : memref<256x256xf32, #tpu.memory_space<vmem>>[vector<16xi32>, vector<16xi32>], vector<16xf32>,
        %add3A_122 = arith.constant 1 : i32
        %add3A_123 = vector.broadcast %add3A_122 : i32 to vector<16xi32>
        %add3A_124 = arith.addi %iota3A, %add3A_123 : vector<16xi32>
        %and3A_125 = arith.constant 63 : i32
        %and3A_126 = vector.broadcast %and3A_125 : i32 to vector<16xi32>
        %and3A_127 = arith.andi %add3A_124, %and3A_126 : vector<16xi32>
        %add3A_128 = arith.addi %mul3A_88, %and3A_127 : vector<16xi32>
        %gather3A_129 = tpu.vector_load_idx %arg6[%add3A_128] : memref<7020xf32, #tpu.memory_space<vmem>>[vector<16xi32>], vector<16xf32>,
        %add3A_130 = arith.addi %mul3A_92, %and3A_127 : vector<16xi32>
        %gather3A_131 = tpu.vector_load_idx %arg6[%add3A_130] : memref<7020xf32, #tpu.memory_space<vmem>>[vector<16xi32>], vector<16xf32>,
        %add3A_132 = arith.addi %mul3A_96, %and3A_127 : vector<16xi32>
        %gather3A_133 = tpu.vector_load_idx %arg6[%add3A_132] : memref<7020xf32, #tpu.memory_space<vmem>>[vector<16xi32>], vector<16xf32>,
        %mul3A_134 = arith.mulf %min3A_41, %gather3A_129 : vector<16xf32>
        %mul3A_135 = arith.mulf %sub3A_97, %gather3A_131 : vector<16xf32>
        %add3A_136 = arith.addf %mul3A_134, %mul3A_135 : vector<16xf32>
        %mul3A_137 = arith.mulf %sub3A_98, %gather3A_133 : vector<16xf32>
        %add3A_138 = arith.addf %add3A_136, %mul3A_137 : vector<16xf32>
        %add3A_139 = arith.addi %mul3A_103, %and3A_127 : vector<16xi32>
        tpu.vector_store_idx %arg7[%shift_right_logical3A_100, %add3A_139], %add3A_138 : memref<256x256xf32, #tpu.memory_space<vmem>>[vector<16xi32>, vector<16xi32>], vector<16xf32>,
        %add3A_140 = arith.constant 2 : i32
        %add3A_141 = vector.broadcast %add3A_140 : i32 to vector<16xi32>
        %add3A_142 = arith.addi %iota3A, %add3A_141 : vector<16xi32>
        %and3A_143 = arith.constant 63 : i32
        %and3A_144 = vector.broadcast %and3A_143 : i32 to vector<16xi32>
        %and3A_145 = arith.andi %add3A_142, %and3A_144 : vector<16xi32>
        %add3A_146 = arith.addi %mul3A_88, %and3A_145 : vector<16xi32>
        %gather3A_147 = tpu.vector_load_idx %arg6[%add3A_146] : memref<7020xf32, #tpu.memory_space<vmem>>[vector<16xi32>], vector<16xf32>,
        %add3A_148 = arith.addi %mul3A_92, %and3A_145 : vector<16xi32>
        %gather3A_149 = tpu.vector_load_idx %arg6[%add3A_148] : memref<7020xf32, #tpu.memory_space<vmem>>[vector<16xi32>], vector<16xf32>,
        %add3A_150 = arith.addi %mul3A_96, %and3A_145 : vector<16xi32>
        %gather3A_151 = tpu.vector_load_idx %arg6[%add3A_150] : memref<7020xf32, #tpu.memory_space<vmem>>[vector<16xi32>], vector<16xf32>,
        %mul3A_152 = arith.mulf %min3A_41, %gather3A_147 : vector<16xf32>
        %mul3A_153 = arith.mulf %sub3A_97, %gather3A_149 : vector<16xf32>
        %add3A_154 = arith.addf %mul3A_152, %mul3A_153 : vector<16xf32>
        %mul3A_155 = arith.mulf %sub3A_98, %gather3A_151 : vector<16xf32>
        %add3A_156 = arith.addf %add3A_154, %mul3A_155 : vector<16xf32>
        %add3A_157 = arith.addi %mul3A_103, %and3A_145 : vector<16xi32>
        tpu.vector_store_idx %arg7[%shift_right_logical3A_100, %add3A_157], %add3A_156 : memref<256x256xf32, #tpu.memory_space<vmem>>[vector<16xi32>, vector<16xi32>], vector<16xf32>,
        %add3A_158 = arith.constant 3 : i32
        %add3A_159 = vector.broadcast %add3A_158 : i32 to vector<16xi32>
        %add3A_160 = arith.addi %iota3A, %add3A_159 : vector<16xi32>
        %and3A_161 = arith.constant 63 : i32
        %and3A_162 = vector.broadcast %and3A_161 : i32 to vector<16xi32>
        %and3A_163 = arith.andi %add3A_160, %and3A_162 : vector<16xi32>
        %add3A_164 = arith.addi %mul3A_88, %and3A_163 : vector<16xi32>
        %gather3A_165 = tpu.vector_load_idx %arg6[%add3A_164] : memref<7020xf32, #tpu.memory_space<vmem>>[vector<16xi32>], vector<16xf32>,
        %add3A_166 = arith.addi %mul3A_92, %and3A_163 : vector<16xi32>
        %gather3A_167 = tpu.vector_load_idx %arg6[%add3A_166] : memref<7020xf32, #tpu.memory_space<vmem>>[vector<16xi32>], vector<16xf32>,
        %add3A_168 = arith.addi %mul3A_96, %and3A_163 : vector<16xi32>
        %gather3A_169 = tpu.vector_load_idx %arg6[%add3A_168] : memref<7020xf32, #tpu.memory_space<vmem>>[vector<16xi32>], vector<16xf32>,
        %mul3A_170 = arith.mulf %min3A_41, %gather3A_165 : vector<16xf32>
        %mul3A_171 = arith.mulf %sub3A_97, %gather3A_167 : vector<16xf32>
        %add3A_172 = arith.addf %mul3A_170, %mul3A_171 : vector<16xf32>
        %mul3A_173 = arith.mulf %sub3A_98, %gather3A_169 : vector<16xf32>
        %add3A_174 = arith.addf %add3A_172, %mul3A_173 : vector<16xf32>
        %add3A_175 = arith.addi %mul3A_103, %and3A_163 : vector<16xi32>
        tpu.vector_store_idx %arg7[%shift_right_logical3A_100, %add3A_175], %add3A_174 : memref<256x256xf32, #tpu.memory_space<vmem>>[vector<16xi32>, vector<16xi32>], vector<16xf32>,
        %add3A_176 = arith.constant 4 : i32
        %add3A_177 = vector.broadcast %add3A_176 : i32 to vector<16xi32>
        %add3A_178 = arith.addi %iota3A, %add3A_177 : vector<16xi32>
        %and3A_179 = arith.constant 63 : i32
        %and3A_180 = vector.broadcast %and3A_179 : i32 to vector<16xi32>
        %and3A_181 = arith.andi %add3A_178, %and3A_180 : vector<16xi32>
        %add3A_182 = arith.addi %mul3A_88, %and3A_181 : vector<16xi32>
        %gather3A_183 = tpu.vector_load_idx %arg6[%add3A_182] : memref<7020xf32, #tpu.memory_space<vmem>>[vector<16xi32>], vector<16xf32>,
        %add3A_184 = arith.addi %mul3A_92, %and3A_181 : vector<16xi32>
        %gather3A_185 = tpu.vector_load_idx %arg6[%add3A_184] : memref<7020xf32, #tpu.memory_space<vmem>>[vector<16xi32>], vector<16xf32>,
        %add3A_186 = arith.addi %mul3A_96, %and3A_181 : vector<16xi32>
        %gather3A_187 = tpu.vector_load_idx %arg6[%add3A_186] : memref<7020xf32, #tpu.memory_space<vmem>>[vector<16xi32>], vector<16xf32>,
        %mul3A_188 = arith.mulf %min3A_41, %gather3A_183 : vector<16xf32>
        %mul3A_189 = arith.mulf %sub3A_97, %gather3A_185 : vector<16xf32>
        %add3A_190 = arith.addf %mul3A_188, %mul3A_189 : vector<16xf32>
        %mul3A_191 = arith.mulf %sub3A_98, %gather3A_187 : vector<16xf32>
        %add3A_192 = arith.addf %add3A_190, %mul3A_191 : vector<16xf32>
        %add3A_193 = arith.addi %mul3A_103, %and3A_181 : vector<16xi32>
        tpu.vector_store_idx %arg7[%shift_right_logical3A_100, %add3A_193], %add3A_192 : memref<256x256xf32, #tpu.memory_space<vmem>>[vector<16xi32>, vector<16xi32>], vector<16xf32>,
        %add3A_194 = arith.constant 5 : i32
        %add3A_195 = vector.broadcast %add3A_194 : i32 to vector<16xi32>
        %add3A_196 = arith.addi %iota3A, %add3A_195 : vector<16xi32>
        %and3A_197 = arith.constant 63 : i32
        %and3A_198 = vector.broadcast %and3A_197 : i32 to vector<16xi32>
        %and3A_199 = arith.andi %add3A_196, %and3A_198 : vector<16xi32>
        %add3A_200 = arith.addi %mul3A_88, %and3A_199 : vector<16xi32>
        %gather3A_201 = tpu.vector_load_idx %arg6[%add3A_200] : memref<7020xf32, #tpu.memory_space<vmem>>[vector<16xi32>], vector<16xf32>,
        %add3A_202 = arith.addi %mul3A_92, %and3A_199 : vector<16xi32>
        %gather3A_203 = tpu.vector_load_idx %arg6[%add3A_202] : memref<7020xf32, #tpu.memory_space<vmem>>[vector<16xi32>], vector<16xf32>,
        %add3A_204 = arith.addi %mul3A_96, %and3A_199 : vector<16xi32>
        %gather3A_205 = tpu.vector_load_idx %arg6[%add3A_204] : memref<7020xf32, #tpu.memory_space<vmem>>[vector<16xi32>], vector<16xf32>,
        %mul3A_206 = arith.mulf %min3A_41, %gather3A_201 : vector<16xf32>
        %mul3A_207 = arith.mulf %sub3A_97, %gather3A_203 : vector<16xf32>
        %add3A_208 = arith.addf %mul3A_206, %mul3A_207 : vector<16xf32>
        %mul3A_209 = arith.mulf %sub3A_98, %gather3A_205 : vector<16xf32>
        %add3A_210 = arith.addf %add3A_208, %mul3A_209 : vector<16xf32>
        %add3A_211 = arith.addi %mul3A_103, %and3A_199 : vector<16xi32>
        tpu.vector_store_idx %arg7[%shift_right_logical3A_100, %add3A_211], %add3A_210 : memref<256x256xf32, #tpu.memory_space<vmem>>[vector<16xi32>, vector<16xi32>], vector<16xf32>,
        %add3A_212 = arith.constant 6 : i32
        %add3A_213 = vector.broadcast %add3A_212 : i32 to vector<16xi32>
        %add3A_214 = arith.addi %iota3A, %add3A_213 : vector<16xi32>
        %and3A_215 = arith.constant 63 : i32
        %and3A_216 = vector.broadcast %and3A_215 : i32 to vector<16xi32>
        %and3A_217 = arith.andi %add3A_214, %and3A_216 : vector<16xi32>
        %add3A_218 = arith.addi %mul3A_88, %and3A_217 : vector<16xi32>
        %gather3A_219 = tpu.vector_load_idx %arg6[%add3A_218] : memref<7020xf32, #tpu.memory_space<vmem>>[vector<16xi32>], vector<16xf32>,
        %add3A_220 = arith.addi %mul3A_92, %and3A_217 : vector<16xi32>
        %gather3A_221 = tpu.vector_load_idx %arg6[%add3A_220] : memref<7020xf32, #tpu.memory_space<vmem>>[vector<16xi32>], vector<16xf32>,
        %add3A_222 = arith.addi %mul3A_96, %and3A_217 : vector<16xi32>
        %gather3A_223 = tpu.vector_load_idx %arg6[%add3A_222] : memref<7020xf32, #tpu.memory_space<vmem>>[vector<16xi32>], vector<16xf32>,
        %mul3A_224 = arith.mulf %min3A_41, %gather3A_219 : vector<16xf32>
        %mul3A_225 = arith.mulf %sub3A_97, %gather3A_221 : vector<16xf32>
        %add3A_226 = arith.addf %mul3A_224, %mul3A_225 : vector<16xf32>
        %mul3A_227 = arith.mulf %sub3A_98, %gather3A_223 : vector<16xf32>
        %add3A_228 = arith.addf %add3A_226, %mul3A_227 : vector<16xf32>
        %add3A_229 = arith.addi %mul3A_103, %and3A_217 : vector<16xi32>
        tpu.vector_store_idx %arg7[%shift_right_logical3A_100, %add3A_229], %add3A_228 : memref<256x256xf32, #tpu.memory_space<vmem>>[vector<16xi32>, vector<16xi32>], vector<16xf32>,
        %add3A_230 = arith.constant 7 : i32
        %add3A_231 = vector.broadcast %add3A_230 : i32 to vector<16xi32>
        %add3A_232 = arith.addi %iota3A, %add3A_231 : vector<16xi32>
        %and3A_233 = arith.constant 63 : i32
        %and3A_234 = vector.broadcast %and3A_233 : i32 to vector<16xi32>
        %and3A_235 = arith.andi %add3A_232, %and3A_234 : vector<16xi32>
        %add3A_236 = arith.addi %mul3A_88, %and3A_235 : vector<16xi32>
        %gather3A_237 = tpu.vector_load_idx %arg6[%add3A_236] : memref<7020xf32, #tpu.memory_space<vmem>>[vector<16xi32>], vector<16xf32>,
        %add3A_238 = arith.addi %mul3A_92, %and3A_235 : vector<16xi32>
        %gather3A_239 = tpu.vector_load_idx %arg6[%add3A_238] : memref<7020xf32, #tpu.memory_space<vmem>>[vector<16xi32>], vector<16xf32>,
        %add3A_240 = arith.addi %mul3A_96, %and3A_235 : vector<16xi32>
        %gather3A_241 = tpu.vector_load_idx %arg6[%add3A_240] : memref<7020xf32, #tpu.memory_space<vmem>>[vector<16xi32>], vector<16xf32>,
        %mul3A_242 = arith.mulf %min3A_41, %gather3A_237 : vector<16xf32>
        %mul3A_243 = arith.mulf %sub3A_97, %gather3A_239 : vector<16xf32>
        %add3A_244 = arith.addf %mul3A_242, %mul3A_243 : vector<16xf32>
        %mul3A_245 = arith.mulf %sub3A_98, %gather3A_241 : vector<16xf32>
        %add3A_246 = arith.addf %add3A_244, %mul3A_245 : vector<16xf32>
        %add3A_247 = arith.addi %mul3A_103, %and3A_235 : vector<16xi32>
        tpu.vector_store_idx %arg7[%shift_right_logical3A_100, %add3A_247], %add3A_246 : memref<256x256xf32, #tpu.memory_space<vmem>>[vector<16xi32>, vector<16xi32>], vector<16xf32>,
        %add3A_248 = arith.constant 8 : i32
        %add3A_249 = vector.broadcast %add3A_248 : i32 to vector<16xi32>
        %add3A_250 = arith.addi %iota3A, %add3A_249 : vector<16xi32>
        %and3A_251 = arith.constant 63 : i32
        %and3A_252 = vector.broadcast %and3A_251 : i32 to vector<16xi32>
        %and3A_253 = arith.andi %add3A_250, %and3A_252 : vector<16xi32>
        %add3A_254 = arith.addi %mul3A_88, %and3A_253 : vector<16xi32>
        %gather3A_255 = tpu.vector_load_idx %arg6[%add3A_254] : memref<7020xf32, #tpu.memory_space<vmem>>[vector<16xi32>], vector<16xf32>,
        %add3A_256 = arith.addi %mul3A_92, %and3A_253 : vector<16xi32>
        %gather3A_257 = tpu.vector_load_idx %arg6[%add3A_256] : memref<7020xf32, #tpu.memory_space<vmem>>[vector<16xi32>], vector<16xf32>,
        %add3A_258 = arith.addi %mul3A_96, %and3A_253 : vector<16xi32>
        %gather3A_259 = tpu.vector_load_idx %arg6[%add3A_258] : memref<7020xf32, #tpu.memory_space<vmem>>[vector<16xi32>], vector<16xf32>,
        %mul3A_260 = arith.mulf %min3A_41, %gather3A_255 : vector<16xf32>
        %mul3A_261 = arith.mulf %sub3A_97, %gather3A_257 : vector<16xf32>
        %add3A_262 = arith.addf %mul3A_260, %mul3A_261 : vector<16xf32>
        %mul3A_263 = arith.mulf %sub3A_98, %gather3A_259 : vector<16xf32>
        %add3A_264 = arith.addf %add3A_262, %mul3A_263 : vector<16xf32>
        %add3A_265 = arith.addi %mul3A_103, %and3A_253 : vector<16xi32>
        tpu.vector_store_idx %arg7[%shift_right_logical3A_100, %add3A_265], %add3A_264 : memref<256x256xf32, #tpu.memory_space<vmem>>[vector<16xi32>, vector<16xi32>], vector<16xf32>,
        %add3A_266 = arith.constant 9 : i32
        %add3A_267 = vector.broadcast %add3A_266 : i32 to vector<16xi32>
        %add3A_268 = arith.addi %iota3A, %add3A_267 : vector<16xi32>
        %and3A_269 = arith.constant 63 : i32
        %and3A_270 = vector.broadcast %and3A_269 : i32 to vector<16xi32>
        %and3A_271 = arith.andi %add3A_268, %and3A_270 : vector<16xi32>
        %add3A_272 = arith.addi %mul3A_88, %and3A_271 : vector<16xi32>
        %gather3A_273 = tpu.vector_load_idx %arg6[%add3A_272] : memref<7020xf32, #tpu.memory_space<vmem>>[vector<16xi32>], vector<16xf32>,
        %add3A_274 = arith.addi %mul3A_92, %and3A_271 : vector<16xi32>
        %gather3A_275 = tpu.vector_load_idx %arg6[%add3A_274] : memref<7020xf32, #tpu.memory_space<vmem>>[vector<16xi32>], vector<16xf32>,
        %add3A_276 = arith.addi %mul3A_96, %and3A_271 : vector<16xi32>
        %gather3A_277 = tpu.vector_load_idx %arg6[%add3A_276] : memref<7020xf32, #tpu.memory_space<vmem>>[vector<16xi32>], vector<16xf32>,
        %mul3A_278 = arith.mulf %min3A_41, %gather3A_273 : vector<16xf32>
        %mul3A_279 = arith.mulf %sub3A_97, %gather3A_275 : vector<16xf32>
        %add3A_280 = arith.addf %mul3A_278, %mul3A_279 : vector<16xf32>
        %mul3A_281 = arith.mulf %sub3A_98, %gather3A_277 : vector<16xf32>
        %add3A_282 = arith.addf %add3A_280, %mul3A_281 : vector<16xf32>
        %add3A_283 = arith.addi %mul3A_103, %and3A_271 : vector<16xi32>
        tpu.vector_store_idx %arg7[%shift_right_logical3A_100, %add3A_283], %add3A_282 : memref<256x256xf32, #tpu.memory_space<vmem>>[vector<16xi32>, vector<16xi32>], vector<16xf32>,
        %add3A_284 = arith.constant 10 : i32
        %add3A_285 = vector.broadcast %add3A_284 : i32 to vector<16xi32>
        %add3A_286 = arith.addi %iota3A, %add3A_285 : vector<16xi32>
        %and3A_287 = arith.constant 63 : i32
        %and3A_288 = vector.broadcast %and3A_287 : i32 to vector<16xi32>
        %and3A_289 = arith.andi %add3A_286, %and3A_288 : vector<16xi32>
        %add3A_290 = arith.addi %mul3A_88, %and3A_289 : vector<16xi32>
        %gather3A_291 = tpu.vector_load_idx %arg6[%add3A_290] : memref<7020xf32, #tpu.memory_space<vmem>>[vector<16xi32>], vector<16xf32>,
        %add3A_292 = arith.addi %mul3A_92, %and3A_289 : vector<16xi32>
        %gather3A_293 = tpu.vector_load_idx %arg6[%add3A_292] : memref<7020xf32, #tpu.memory_space<vmem>>[vector<16xi32>], vector<16xf32>,
        %add3A_294 = arith.addi %mul3A_96, %and3A_289 : vector<16xi32>
        %gather3A_295 = tpu.vector_load_idx %arg6[%add3A_294] : memref<7020xf32, #tpu.memory_space<vmem>>[vector<16xi32>], vector<16xf32>,
        %mul3A_296 = arith.mulf %min3A_41, %gather3A_291 : vector<16xf32>
        %mul3A_297 = arith.mulf %sub3A_97, %gather3A_293 : vector<16xf32>
        %add3A_298 = arith.addf %mul3A_296, %mul3A_297 : vector<16xf32>
        %mul3A_299 = arith.mulf %sub3A_98, %gather3A_295 : vector<16xf32>
        %add3A_300 = arith.addf %add3A_298, %mul3A_299 : vector<16xf32>
        %add3A_301 = arith.addi %mul3A_103, %and3A_289 : vector<16xi32>
        tpu.vector_store_idx %arg7[%shift_right_logical3A_100, %add3A_301], %add3A_300 : memref<256x256xf32, #tpu.memory_space<vmem>>[vector<16xi32>, vector<16xi32>], vector<16xf32>,
        %add3A_302 = arith.constant 11 : i32
        %add3A_303 = vector.broadcast %add3A_302 : i32 to vector<16xi32>
        %add3A_304 = arith.addi %iota3A, %add3A_303 : vector<16xi32>
        %and3A_305 = arith.constant 63 : i32
        %and3A_306 = vector.broadcast %and3A_305 : i32 to vector<16xi32>
        %and3A_307 = arith.andi %add3A_304, %and3A_306 : vector<16xi32>
        %add3A_308 = arith.addi %mul3A_88, %and3A_307 : vector<16xi32>
        %gather3A_309 = tpu.vector_load_idx %arg6[%add3A_308] : memref<7020xf32, #tpu.memory_space<vmem>>[vector<16xi32>], vector<16xf32>,
        %add3A_310 = arith.addi %mul3A_92, %and3A_307 : vector<16xi32>
        %gather3A_311 = tpu.vector_load_idx %arg6[%add3A_310] : memref<7020xf32, #tpu.memory_space<vmem>>[vector<16xi32>], vector<16xf32>,
        %add3A_312 = arith.addi %mul3A_96, %and3A_307 : vector<16xi32>
        %gather3A_313 = tpu.vector_load_idx %arg6[%add3A_312] : memref<7020xf32, #tpu.memory_space<vmem>>[vector<16xi32>], vector<16xf32>,
        %mul3A_314 = arith.mulf %min3A_41, %gather3A_309 : vector<16xf32>
        %mul3A_315 = arith.mulf %sub3A_97, %gather3A_311 : vector<16xf32>
        %add3A_316 = arith.addf %mul3A_314, %mul3A_315 : vector<16xf32>
        %mul3A_317 = arith.mulf %sub3A_98, %gather3A_313 : vector<16xf32>
        %add3A_318 = arith.addf %add3A_316, %mul3A_317 : vector<16xf32>
        %add3A_319 = arith.addi %mul3A_103, %and3A_307 : vector<16xi32>
        tpu.vector_store_idx %arg7[%shift_right_logical3A_100, %add3A_319], %add3A_318 : memref<256x256xf32, #tpu.memory_space<vmem>>[vector<16xi32>, vector<16xi32>], vector<16xf32>,
        %add3A_320 = arith.constant 12 : i32
        %add3A_321 = vector.broadcast %add3A_320 : i32 to vector<16xi32>
        %add3A_322 = arith.addi %iota3A, %add3A_321 : vector<16xi32>
        %and3A_323 = arith.constant 63 : i32
        %and3A_324 = vector.broadcast %and3A_323 : i32 to vector<16xi32>
        %and3A_325 = arith.andi %add3A_322, %and3A_324 : vector<16xi32>
        %add3A_326 = arith.addi %mul3A_88, %and3A_325 : vector<16xi32>
        %gather3A_327 = tpu.vector_load_idx %arg6[%add3A_326] : memref<7020xf32, #tpu.memory_space<vmem>>[vector<16xi32>], vector<16xf32>,
        %add3A_328 = arith.addi %mul3A_92, %and3A_325 : vector<16xi32>
        %gather3A_329 = tpu.vector_load_idx %arg6[%add3A_328] : memref<7020xf32, #tpu.memory_space<vmem>>[vector<16xi32>], vector<16xf32>,
        %add3A_330 = arith.addi %mul3A_96, %and3A_325 : vector<16xi32>
        %gather3A_331 = tpu.vector_load_idx %arg6[%add3A_330] : memref<7020xf32, #tpu.memory_space<vmem>>[vector<16xi32>], vector<16xf32>,
        %mul3A_332 = arith.mulf %min3A_41, %gather3A_327 : vector<16xf32>
        %mul3A_333 = arith.mulf %sub3A_97, %gather3A_329 : vector<16xf32>
        %add3A_334 = arith.addf %mul3A_332, %mul3A_333 : vector<16xf32>
        %mul3A_335 = arith.mulf %sub3A_98, %gather3A_331 : vector<16xf32>
        %add3A_336 = arith.addf %add3A_334, %mul3A_335 : vector<16xf32>
        %add3A_337 = arith.addi %mul3A_103, %and3A_325 : vector<16xi32>
        tpu.vector_store_idx %arg7[%shift_right_logical3A_100, %add3A_337], %add3A_336 : memref<256x256xf32, #tpu.memory_space<vmem>>[vector<16xi32>, vector<16xi32>], vector<16xf32>,
        %add3A_338 = arith.constant 13 : i32
        %add3A_339 = vector.broadcast %add3A_338 : i32 to vector<16xi32>
        %add3A_340 = arith.addi %iota3A, %add3A_339 : vector<16xi32>
        %and3A_341 = arith.constant 63 : i32
        %and3A_342 = vector.broadcast %and3A_341 : i32 to vector<16xi32>
        %and3A_343 = arith.andi %add3A_340, %and3A_342 : vector<16xi32>
        %add3A_344 = arith.addi %mul3A_88, %and3A_343 : vector<16xi32>
        %gather3A_345 = tpu.vector_load_idx %arg6[%add3A_344] : memref<7020xf32, #tpu.memory_space<vmem>>[vector<16xi32>], vector<16xf32>,
        %add3A_346 = arith.addi %mul3A_92, %and3A_343 : vector<16xi32>
        %gather3A_347 = tpu.vector_load_idx %arg6[%add3A_346] : memref<7020xf32, #tpu.memory_space<vmem>>[vector<16xi32>], vector<16xf32>,
        %add3A_348 = arith.addi %mul3A_96, %and3A_343 : vector<16xi32>
        %gather3A_349 = tpu.vector_load_idx %arg6[%add3A_348] : memref<7020xf32, #tpu.memory_space<vmem>>[vector<16xi32>], vector<16xf32>,
        %mul3A_350 = arith.mulf %min3A_41, %gather3A_345 : vector<16xf32>
        %mul3A_351 = arith.mulf %sub3A_97, %gather3A_347 : vector<16xf32>
        %add3A_352 = arith.addf %mul3A_350, %mul3A_351 : vector<16xf32>
        %mul3A_353 = arith.mulf %sub3A_98, %gather3A_349 : vector<16xf32>
        %add3A_354 = arith.addf %add3A_352, %mul3A_353 : vector<16xf32>
        %add3A_355 = arith.addi %mul3A_103, %and3A_343 : vector<16xi32>
        tpu.vector_store_idx %arg7[%shift_right_logical3A_100, %add3A_355], %add3A_354 : memref<256x256xf32, #tpu.memory_space<vmem>>[vector<16xi32>, vector<16xi32>], vector<16xf32>,
        %add3A_356 = arith.constant 14 : i32
        %add3A_357 = vector.broadcast %add3A_356 : i32 to vector<16xi32>
        %add3A_358 = arith.addi %iota3A, %add3A_357 : vector<16xi32>
        %and3A_359 = arith.constant 63 : i32
        %and3A_360 = vector.broadcast %and3A_359 : i32 to vector<16xi32>
        %and3A_361 = arith.andi %add3A_358, %and3A_360 : vector<16xi32>
        %add3A_362 = arith.addi %mul3A_88, %and3A_361 : vector<16xi32>
        %gather3A_363 = tpu.vector_load_idx %arg6[%add3A_362] : memref<7020xf32, #tpu.memory_space<vmem>>[vector<16xi32>], vector<16xf32>,
        %add3A_364 = arith.addi %mul3A_92, %and3A_361 : vector<16xi32>
        %gather3A_365 = tpu.vector_load_idx %arg6[%add3A_364] : memref<7020xf32, #tpu.memory_space<vmem>>[vector<16xi32>], vector<16xf32>,
        %add3A_366 = arith.addi %mul3A_96, %and3A_361 : vector<16xi32>
        %gather3A_367 = tpu.vector_load_idx %arg6[%add3A_366] : memref<7020xf32, #tpu.memory_space<vmem>>[vector<16xi32>], vector<16xf32>,
        %mul3A_368 = arith.mulf %min3A_41, %gather3A_363 : vector<16xf32>
        %mul3A_369 = arith.mulf %sub3A_97, %gather3A_365 : vector<16xf32>
        %add3A_370 = arith.addf %mul3A_368, %mul3A_369 : vector<16xf32>
        %mul3A_371 = arith.mulf %sub3A_98, %gather3A_367 : vector<16xf32>
        %add3A_372 = arith.addf %add3A_370, %mul3A_371 : vector<16xf32>
        %add3A_373 = arith.addi %mul3A_103, %and3A_361 : vector<16xi32>
        tpu.vector_store_idx %arg7[%shift_right_logical3A_100, %add3A_373], %add3A_372 : memref<256x256xf32, #tpu.memory_space<vmem>>[vector<16xi32>, vector<16xi32>], vector<16xf32>,
        %add3A_374 = arith.constant 15 : i32
        %add3A_375 = vector.broadcast %add3A_374 : i32 to vector<16xi32>
        %add3A_376 = arith.addi %iota3A, %add3A_375 : vector<16xi32>
        %and3A_377 = arith.constant 63 : i32
        %and3A_378 = vector.broadcast %and3A_377 : i32 to vector<16xi32>
        %and3A_379 = arith.andi %add3A_376, %and3A_378 : vector<16xi32>
        %add3A_380 = arith.addi %mul3A_88, %and3A_379 : vector<16xi32>
        %gather3A_381 = tpu.vector_load_idx %arg6[%add3A_380] : memref<7020xf32, #tpu.memory_space<vmem>>[vector<16xi32>], vector<16xf32>,
        %add3A_382 = arith.addi %mul3A_92, %and3A_379 : vector<16xi32>
        %gather3A_383 = tpu.vector_load_idx %arg6[%add3A_382] : memref<7020xf32, #tpu.memory_space<vmem>>[vector<16xi32>], vector<16xf32>,
        %add3A_384 = arith.addi %mul3A_96, %and3A_379 : vector<16xi32>
        %gather3A_385 = tpu.vector_load_idx %arg6[%add3A_384] : memref<7020xf32, #tpu.memory_space<vmem>>[vector<16xi32>], vector<16xf32>,
        %mul3A_386 = arith.mulf %min3A_41, %gather3A_381 : vector<16xf32>
        %mul3A_387 = arith.mulf %sub3A_97, %gather3A_383 : vector<16xf32>
        %add3A_388 = arith.addf %mul3A_386, %mul3A_387 : vector<16xf32>
        %mul3A_389 = arith.mulf %sub3A_98, %gather3A_385 : vector<16xf32>
        %add3A_390 = arith.addf %add3A_388, %mul3A_389 : vector<16xf32>
        %add3A_391 = arith.addi %mul3A_103, %and3A_379 : vector<16xi32>
        tpu.vector_store_idx %arg7[%shift_right_logical3A_100, %add3A_391], %add3A_390 : memref<256x256xf32, #tpu.memory_space<vmem>>[vector<16xi32>, vector<16xi32>], vector<16xf32>,
        %add3A_392 = arith.constant 16 : i32
        %add3A_393 = vector.broadcast %add3A_392 : i32 to vector<16xi32>
        %add3A_394 = arith.addi %iota3A, %add3A_393 : vector<16xi32>
        %and3A_395 = arith.constant 63 : i32
        %and3A_396 = vector.broadcast %and3A_395 : i32 to vector<16xi32>
        %and3A_397 = arith.andi %add3A_394, %and3A_396 : vector<16xi32>
        %add3A_398 = arith.addi %mul3A_88, %and3A_397 : vector<16xi32>
        %gather3A_399 = tpu.vector_load_idx %arg6[%add3A_398] : memref<7020xf32, #tpu.memory_space<vmem>>[vector<16xi32>], vector<16xf32>,
        %add3A_400 = arith.addi %mul3A_92, %and3A_397 : vector<16xi32>
        %gather3A_401 = tpu.vector_load_idx %arg6[%add3A_400] : memref<7020xf32, #tpu.memory_space<vmem>>[vector<16xi32>], vector<16xf32>,
        %add3A_402 = arith.addi %mul3A_96, %and3A_397 : vector<16xi32>
        %gather3A_403 = tpu.vector_load_idx %arg6[%add3A_402] : memref<7020xf32, #tpu.memory_space<vmem>>[vector<16xi32>], vector<16xf32>,
        %mul3A_404 = arith.mulf %min3A_41, %gather3A_399 : vector<16xf32>
        %mul3A_405 = arith.mulf %sub3A_97, %gather3A_401 : vector<16xf32>
        %add3A_406 = arith.addf %mul3A_404, %mul3A_405 : vector<16xf32>
        %mul3A_407 = arith.mulf %sub3A_98, %gather3A_403 : vector<16xf32>
        %add3A_408 = arith.addf %add3A_406, %mul3A_407 : vector<16xf32>
        %add3A_409 = arith.addi %mul3A_103, %and3A_397 : vector<16xi32>
        tpu.vector_store_idx %arg7[%shift_right_logical3A_100, %add3A_409], %add3A_408 : memref<256x256xf32, #tpu.memory_space<vmem>>[vector<16xi32>, vector<16xi32>], vector<16xf32>,
        %add3A_410 = arith.constant 17 : i32
        %add3A_411 = vector.broadcast %add3A_410 : i32 to vector<16xi32>
        %add3A_412 = arith.addi %iota3A, %add3A_411 : vector<16xi32>
        %and3A_413 = arith.constant 63 : i32
        %and3A_414 = vector.broadcast %and3A_413 : i32 to vector<16xi32>
        %and3A_415 = arith.andi %add3A_412, %and3A_414 : vector<16xi32>
        %add3A_416 = arith.addi %mul3A_88, %and3A_415 : vector<16xi32>
        %gather3A_417 = tpu.vector_load_idx %arg6[%add3A_416] : memref<7020xf32, #tpu.memory_space<vmem>>[vector<16xi32>], vector<16xf32>,
        %add3A_418 = arith.addi %mul3A_92, %and3A_415 : vector<16xi32>
        %gather3A_419 = tpu.vector_load_idx %arg6[%add3A_418] : memref<7020xf32, #tpu.memory_space<vmem>>[vector<16xi32>], vector<16xf32>,
        %add3A_420 = arith.addi %mul3A_96, %and3A_415 : vector<16xi32>
        %gather3A_421 = tpu.vector_load_idx %arg6[%add3A_420] : memref<7020xf32, #tpu.memory_space<vmem>>[vector<16xi32>], vector<16xf32>,
        %mul3A_422 = arith.mulf %min3A_41, %gather3A_417 : vector<16xf32>
        %mul3A_423 = arith.mulf %sub3A_97, %gather3A_419 : vector<16xf32>
        %add3A_424 = arith.addf %mul3A_422, %mul3A_423 : vector<16xf32>
        %mul3A_425 = arith.mulf %sub3A_98, %gather3A_421 : vector<16xf32>
        %add3A_426 = arith.addf %add3A_424, %mul3A_425 : vector<16xf32>
        %add3A_427 = arith.addi %mul3A_103, %and3A_415 : vector<16xi32>
        tpu.vector_store_idx %arg7[%shift_right_logical3A_100, %add3A_427], %add3A_426 : memref<256x256xf32, #tpu.memory_space<vmem>>[vector<16xi32>, vector<16xi32>], vector<16xf32>,
        %add3A_428 = arith.constant 18 : i32
        %add3A_429 = vector.broadcast %add3A_428 : i32 to vector<16xi32>
        %add3A_430 = arith.addi %iota3A, %add3A_429 : vector<16xi32>
        %and3A_431 = arith.constant 63 : i32
        %and3A_432 = vector.broadcast %and3A_431 : i32 to vector<16xi32>
        %and3A_433 = arith.andi %add3A_430, %and3A_432 : vector<16xi32>
        %add3A_434 = arith.addi %mul3A_88, %and3A_433 : vector<16xi32>
        %gather3A_435 = tpu.vector_load_idx %arg6[%add3A_434] : memref<7020xf32, #tpu.memory_space<vmem>>[vector<16xi32>], vector<16xf32>,
        %add3A_436 = arith.addi %mul3A_92, %and3A_433 : vector<16xi32>
        %gather3A_437 = tpu.vector_load_idx %arg6[%add3A_436] : memref<7020xf32, #tpu.memory_space<vmem>>[vector<16xi32>], vector<16xf32>,
        %add3A_438 = arith.addi %mul3A_96, %and3A_433 : vector<16xi32>
        %gather3A_439 = tpu.vector_load_idx %arg6[%add3A_438] : memref<7020xf32, #tpu.memory_space<vmem>>[vector<16xi32>], vector<16xf32>,
        %mul3A_440 = arith.mulf %min3A_41, %gather3A_435 : vector<16xf32>
        %mul3A_441 = arith.mulf %sub3A_97, %gather3A_437 : vector<16xf32>
        %add3A_442 = arith.addf %mul3A_440, %mul3A_441 : vector<16xf32>
        %mul3A_443 = arith.mulf %sub3A_98, %gather3A_439 : vector<16xf32>
        %add3A_444 = arith.addf %add3A_442, %mul3A_443 : vector<16xf32>
        %add3A_445 = arith.addi %mul3A_103, %and3A_433 : vector<16xi32>
        tpu.vector_store_idx %arg7[%shift_right_logical3A_100, %add3A_445], %add3A_444 : memref<256x256xf32, #tpu.memory_space<vmem>>[vector<16xi32>, vector<16xi32>], vector<16xf32>,
        %add3A_446 = arith.constant 19 : i32
        %add3A_447 = vector.broadcast %add3A_446 : i32 to vector<16xi32>
        %add3A_448 = arith.addi %iota3A, %add3A_447 : vector<16xi32>
        %and3A_449 = arith.constant 63 : i32
        %and3A_450 = vector.broadcast %and3A_449 : i32 to vector<16xi32>
        %and3A_451 = arith.andi %add3A_448, %and3A_450 : vector<16xi32>
        %add3A_452 = arith.addi %mul3A_88, %and3A_451 : vector<16xi32>
        %gather3A_453 = tpu.vector_load_idx %arg6[%add3A_452] : memref<7020xf32, #tpu.memory_space<vmem>>[vector<16xi32>], vector<16xf32>,
        %add3A_454 = arith.addi %mul3A_92, %and3A_451 : vector<16xi32>
        %gather3A_455 = tpu.vector_load_idx %arg6[%add3A_454] : memref<7020xf32, #tpu.memory_space<vmem>>[vector<16xi32>], vector<16xf32>,
        %add3A_456 = arith.addi %mul3A_96, %and3A_451 : vector<16xi32>
        %gather3A_457 = tpu.vector_load_idx %arg6[%add3A_456] : memref<7020xf32, #tpu.memory_space<vmem>>[vector<16xi32>], vector<16xf32>,
        %mul3A_458 = arith.mulf %min3A_41, %gather3A_453 : vector<16xf32>
        %mul3A_459 = arith.mulf %sub3A_97, %gather3A_455 : vector<16xf32>
        %add3A_460 = arith.addf %mul3A_458, %mul3A_459 : vector<16xf32>
        %mul3A_461 = arith.mulf %sub3A_98, %gather3A_457 : vector<16xf32>
        %add3A_462 = arith.addf %add3A_460, %mul3A_461 : vector<16xf32>
        %add3A_463 = arith.addi %mul3A_103, %and3A_451 : vector<16xi32>
        tpu.vector_store_idx %arg7[%shift_right_logical3A_100, %add3A_463], %add3A_462 : memref<256x256xf32, #tpu.memory_space<vmem>>[vector<16xi32>, vector<16xi32>], vector<16xf32>,
        %add3A_464 = arith.constant 20 : i32
        %add3A_465 = vector.broadcast %add3A_464 : i32 to vector<16xi32>
        %add3A_466 = arith.addi %iota3A, %add3A_465 : vector<16xi32>
        %and3A_467 = arith.constant 63 : i32
        %and3A_468 = vector.broadcast %and3A_467 : i32 to vector<16xi32>
        %and3A_469 = arith.andi %add3A_466, %and3A_468 : vector<16xi32>
        %add3A_470 = arith.addi %mul3A_88, %and3A_469 : vector<16xi32>
        %gather3A_471 = tpu.vector_load_idx %arg6[%add3A_470] : memref<7020xf32, #tpu.memory_space<vmem>>[vector<16xi32>], vector<16xf32>,
        %add3A_472 = arith.addi %mul3A_92, %and3A_469 : vector<16xi32>
        %gather3A_473 = tpu.vector_load_idx %arg6[%add3A_472] : memref<7020xf32, #tpu.memory_space<vmem>>[vector<16xi32>], vector<16xf32>,
        %add3A_474 = arith.addi %mul3A_96, %and3A_469 : vector<16xi32>
        %gather3A_475 = tpu.vector_load_idx %arg6[%add3A_474] : memref<7020xf32, #tpu.memory_space<vmem>>[vector<16xi32>], vector<16xf32>,
        %mul3A_476 = arith.mulf %min3A_41, %gather3A_471 : vector<16xf32>
        %mul3A_477 = arith.mulf %sub3A_97, %gather3A_473 : vector<16xf32>
        %add3A_478 = arith.addf %mul3A_476, %mul3A_477 : vector<16xf32>
        %mul3A_479 = arith.mulf %sub3A_98, %gather3A_475 : vector<16xf32>
        %add3A_480 = arith.addf %add3A_478, %mul3A_479 : vector<16xf32>
        %add3A_481 = arith.addi %mul3A_103, %and3A_469 : vector<16xi32>
        tpu.vector_store_idx %arg7[%shift_right_logical3A_100, %add3A_481], %add3A_480 : memref<256x256xf32, #tpu.memory_space<vmem>>[vector<16xi32>, vector<16xi32>], vector<16xf32>,
        %add3A_482 = arith.constant 21 : i32
        %add3A_483 = vector.broadcast %add3A_482 : i32 to vector<16xi32>
        %add3A_484 = arith.addi %iota3A, %add3A_483 : vector<16xi32>
        %and3A_485 = arith.constant 63 : i32
        %and3A_486 = vector.broadcast %and3A_485 : i32 to vector<16xi32>
        %and3A_487 = arith.andi %add3A_484, %and3A_486 : vector<16xi32>
        %add3A_488 = arith.addi %mul3A_88, %and3A_487 : vector<16xi32>
        %gather3A_489 = tpu.vector_load_idx %arg6[%add3A_488] : memref<7020xf32, #tpu.memory_space<vmem>>[vector<16xi32>], vector<16xf32>,
        %add3A_490 = arith.addi %mul3A_92, %and3A_487 : vector<16xi32>
        %gather3A_491 = tpu.vector_load_idx %arg6[%add3A_490] : memref<7020xf32, #tpu.memory_space<vmem>>[vector<16xi32>], vector<16xf32>,
        %add3A_492 = arith.addi %mul3A_96, %and3A_487 : vector<16xi32>
        %gather3A_493 = tpu.vector_load_idx %arg6[%add3A_492] : memref<7020xf32, #tpu.memory_space<vmem>>[vector<16xi32>], vector<16xf32>,
        %mul3A_494 = arith.mulf %min3A_41, %gather3A_489 : vector<16xf32>
        %mul3A_495 = arith.mulf %sub3A_97, %gather3A_491 : vector<16xf32>
        %add3A_496 = arith.addf %mul3A_494, %mul3A_495 : vector<16xf32>
        %mul3A_497 = arith.mulf %sub3A_98, %gather3A_493 : vector<16xf32>
        %add3A_498 = arith.addf %add3A_496, %mul3A_497 : vector<16xf32>
        %add3A_499 = arith.addi %mul3A_103, %and3A_487 : vector<16xi32>
        tpu.vector_store_idx %arg7[%shift_right_logical3A_100, %add3A_499], %add3A_498 : memref<256x256xf32, #tpu.memory_space<vmem>>[vector<16xi32>, vector<16xi32>], vector<16xf32>,
        %add3A_500 = arith.constant 22 : i32
        %add3A_501 = vector.broadcast %add3A_500 : i32 to vector<16xi32>
        %add3A_502 = arith.addi %iota3A, %add3A_501 : vector<16xi32>
        %and3A_503 = arith.constant 63 : i32
        %and3A_504 = vector.broadcast %and3A_503 : i32 to vector<16xi32>
        %and3A_505 = arith.andi %add3A_502, %and3A_504 : vector<16xi32>
        %add3A_506 = arith.addi %mul3A_88, %and3A_505 : vector<16xi32>
        %gather3A_507 = tpu.vector_load_idx %arg6[%add3A_506] : memref<7020xf32, #tpu.memory_space<vmem>>[vector<16xi32>], vector<16xf32>,
        %add3A_508 = arith.addi %mul3A_92, %and3A_505 : vector<16xi32>
        %gather3A_509 = tpu.vector_load_idx %arg6[%add3A_508] : memref<7020xf32, #tpu.memory_space<vmem>>[vector<16xi32>], vector<16xf32>,
        %add3A_510 = arith.addi %mul3A_96, %and3A_505 : vector<16xi32>
        %gather3A_511 = tpu.vector_load_idx %arg6[%add3A_510] : memref<7020xf32, #tpu.memory_space<vmem>>[vector<16xi32>], vector<16xf32>,
        %mul3A_512 = arith.mulf %min3A_41, %gather3A_507 : vector<16xf32>
        %mul3A_513 = arith.mulf %sub3A_97, %gather3A_509 : vector<16xf32>
        %add3A_514 = arith.addf %mul3A_512, %mul3A_513 : vector<16xf32>
        %mul3A_515 = arith.mulf %sub3A_98, %gather3A_511 : vector<16xf32>
        %add3A_516 = arith.addf %add3A_514, %mul3A_515 : vector<16xf32>
        %add3A_517 = arith.addi %mul3A_103, %and3A_505 : vector<16xi32>
        tpu.vector_store_idx %arg7[%shift_right_logical3A_100, %add3A_517], %add3A_516 : memref<256x256xf32, #tpu.memory_space<vmem>>[vector<16xi32>, vector<16xi32>], vector<16xf32>,
        %add3A_518 = arith.constant 23 : i32
        %add3A_519 = vector.broadcast %add3A_518 : i32 to vector<16xi32>
        %add3A_520 = arith.addi %iota3A, %add3A_519 : vector<16xi32>
        %and3A_521 = arith.constant 63 : i32
        %and3A_522 = vector.broadcast %and3A_521 : i32 to vector<16xi32>
        %and3A_523 = arith.andi %add3A_520, %and3A_522 : vector<16xi32>
        %add3A_524 = arith.addi %mul3A_88, %and3A_523 : vector<16xi32>
        %gather3A_525 = tpu.vector_load_idx %arg6[%add3A_524] : memref<7020xf32, #tpu.memory_space<vmem>>[vector<16xi32>], vector<16xf32>,
        %add3A_526 = arith.addi %mul3A_92, %and3A_523 : vector<16xi32>
        %gather3A_527 = tpu.vector_load_idx %arg6[%add3A_526] : memref<7020xf32, #tpu.memory_space<vmem>>[vector<16xi32>], vector<16xf32>,
        %add3A_528 = arith.addi %mul3A_96, %and3A_523 : vector<16xi32>
        %gather3A_529 = tpu.vector_load_idx %arg6[%add3A_528] : memref<7020xf32, #tpu.memory_space<vmem>>[vector<16xi32>], vector<16xf32>,
        %mul3A_530 = arith.mulf %min3A_41, %gather3A_525 : vector<16xf32>
        %mul3A_531 = arith.mulf %sub3A_97, %gather3A_527 : vector<16xf32>
        %add3A_532 = arith.addf %mul3A_530, %mul3A_531 : vector<16xf32>
        %mul3A_533 = arith.mulf %sub3A_98, %gather3A_529 : vector<16xf32>
        %add3A_534 = arith.addf %add3A_532, %mul3A_533 : vector<16xf32>
        %add3A_535 = arith.addi %mul3A_103, %and3A_523 : vector<16xi32>
        tpu.vector_store_idx %arg7[%shift_right_logical3A_100, %add3A_535], %add3A_534 : memref<256x256xf32, #tpu.memory_space<vmem>>[vector<16xi32>, vector<16xi32>], vector<16xf32>,
        %add3A_536 = arith.constant 24 : i32
        %add3A_537 = vector.broadcast %add3A_536 : i32 to vector<16xi32>
        %add3A_538 = arith.addi %iota3A, %add3A_537 : vector<16xi32>
        %and3A_539 = arith.constant 63 : i32
        %and3A_540 = vector.broadcast %and3A_539 : i32 to vector<16xi32>
        %and3A_541 = arith.andi %add3A_538, %and3A_540 : vector<16xi32>
        %add3A_542 = arith.addi %mul3A_88, %and3A_541 : vector<16xi32>
        %gather3A_543 = tpu.vector_load_idx %arg6[%add3A_542] : memref<7020xf32, #tpu.memory_space<vmem>>[vector<16xi32>], vector<16xf32>,
        %add3A_544 = arith.addi %mul3A_92, %and3A_541 : vector<16xi32>
        %gather3A_545 = tpu.vector_load_idx %arg6[%add3A_544] : memref<7020xf32, #tpu.memory_space<vmem>>[vector<16xi32>], vector<16xf32>,
        %add3A_546 = arith.addi %mul3A_96, %and3A_541 : vector<16xi32>
        %gather3A_547 = tpu.vector_load_idx %arg6[%add3A_546] : memref<7020xf32, #tpu.memory_space<vmem>>[vector<16xi32>], vector<16xf32>,
        %mul3A_548 = arith.mulf %min3A_41, %gather3A_543 : vector<16xf32>
        %mul3A_549 = arith.mulf %sub3A_97, %gather3A_545 : vector<16xf32>
        %add3A_550 = arith.addf %mul3A_548, %mul3A_549 : vector<16xf32>
        %mul3A_551 = arith.mulf %sub3A_98, %gather3A_547 : vector<16xf32>
        %add3A_552 = arith.addf %add3A_550, %mul3A_551 : vector<16xf32>
        %add3A_553 = arith.addi %mul3A_103, %and3A_541 : vector<16xi32>
        tpu.vector_store_idx %arg7[%shift_right_logical3A_100, %add3A_553], %add3A_552 : memref<256x256xf32, #tpu.memory_space<vmem>>[vector<16xi32>, vector<16xi32>], vector<16xf32>,
        %add3A_554 = arith.constant 25 : i32
        %add3A_555 = vector.broadcast %add3A_554 : i32 to vector<16xi32>
        %add3A_556 = arith.addi %iota3A, %add3A_555 : vector<16xi32>
        %and3A_557 = arith.constant 63 : i32
        %and3A_558 = vector.broadcast %and3A_557 : i32 to vector<16xi32>
        %and3A_559 = arith.andi %add3A_556, %and3A_558 : vector<16xi32>
        %add3A_560 = arith.addi %mul3A_88, %and3A_559 : vector<16xi32>
        %gather3A_561 = tpu.vector_load_idx %arg6[%add3A_560] : memref<7020xf32, #tpu.memory_space<vmem>>[vector<16xi32>], vector<16xf32>,
        %add3A_562 = arith.addi %mul3A_92, %and3A_559 : vector<16xi32>
        %gather3A_563 = tpu.vector_load_idx %arg6[%add3A_562] : memref<7020xf32, #tpu.memory_space<vmem>>[vector<16xi32>], vector<16xf32>,
        %add3A_564 = arith.addi %mul3A_96, %and3A_559 : vector<16xi32>
        %gather3A_565 = tpu.vector_load_idx %arg6[%add3A_564] : memref<7020xf32, #tpu.memory_space<vmem>>[vector<16xi32>], vector<16xf32>,
        %mul3A_566 = arith.mulf %min3A_41, %gather3A_561 : vector<16xf32>
        %mul3A_567 = arith.mulf %sub3A_97, %gather3A_563 : vector<16xf32>
        %add3A_568 = arith.addf %mul3A_566, %mul3A_567 : vector<16xf32>
        %mul3A_569 = arith.mulf %sub3A_98, %gather3A_565 : vector<16xf32>
        %add3A_570 = arith.addf %add3A_568, %mul3A_569 : vector<16xf32>
        %add3A_571 = arith.addi %mul3A_103, %and3A_559 : vector<16xi32>
        tpu.vector_store_idx %arg7[%shift_right_logical3A_100, %add3A_571], %add3A_570 : memref<256x256xf32, #tpu.memory_space<vmem>>[vector<16xi32>, vector<16xi32>], vector<16xf32>,
        %add3A_572 = arith.constant 26 : i32
        %add3A_573 = vector.broadcast %add3A_572 : i32 to vector<16xi32>
        %add3A_574 = arith.addi %iota3A, %add3A_573 : vector<16xi32>
        %and3A_575 = arith.constant 63 : i32
        %and3A_576 = vector.broadcast %and3A_575 : i32 to vector<16xi32>
        %and3A_577 = arith.andi %add3A_574, %and3A_576 : vector<16xi32>
        %add3A_578 = arith.addi %mul3A_88, %and3A_577 : vector<16xi32>
        %gather3A_579 = tpu.vector_load_idx %arg6[%add3A_578] : memref<7020xf32, #tpu.memory_space<vmem>>[vector<16xi32>], vector<16xf32>,
        %add3A_580 = arith.addi %mul3A_92, %and3A_577 : vector<16xi32>
        %gather3A_581 = tpu.vector_load_idx %arg6[%add3A_580] : memref<7020xf32, #tpu.memory_space<vmem>>[vector<16xi32>], vector<16xf32>,
        %add3A_582 = arith.addi %mul3A_96, %and3A_577 : vector<16xi32>
        %gather3A_583 = tpu.vector_load_idx %arg6[%add3A_582] : memref<7020xf32, #tpu.memory_space<vmem>>[vector<16xi32>], vector<16xf32>,
        %mul3A_584 = arith.mulf %min3A_41, %gather3A_579 : vector<16xf32>
        %mul3A_585 = arith.mulf %sub3A_97, %gather3A_581 : vector<16xf32>
        %add3A_586 = arith.addf %mul3A_584, %mul3A_585 : vector<16xf32>
        %mul3A_587 = arith.mulf %sub3A_98, %gather3A_583 : vector<16xf32>
        %add3A_588 = arith.addf %add3A_586, %mul3A_587 : vector<16xf32>
        %add3A_589 = arith.addi %mul3A_103, %and3A_577 : vector<16xi32>
        tpu.vector_store_idx %arg7[%shift_right_logical3A_100, %add3A_589], %add3A_588 : memref<256x256xf32, #tpu.memory_space<vmem>>[vector<16xi32>, vector<16xi32>], vector<16xf32>,
        %add3A_590 = arith.constant 27 : i32
        %add3A_591 = vector.broadcast %add3A_590 : i32 to vector<16xi32>
        %add3A_592 = arith.addi %iota3A, %add3A_591 : vector<16xi32>
        %and3A_593 = arith.constant 63 : i32
        %and3A_594 = vector.broadcast %and3A_593 : i32 to vector<16xi32>
        %and3A_595 = arith.andi %add3A_592, %and3A_594 : vector<16xi32>
        %add3A_596 = arith.addi %mul3A_88, %and3A_595 : vector<16xi32>
        %gather3A_597 = tpu.vector_load_idx %arg6[%add3A_596] : memref<7020xf32, #tpu.memory_space<vmem>>[vector<16xi32>], vector<16xf32>,
        %add3A_598 = arith.addi %mul3A_92, %and3A_595 : vector<16xi32>
        %gather3A_599 = tpu.vector_load_idx %arg6[%add3A_598] : memref<7020xf32, #tpu.memory_space<vmem>>[vector<16xi32>], vector<16xf32>,
        %add3A_600 = arith.addi %mul3A_96, %and3A_595 : vector<16xi32>
        %gather3A_601 = tpu.vector_load_idx %arg6[%add3A_600] : memref<7020xf32, #tpu.memory_space<vmem>>[vector<16xi32>], vector<16xf32>,
        %mul3A_602 = arith.mulf %min3A_41, %gather3A_597 : vector<16xf32>
        %mul3A_603 = arith.mulf %sub3A_97, %gather3A_599 : vector<16xf32>
        %add3A_604 = arith.addf %mul3A_602, %mul3A_603 : vector<16xf32>
        %mul3A_605 = arith.mulf %sub3A_98, %gather3A_601 : vector<16xf32>
        %add3A_606 = arith.addf %add3A_604, %mul3A_605 : vector<16xf32>
        %add3A_607 = arith.addi %mul3A_103, %and3A_595 : vector<16xi32>
        tpu.vector_store_idx %arg7[%shift_right_logical3A_100, %add3A_607], %add3A_606 : memref<256x256xf32, #tpu.memory_space<vmem>>[vector<16xi32>, vector<16xi32>], vector<16xf32>,
        %add3A_608 = arith.constant 28 : i32
        %add3A_609 = vector.broadcast %add3A_608 : i32 to vector<16xi32>
        %add3A_610 = arith.addi %iota3A, %add3A_609 : vector<16xi32>
        %and3A_611 = arith.constant 63 : i32
        %and3A_612 = vector.broadcast %and3A_611 : i32 to vector<16xi32>
        %and3A_613 = arith.andi %add3A_610, %and3A_612 : vector<16xi32>
        %add3A_614 = arith.addi %mul3A_88, %and3A_613 : vector<16xi32>
        %gather3A_615 = tpu.vector_load_idx %arg6[%add3A_614] : memref<7020xf32, #tpu.memory_space<vmem>>[vector<16xi32>], vector<16xf32>,
        %add3A_616 = arith.addi %mul3A_92, %and3A_613 : vector<16xi32>
        %gather3A_617 = tpu.vector_load_idx %arg6[%add3A_616] : memref<7020xf32, #tpu.memory_space<vmem>>[vector<16xi32>], vector<16xf32>,
        %add3A_618 = arith.addi %mul3A_96, %and3A_613 : vector<16xi32>
        %gather3A_619 = tpu.vector_load_idx %arg6[%add3A_618] : memref<7020xf32, #tpu.memory_space<vmem>>[vector<16xi32>], vector<16xf32>,
        %mul3A_620 = arith.mulf %min3A_41, %gather3A_615 : vector<16xf32>
        %mul3A_621 = arith.mulf %sub3A_97, %gather3A_617 : vector<16xf32>
        %add3A_622 = arith.addf %mul3A_620, %mul3A_621 : vector<16xf32>
        %mul3A_623 = arith.mulf %sub3A_98, %gather3A_619 : vector<16xf32>
        %add3A_624 = arith.addf %add3A_622, %mul3A_623 : vector<16xf32>
        %add3A_625 = arith.addi %mul3A_103, %and3A_613 : vector<16xi32>
        tpu.vector_store_idx %arg7[%shift_right_logical3A_100, %add3A_625], %add3A_624 : memref<256x256xf32, #tpu.memory_space<vmem>>[vector<16xi32>, vector<16xi32>], vector<16xf32>,
        %add3A_626 = arith.constant 29 : i32
        %add3A_627 = vector.broadcast %add3A_626 : i32 to vector<16xi32>
        %add3A_628 = arith.addi %iota3A, %add3A_627 : vector<16xi32>
        %and3A_629 = arith.constant 63 : i32
        %and3A_630 = vector.broadcast %and3A_629 : i32 to vector<16xi32>
        %and3A_631 = arith.andi %add3A_628, %and3A_630 : vector<16xi32>
        %add3A_632 = arith.addi %mul3A_88, %and3A_631 : vector<16xi32>
        %gather3A_633 = tpu.vector_load_idx %arg6[%add3A_632] : memref<7020xf32, #tpu.memory_space<vmem>>[vector<16xi32>], vector<16xf32>,
        %add3A_634 = arith.addi %mul3A_92, %and3A_631 : vector<16xi32>
        %gather3A_635 = tpu.vector_load_idx %arg6[%add3A_634] : memref<7020xf32, #tpu.memory_space<vmem>>[vector<16xi32>], vector<16xf32>,
        %add3A_636 = arith.addi %mul3A_96, %and3A_631 : vector<16xi32>
        %gather3A_637 = tpu.vector_load_idx %arg6[%add3A_636] : memref<7020xf32, #tpu.memory_space<vmem>>[vector<16xi32>], vector<16xf32>,
        %mul3A_638 = arith.mulf %min3A_41, %gather3A_633 : vector<16xf32>
        %mul3A_639 = arith.mulf %sub3A_97, %gather3A_635 : vector<16xf32>
        %add3A_640 = arith.addf %mul3A_638, %mul3A_639 : vector<16xf32>
        %mul3A_641 = arith.mulf %sub3A_98, %gather3A_637 : vector<16xf32>
        %add3A_642 = arith.addf %add3A_640, %mul3A_641 : vector<16xf32>
        %add3A_643 = arith.addi %mul3A_103, %and3A_631 : vector<16xi32>
        tpu.vector_store_idx %arg7[%shift_right_logical3A_100, %add3A_643], %add3A_642 : memref<256x256xf32, #tpu.memory_space<vmem>>[vector<16xi32>, vector<16xi32>], vector<16xf32>,
        %add3A_644 = arith.constant 30 : i32
        %add3A_645 = vector.broadcast %add3A_644 : i32 to vector<16xi32>
        %add3A_646 = arith.addi %iota3A, %add3A_645 : vector<16xi32>
        %and3A_647 = arith.constant 63 : i32
        %and3A_648 = vector.broadcast %and3A_647 : i32 to vector<16xi32>
        %and3A_649 = arith.andi %add3A_646, %and3A_648 : vector<16xi32>
        %add3A_650 = arith.addi %mul3A_88, %and3A_649 : vector<16xi32>
        %gather3A_651 = tpu.vector_load_idx %arg6[%add3A_650] : memref<7020xf32, #tpu.memory_space<vmem>>[vector<16xi32>], vector<16xf32>,
        %add3A_652 = arith.addi %mul3A_92, %and3A_649 : vector<16xi32>
        %gather3A_653 = tpu.vector_load_idx %arg6[%add3A_652] : memref<7020xf32, #tpu.memory_space<vmem>>[vector<16xi32>], vector<16xf32>,
        %add3A_654 = arith.addi %mul3A_96, %and3A_649 : vector<16xi32>
        %gather3A_655 = tpu.vector_load_idx %arg6[%add3A_654] : memref<7020xf32, #tpu.memory_space<vmem>>[vector<16xi32>], vector<16xf32>,
        %mul3A_656 = arith.mulf %min3A_41, %gather3A_651 : vector<16xf32>
        %mul3A_657 = arith.mulf %sub3A_97, %gather3A_653 : vector<16xf32>
        %add3A_658 = arith.addf %mul3A_656, %mul3A_657 : vector<16xf32>
        %mul3A_659 = arith.mulf %sub3A_98, %gather3A_655 : vector<16xf32>
        %add3A_660 = arith.addf %add3A_658, %mul3A_659 : vector<16xf32>
        %add3A_661 = arith.addi %mul3A_103, %and3A_649 : vector<16xi32>
        tpu.vector_store_idx %arg7[%shift_right_logical3A_100, %add3A_661], %add3A_660 : memref<256x256xf32, #tpu.memory_space<vmem>>[vector<16xi32>, vector<16xi32>], vector<16xf32>,
        %add3A_662 = arith.constant 31 : i32
        %add3A_663 = vector.broadcast %add3A_662 : i32 to vector<16xi32>
        %add3A_664 = arith.addi %iota3A, %add3A_663 : vector<16xi32>
        %and3A_665 = arith.constant 63 : i32
        %and3A_666 = vector.broadcast %and3A_665 : i32 to vector<16xi32>
        %and3A_667 = arith.andi %add3A_664, %and3A_666 : vector<16xi32>
        %add3A_668 = arith.addi %mul3A_88, %and3A_667 : vector<16xi32>
        %gather3A_669 = tpu.vector_load_idx %arg6[%add3A_668] : memref<7020xf32, #tpu.memory_space<vmem>>[vector<16xi32>], vector<16xf32>,
        %add3A_670 = arith.addi %mul3A_92, %and3A_667 : vector<16xi32>
        %gather3A_671 = tpu.vector_load_idx %arg6[%add3A_670] : memref<7020xf32, #tpu.memory_space<vmem>>[vector<16xi32>], vector<16xf32>,
        %add3A_672 = arith.addi %mul3A_96, %and3A_667 : vector<16xi32>
        %gather3A_673 = tpu.vector_load_idx %arg6[%add3A_672] : memref<7020xf32, #tpu.memory_space<vmem>>[vector<16xi32>], vector<16xf32>,
        %mul3A_674 = arith.mulf %min3A_41, %gather3A_669 : vector<16xf32>
        %mul3A_675 = arith.mulf %sub3A_97, %gather3A_671 : vector<16xf32>
        %add3A_676 = arith.addf %mul3A_674, %mul3A_675 : vector<16xf32>
        %mul3A_677 = arith.mulf %sub3A_98, %gather3A_673 : vector<16xf32>
        %add3A_678 = arith.addf %add3A_676, %mul3A_677 : vector<16xf32>
        %add3A_679 = arith.addi %mul3A_103, %and3A_667 : vector<16xi32>
        tpu.vector_store_idx %arg7[%shift_right_logical3A_100, %add3A_679], %add3A_678 : memref<256x256xf32, #tpu.memory_space<vmem>>[vector<16xi32>, vector<16xi32>], vector<16xf32>,
        %add3A_680 = arith.constant 32 : i32
        %add3A_681 = vector.broadcast %add3A_680 : i32 to vector<16xi32>
        %add3A_682 = arith.addi %iota3A, %add3A_681 : vector<16xi32>
        %and3A_683 = arith.constant 63 : i32
        %and3A_684 = vector.broadcast %and3A_683 : i32 to vector<16xi32>
        %and3A_685 = arith.andi %add3A_682, %and3A_684 : vector<16xi32>
        %add3A_686 = arith.addi %mul3A_88, %and3A_685 : vector<16xi32>
        %gather3A_687 = tpu.vector_load_idx %arg6[%add3A_686] : memref<7020xf32, #tpu.memory_space<vmem>>[vector<16xi32>], vector<16xf32>,
        %add3A_688 = arith.addi %mul3A_92, %and3A_685 : vector<16xi32>
        %gather3A_689 = tpu.vector_load_idx %arg6[%add3A_688] : memref<7020xf32, #tpu.memory_space<vmem>>[vector<16xi32>], vector<16xf32>,
        %add3A_690 = arith.addi %mul3A_96, %and3A_685 : vector<16xi32>
        %gather3A_691 = tpu.vector_load_idx %arg6[%add3A_690] : memref<7020xf32, #tpu.memory_space<vmem>>[vector<16xi32>], vector<16xf32>,
        %mul3A_692 = arith.mulf %min3A_41, %gather3A_687 : vector<16xf32>
        %mul3A_693 = arith.mulf %sub3A_97, %gather3A_689 : vector<16xf32>
        %add3A_694 = arith.addf %mul3A_692, %mul3A_693 : vector<16xf32>
        %mul3A_695 = arith.mulf %sub3A_98, %gather3A_691 : vector<16xf32>
        %add3A_696 = arith.addf %add3A_694, %mul3A_695 : vector<16xf32>
        %add3A_697 = arith.addi %mul3A_103, %and3A_685 : vector<16xi32>
        tpu.vector_store_idx %arg7[%shift_right_logical3A_100, %add3A_697], %add3A_696 : memref<256x256xf32, #tpu.memory_space<vmem>>[vector<16xi32>, vector<16xi32>], vector<16xf32>,
        %add3A_698 = arith.constant 33 : i32
        %add3A_699 = vector.broadcast %add3A_698 : i32 to vector<16xi32>
        %add3A_700 = arith.addi %iota3A, %add3A_699 : vector<16xi32>
        %and3A_701 = arith.constant 63 : i32
        %and3A_702 = vector.broadcast %and3A_701 : i32 to vector<16xi32>
        %and3A_703 = arith.andi %add3A_700, %and3A_702 : vector<16xi32>
        %add3A_704 = arith.addi %mul3A_88, %and3A_703 : vector<16xi32>
        %gather3A_705 = tpu.vector_load_idx %arg6[%add3A_704] : memref<7020xf32, #tpu.memory_space<vmem>>[vector<16xi32>], vector<16xf32>,
        %add3A_706 = arith.addi %mul3A_92, %and3A_703 : vector<16xi32>
        %gather3A_707 = tpu.vector_load_idx %arg6[%add3A_706] : memref<7020xf32, #tpu.memory_space<vmem>>[vector<16xi32>], vector<16xf32>,
        %add3A_708 = arith.addi %mul3A_96, %and3A_703 : vector<16xi32>
        %gather3A_709 = tpu.vector_load_idx %arg6[%add3A_708] : memref<7020xf32, #tpu.memory_space<vmem>>[vector<16xi32>], vector<16xf32>,
        %mul3A_710 = arith.mulf %min3A_41, %gather3A_705 : vector<16xf32>
        %mul3A_711 = arith.mulf %sub3A_97, %gather3A_707 : vector<16xf32>
        %add3A_712 = arith.addf %mul3A_710, %mul3A_711 : vector<16xf32>
        %mul3A_713 = arith.mulf %sub3A_98, %gather3A_709 : vector<16xf32>
        %add3A_714 = arith.addf %add3A_712, %mul3A_713 : vector<16xf32>
        %add3A_715 = arith.addi %mul3A_103, %and3A_703 : vector<16xi32>
        tpu.vector_store_idx %arg7[%shift_right_logical3A_100, %add3A_715], %add3A_714 : memref<256x256xf32, #tpu.memory_space<vmem>>[vector<16xi32>, vector<16xi32>], vector<16xf32>,
        %add3A_716 = arith.constant 34 : i32
        %add3A_717 = vector.broadcast %add3A_716 : i32 to vector<16xi32>
        %add3A_718 = arith.addi %iota3A, %add3A_717 : vector<16xi32>
        %and3A_719 = arith.constant 63 : i32
        %and3A_720 = vector.broadcast %and3A_719 : i32 to vector<16xi32>
        %and3A_721 = arith.andi %add3A_718, %and3A_720 : vector<16xi32>
        %add3A_722 = arith.addi %mul3A_88, %and3A_721 : vector<16xi32>
        %gather3A_723 = tpu.vector_load_idx %arg6[%add3A_722] : memref<7020xf32, #tpu.memory_space<vmem>>[vector<16xi32>], vector<16xf32>,
        %add3A_724 = arith.addi %mul3A_92, %and3A_721 : vector<16xi32>
        %gather3A_725 = tpu.vector_load_idx %arg6[%add3A_724] : memref<7020xf32, #tpu.memory_space<vmem>>[vector<16xi32>], vector<16xf32>,
        %add3A_726 = arith.addi %mul3A_96, %and3A_721 : vector<16xi32>
        %gather3A_727 = tpu.vector_load_idx %arg6[%add3A_726] : memref<7020xf32, #tpu.memory_space<vmem>>[vector<16xi32>], vector<16xf32>,
        %mul3A_728 = arith.mulf %min3A_41, %gather3A_723 : vector<16xf32>
        %mul3A_729 = arith.mulf %sub3A_97, %gather3A_725 : vector<16xf32>
        %add3A_730 = arith.addf %mul3A_728, %mul3A_729 : vector<16xf32>
        %mul3A_731 = arith.mulf %sub3A_98, %gather3A_727 : vector<16xf32>
        %add3A_732 = arith.addf %add3A_730, %mul3A_731 : vector<16xf32>
        %add3A_733 = arith.addi %mul3A_103, %and3A_721 : vector<16xi32>
        tpu.vector_store_idx %arg7[%shift_right_logical3A_100, %add3A_733], %add3A_732 : memref<256x256xf32, #tpu.memory_space<vmem>>[vector<16xi32>, vector<16xi32>], vector<16xf32>,
        %add3A_734 = arith.constant 35 : i32
        %add3A_735 = vector.broadcast %add3A_734 : i32 to vector<16xi32>
        %add3A_736 = arith.addi %iota3A, %add3A_735 : vector<16xi32>
        %and3A_737 = arith.constant 63 : i32
        %and3A_738 = vector.broadcast %and3A_737 : i32 to vector<16xi32>
        %and3A_739 = arith.andi %add3A_736, %and3A_738 : vector<16xi32>
        %add3A_740 = arith.addi %mul3A_88, %and3A_739 : vector<16xi32>
        %gather3A_741 = tpu.vector_load_idx %arg6[%add3A_740] : memref<7020xf32, #tpu.memory_space<vmem>>[vector<16xi32>], vector<16xf32>,
        %add3A_742 = arith.addi %mul3A_92, %and3A_739 : vector<16xi32>
        %gather3A_743 = tpu.vector_load_idx %arg6[%add3A_742] : memref<7020xf32, #tpu.memory_space<vmem>>[vector<16xi32>], vector<16xf32>,
        %add3A_744 = arith.addi %mul3A_96, %and3A_739 : vector<16xi32>
        %gather3A_745 = tpu.vector_load_idx %arg6[%add3A_744] : memref<7020xf32, #tpu.memory_space<vmem>>[vector<16xi32>], vector<16xf32>,
        %mul3A_746 = arith.mulf %min3A_41, %gather3A_741 : vector<16xf32>
        %mul3A_747 = arith.mulf %sub3A_97, %gather3A_743 : vector<16xf32>
        %add3A_748 = arith.addf %mul3A_746, %mul3A_747 : vector<16xf32>
        %mul3A_749 = arith.mulf %sub3A_98, %gather3A_745 : vector<16xf32>
        %add3A_750 = arith.addf %add3A_748, %mul3A_749 : vector<16xf32>
        %add3A_751 = arith.addi %mul3A_103, %and3A_739 : vector<16xi32>
        tpu.vector_store_idx %arg7[%shift_right_logical3A_100, %add3A_751], %add3A_750 : memref<256x256xf32, #tpu.memory_space<vmem>>[vector<16xi32>, vector<16xi32>], vector<16xf32>,
        %add3A_752 = arith.constant 36 : i32
        %add3A_753 = vector.broadcast %add3A_752 : i32 to vector<16xi32>
        %add3A_754 = arith.addi %iota3A, %add3A_753 : vector<16xi32>
        %and3A_755 = arith.constant 63 : i32
        %and3A_756 = vector.broadcast %and3A_755 : i32 to vector<16xi32>
        %and3A_757 = arith.andi %add3A_754, %and3A_756 : vector<16xi32>
        %add3A_758 = arith.addi %mul3A_88, %and3A_757 : vector<16xi32>
        %gather3A_759 = tpu.vector_load_idx %arg6[%add3A_758] : memref<7020xf32, #tpu.memory_space<vmem>>[vector<16xi32>], vector<16xf32>,
        %add3A_760 = arith.addi %mul3A_92, %and3A_757 : vector<16xi32>
        %gather3A_761 = tpu.vector_load_idx %arg6[%add3A_760] : memref<7020xf32, #tpu.memory_space<vmem>>[vector<16xi32>], vector<16xf32>,
        %add3A_762 = arith.addi %mul3A_96, %and3A_757 : vector<16xi32>
        %gather3A_763 = tpu.vector_load_idx %arg6[%add3A_762] : memref<7020xf32, #tpu.memory_space<vmem>>[vector<16xi32>], vector<16xf32>,
        %mul3A_764 = arith.mulf %min3A_41, %gather3A_759 : vector<16xf32>
        %mul3A_765 = arith.mulf %sub3A_97, %gather3A_761 : vector<16xf32>
        %add3A_766 = arith.addf %mul3A_764, %mul3A_765 : vector<16xf32>
        %mul3A_767 = arith.mulf %sub3A_98, %gather3A_763 : vector<16xf32>
        %add3A_768 = arith.addf %add3A_766, %mul3A_767 : vector<16xf32>
        %add3A_769 = arith.addi %mul3A_103, %and3A_757 : vector<16xi32>
        tpu.vector_store_idx %arg7[%shift_right_logical3A_100, %add3A_769], %add3A_768 : memref<256x256xf32, #tpu.memory_space<vmem>>[vector<16xi32>, vector<16xi32>], vector<16xf32>,
        %add3A_770 = arith.constant 37 : i32
        %add3A_771 = vector.broadcast %add3A_770 : i32 to vector<16xi32>
        %add3A_772 = arith.addi %iota3A, %add3A_771 : vector<16xi32>
        %and3A_773 = arith.constant 63 : i32
        %and3A_774 = vector.broadcast %and3A_773 : i32 to vector<16xi32>
        %and3A_775 = arith.andi %add3A_772, %and3A_774 : vector<16xi32>
        %add3A_776 = arith.addi %mul3A_88, %and3A_775 : vector<16xi32>
        %gather3A_777 = tpu.vector_load_idx %arg6[%add3A_776] : memref<7020xf32, #tpu.memory_space<vmem>>[vector<16xi32>], vector<16xf32>,
        %add3A_778 = arith.addi %mul3A_92, %and3A_775 : vector<16xi32>
        %gather3A_779 = tpu.vector_load_idx %arg6[%add3A_778] : memref<7020xf32, #tpu.memory_space<vmem>>[vector<16xi32>], vector<16xf32>,
        %add3A_780 = arith.addi %mul3A_96, %and3A_775 : vector<16xi32>
        %gather3A_781 = tpu.vector_load_idx %arg6[%add3A_780] : memref<7020xf32, #tpu.memory_space<vmem>>[vector<16xi32>], vector<16xf32>,
        %mul3A_782 = arith.mulf %min3A_41, %gather3A_777 : vector<16xf32>
        %mul3A_783 = arith.mulf %sub3A_97, %gather3A_779 : vector<16xf32>
        %add3A_784 = arith.addf %mul3A_782, %mul3A_783 : vector<16xf32>
        %mul3A_785 = arith.mulf %sub3A_98, %gather3A_781 : vector<16xf32>
        %add3A_786 = arith.addf %add3A_784, %mul3A_785 : vector<16xf32>
        %add3A_787 = arith.addi %mul3A_103, %and3A_775 : vector<16xi32>
        tpu.vector_store_idx %arg7[%shift_right_logical3A_100, %add3A_787], %add3A_786 : memref<256x256xf32, #tpu.memory_space<vmem>>[vector<16xi32>, vector<16xi32>], vector<16xf32>,
        %add3A_788 = arith.constant 38 : i32
        %add3A_789 = vector.broadcast %add3A_788 : i32 to vector<16xi32>
        %add3A_790 = arith.addi %iota3A, %add3A_789 : vector<16xi32>
        %and3A_791 = arith.constant 63 : i32
        %and3A_792 = vector.broadcast %and3A_791 : i32 to vector<16xi32>
        %and3A_793 = arith.andi %add3A_790, %and3A_792 : vector<16xi32>
        %add3A_794 = arith.addi %mul3A_88, %and3A_793 : vector<16xi32>
        %gather3A_795 = tpu.vector_load_idx %arg6[%add3A_794] : memref<7020xf32, #tpu.memory_space<vmem>>[vector<16xi32>], vector<16xf32>,
        %add3A_796 = arith.addi %mul3A_92, %and3A_793 : vector<16xi32>
        %gather3A_797 = tpu.vector_load_idx %arg6[%add3A_796] : memref<7020xf32, #tpu.memory_space<vmem>>[vector<16xi32>], vector<16xf32>,
        %add3A_798 = arith.addi %mul3A_96, %and3A_793 : vector<16xi32>
        %gather3A_799 = tpu.vector_load_idx %arg6[%add3A_798] : memref<7020xf32, #tpu.memory_space<vmem>>[vector<16xi32>], vector<16xf32>,
        %mul3A_800 = arith.mulf %min3A_41, %gather3A_795 : vector<16xf32>
        %mul3A_801 = arith.mulf %sub3A_97, %gather3A_797 : vector<16xf32>
        %add3A_802 = arith.addf %mul3A_800, %mul3A_801 : vector<16xf32>
        %mul3A_803 = arith.mulf %sub3A_98, %gather3A_799 : vector<16xf32>
        %add3A_804 = arith.addf %add3A_802, %mul3A_803 : vector<16xf32>
        %add3A_805 = arith.addi %mul3A_103, %and3A_793 : vector<16xi32>
        tpu.vector_store_idx %arg7[%shift_right_logical3A_100, %add3A_805], %add3A_804 : memref<256x256xf32, #tpu.memory_space<vmem>>[vector<16xi32>, vector<16xi32>], vector<16xf32>,
        %add3A_806 = arith.constant 39 : i32
        %add3A_807 = vector.broadcast %add3A_806 : i32 to vector<16xi32>
        %add3A_808 = arith.addi %iota3A, %add3A_807 : vector<16xi32>
        %and3A_809 = arith.constant 63 : i32
        %and3A_810 = vector.broadcast %and3A_809 : i32 to vector<16xi32>
        %and3A_811 = arith.andi %add3A_808, %and3A_810 : vector<16xi32>
        %add3A_812 = arith.addi %mul3A_88, %and3A_811 : vector<16xi32>
        %gather3A_813 = tpu.vector_load_idx %arg6[%add3A_812] : memref<7020xf32, #tpu.memory_space<vmem>>[vector<16xi32>], vector<16xf32>,
        %add3A_814 = arith.addi %mul3A_92, %and3A_811 : vector<16xi32>
        %gather3A_815 = tpu.vector_load_idx %arg6[%add3A_814] : memref<7020xf32, #tpu.memory_space<vmem>>[vector<16xi32>], vector<16xf32>,
        %add3A_816 = arith.addi %mul3A_96, %and3A_811 : vector<16xi32>
        %gather3A_817 = tpu.vector_load_idx %arg6[%add3A_816] : memref<7020xf32, #tpu.memory_space<vmem>>[vector<16xi32>], vector<16xf32>,
        %mul3A_818 = arith.mulf %min3A_41, %gather3A_813 : vector<16xf32>
        %mul3A_819 = arith.mulf %sub3A_97, %gather3A_815 : vector<16xf32>
        %add3A_820 = arith.addf %mul3A_818, %mul3A_819 : vector<16xf32>
        %mul3A_821 = arith.mulf %sub3A_98, %gather3A_817 : vector<16xf32>
        %add3A_822 = arith.addf %add3A_820, %mul3A_821 : vector<16xf32>
        %add3A_823 = arith.addi %mul3A_103, %and3A_811 : vector<16xi32>
        tpu.vector_store_idx %arg7[%shift_right_logical3A_100, %add3A_823], %add3A_822 : memref<256x256xf32, #tpu.memory_space<vmem>>[vector<16xi32>, vector<16xi32>], vector<16xf32>,
        %add3A_824 = arith.constant 40 : i32
        %add3A_825 = vector.broadcast %add3A_824 : i32 to vector<16xi32>
        %add3A_826 = arith.addi %iota3A, %add3A_825 : vector<16xi32>
        %and3A_827 = arith.constant 63 : i32
        %and3A_828 = vector.broadcast %and3A_827 : i32 to vector<16xi32>
        %and3A_829 = arith.andi %add3A_826, %and3A_828 : vector<16xi32>
        %add3A_830 = arith.addi %mul3A_88, %and3A_829 : vector<16xi32>
        %gather3A_831 = tpu.vector_load_idx %arg6[%add3A_830] : memref<7020xf32, #tpu.memory_space<vmem>>[vector<16xi32>], vector<16xf32>,
        %add3A_832 = arith.addi %mul3A_92, %and3A_829 : vector<16xi32>
        %gather3A_833 = tpu.vector_load_idx %arg6[%add3A_832] : memref<7020xf32, #tpu.memory_space<vmem>>[vector<16xi32>], vector<16xf32>,
        %add3A_834 = arith.addi %mul3A_96, %and3A_829 : vector<16xi32>
        %gather3A_835 = tpu.vector_load_idx %arg6[%add3A_834] : memref<7020xf32, #tpu.memory_space<vmem>>[vector<16xi32>], vector<16xf32>,
        %mul3A_836 = arith.mulf %min3A_41, %gather3A_831 : vector<16xf32>
        %mul3A_837 = arith.mulf %sub3A_97, %gather3A_833 : vector<16xf32>
        %add3A_838 = arith.addf %mul3A_836, %mul3A_837 : vector<16xf32>
        %mul3A_839 = arith.mulf %sub3A_98, %gather3A_835 : vector<16xf32>
        %add3A_840 = arith.addf %add3A_838, %mul3A_839 : vector<16xf32>
        %add3A_841 = arith.addi %mul3A_103, %and3A_829 : vector<16xi32>
        tpu.vector_store_idx %arg7[%shift_right_logical3A_100, %add3A_841], %add3A_840 : memref<256x256xf32, #tpu.memory_space<vmem>>[vector<16xi32>, vector<16xi32>], vector<16xf32>,
        %add3A_842 = arith.constant 41 : i32
        %add3A_843 = vector.broadcast %add3A_842 : i32 to vector<16xi32>
        %add3A_844 = arith.addi %iota3A, %add3A_843 : vector<16xi32>
        %and3A_845 = arith.constant 63 : i32
        %and3A_846 = vector.broadcast %and3A_845 : i32 to vector<16xi32>
        %and3A_847 = arith.andi %add3A_844, %and3A_846 : vector<16xi32>
        %add3A_848 = arith.addi %mul3A_88, %and3A_847 : vector<16xi32>
        %gather3A_849 = tpu.vector_load_idx %arg6[%add3A_848] : memref<7020xf32, #tpu.memory_space<vmem>>[vector<16xi32>], vector<16xf32>,
        %add3A_850 = arith.addi %mul3A_92, %and3A_847 : vector<16xi32>
        %gather3A_851 = tpu.vector_load_idx %arg6[%add3A_850] : memref<7020xf32, #tpu.memory_space<vmem>>[vector<16xi32>], vector<16xf32>,
        %add3A_852 = arith.addi %mul3A_96, %and3A_847 : vector<16xi32>
        %gather3A_853 = tpu.vector_load_idx %arg6[%add3A_852] : memref<7020xf32, #tpu.memory_space<vmem>>[vector<16xi32>], vector<16xf32>,
        %mul3A_854 = arith.mulf %min3A_41, %gather3A_849 : vector<16xf32>
        %mul3A_855 = arith.mulf %sub3A_97, %gather3A_851 : vector<16xf32>
        %add3A_856 = arith.addf %mul3A_854, %mul3A_855 : vector<16xf32>
        %mul3A_857 = arith.mulf %sub3A_98, %gather3A_853 : vector<16xf32>
        %add3A_858 = arith.addf %add3A_856, %mul3A_857 : vector<16xf32>
        %add3A_859 = arith.addi %mul3A_103, %and3A_847 : vector<16xi32>
        tpu.vector_store_idx %arg7[%shift_right_logical3A_100, %add3A_859], %add3A_858 : memref<256x256xf32, #tpu.memory_space<vmem>>[vector<16xi32>, vector<16xi32>], vector<16xf32>,
        %add3A_860 = arith.constant 42 : i32
        %add3A_861 = vector.broadcast %add3A_860 : i32 to vector<16xi32>
        %add3A_862 = arith.addi %iota3A, %add3A_861 : vector<16xi32>
        %and3A_863 = arith.constant 63 : i32
        %and3A_864 = vector.broadcast %and3A_863 : i32 to vector<16xi32>
        %and3A_865 = arith.andi %add3A_862, %and3A_864 : vector<16xi32>
        %add3A_866 = arith.addi %mul3A_88, %and3A_865 : vector<16xi32>
        %gather3A_867 = tpu.vector_load_idx %arg6[%add3A_866] : memref<7020xf32, #tpu.memory_space<vmem>>[vector<16xi32>], vector<16xf32>,
        %add3A_868 = arith.addi %mul3A_92, %and3A_865 : vector<16xi32>
        %gather3A_869 = tpu.vector_load_idx %arg6[%add3A_868] : memref<7020xf32, #tpu.memory_space<vmem>>[vector<16xi32>], vector<16xf32>,
        %add3A_870 = arith.addi %mul3A_96, %and3A_865 : vector<16xi32>
        %gather3A_871 = tpu.vector_load_idx %arg6[%add3A_870] : memref<7020xf32, #tpu.memory_space<vmem>>[vector<16xi32>], vector<16xf32>,
        %mul3A_872 = arith.mulf %min3A_41, %gather3A_867 : vector<16xf32>
        %mul3A_873 = arith.mulf %sub3A_97, %gather3A_869 : vector<16xf32>
        %add3A_874 = arith.addf %mul3A_872, %mul3A_873 : vector<16xf32>
        %mul3A_875 = arith.mulf %sub3A_98, %gather3A_871 : vector<16xf32>
        %add3A_876 = arith.addf %add3A_874, %mul3A_875 : vector<16xf32>
        %add3A_877 = arith.addi %mul3A_103, %and3A_865 : vector<16xi32>
        tpu.vector_store_idx %arg7[%shift_right_logical3A_100, %add3A_877], %add3A_876 : memref<256x256xf32, #tpu.memory_space<vmem>>[vector<16xi32>, vector<16xi32>], vector<16xf32>,
        %add3A_878 = arith.constant 43 : i32
        %add3A_879 = vector.broadcast %add3A_878 : i32 to vector<16xi32>
        %add3A_880 = arith.addi %iota3A, %add3A_879 : vector<16xi32>
        %and3A_881 = arith.constant 63 : i32
        %and3A_882 = vector.broadcast %and3A_881 : i32 to vector<16xi32>
        %and3A_883 = arith.andi %add3A_880, %and3A_882 : vector<16xi32>
        %add3A_884 = arith.addi %mul3A_88, %and3A_883 : vector<16xi32>
        %gather3A_885 = tpu.vector_load_idx %arg6[%add3A_884] : memref<7020xf32, #tpu.memory_space<vmem>>[vector<16xi32>], vector<16xf32>,
        %add3A_886 = arith.addi %mul3A_92, %and3A_883 : vector<16xi32>
        %gather3A_887 = tpu.vector_load_idx %arg6[%add3A_886] : memref<7020xf32, #tpu.memory_space<vmem>>[vector<16xi32>], vector<16xf32>,
        %add3A_888 = arith.addi %mul3A_96, %and3A_883 : vector<16xi32>
        %gather3A_889 = tpu.vector_load_idx %arg6[%add3A_888] : memref<7020xf32, #tpu.memory_space<vmem>>[vector<16xi32>], vector<16xf32>,
        %mul3A_890 = arith.mulf %min3A_41, %gather3A_885 : vector<16xf32>
        %mul3A_891 = arith.mulf %sub3A_97, %gather3A_887 : vector<16xf32>
        %add3A_892 = arith.addf %mul3A_890, %mul3A_891 : vector<16xf32>
        %mul3A_893 = arith.mulf %sub3A_98, %gather3A_889 : vector<16xf32>
        %add3A_894 = arith.addf %add3A_892, %mul3A_893 : vector<16xf32>
        %add3A_895 = arith.addi %mul3A_103, %and3A_883 : vector<16xi32>
        tpu.vector_store_idx %arg7[%shift_right_logical3A_100, %add3A_895], %add3A_894 : memref<256x256xf32, #tpu.memory_space<vmem>>[vector<16xi32>, vector<16xi32>], vector<16xf32>,
        %add3A_896 = arith.constant 44 : i32
        %add3A_897 = vector.broadcast %add3A_896 : i32 to vector<16xi32>
        %add3A_898 = arith.addi %iota3A, %add3A_897 : vector<16xi32>
        %and3A_899 = arith.constant 63 : i32
        %and3A_900 = vector.broadcast %and3A_899 : i32 to vector<16xi32>
        %and3A_901 = arith.andi %add3A_898, %and3A_900 : vector<16xi32>
        %add3A_902 = arith.addi %mul3A_88, %and3A_901 : vector<16xi32>
        %gather3A_903 = tpu.vector_load_idx %arg6[%add3A_902] : memref<7020xf32, #tpu.memory_space<vmem>>[vector<16xi32>], vector<16xf32>,
        %add3A_904 = arith.addi %mul3A_92, %and3A_901 : vector<16xi32>
        %gather3A_905 = tpu.vector_load_idx %arg6[%add3A_904] : memref<7020xf32, #tpu.memory_space<vmem>>[vector<16xi32>], vector<16xf32>,
        %add3A_906 = arith.addi %mul3A_96, %and3A_901 : vector<16xi32>
        %gather3A_907 = tpu.vector_load_idx %arg6[%add3A_906] : memref<7020xf32, #tpu.memory_space<vmem>>[vector<16xi32>], vector<16xf32>,
        %mul3A_908 = arith.mulf %min3A_41, %gather3A_903 : vector<16xf32>
        %mul3A_909 = arith.mulf %sub3A_97, %gather3A_905 : vector<16xf32>
        %add3A_910 = arith.addf %mul3A_908, %mul3A_909 : vector<16xf32>
        %mul3A_911 = arith.mulf %sub3A_98, %gather3A_907 : vector<16xf32>
        %add3A_912 = arith.addf %add3A_910, %mul3A_911 : vector<16xf32>
        %add3A_913 = arith.addi %mul3A_103, %and3A_901 : vector<16xi32>
        tpu.vector_store_idx %arg7[%shift_right_logical3A_100, %add3A_913], %add3A_912 : memref<256x256xf32, #tpu.memory_space<vmem>>[vector<16xi32>, vector<16xi32>], vector<16xf32>,
        %add3A_914 = arith.constant 45 : i32
        %add3A_915 = vector.broadcast %add3A_914 : i32 to vector<16xi32>
        %add3A_916 = arith.addi %iota3A, %add3A_915 : vector<16xi32>
        %and3A_917 = arith.constant 63 : i32
        %and3A_918 = vector.broadcast %and3A_917 : i32 to vector<16xi32>
        %and3A_919 = arith.andi %add3A_916, %and3A_918 : vector<16xi32>
        %add3A_920 = arith.addi %mul3A_88, %and3A_919 : vector<16xi32>
        %gather3A_921 = tpu.vector_load_idx %arg6[%add3A_920] : memref<7020xf32, #tpu.memory_space<vmem>>[vector<16xi32>], vector<16xf32>,
        %add3A_922 = arith.addi %mul3A_92, %and3A_919 : vector<16xi32>
        %gather3A_923 = tpu.vector_load_idx %arg6[%add3A_922] : memref<7020xf32, #tpu.memory_space<vmem>>[vector<16xi32>], vector<16xf32>,
        %add3A_924 = arith.addi %mul3A_96, %and3A_919 : vector<16xi32>
        %gather3A_925 = tpu.vector_load_idx %arg6[%add3A_924] : memref<7020xf32, #tpu.memory_space<vmem>>[vector<16xi32>], vector<16xf32>,
        %mul3A_926 = arith.mulf %min3A_41, %gather3A_921 : vector<16xf32>
        %mul3A_927 = arith.mulf %sub3A_97, %gather3A_923 : vector<16xf32>
        %add3A_928 = arith.addf %mul3A_926, %mul3A_927 : vector<16xf32>
        %mul3A_929 = arith.mulf %sub3A_98, %gather3A_925 : vector<16xf32>
        %add3A_930 = arith.addf %add3A_928, %mul3A_929 : vector<16xf32>
        %add3A_931 = arith.addi %mul3A_103, %and3A_919 : vector<16xi32>
        tpu.vector_store_idx %arg7[%shift_right_logical3A_100, %add3A_931], %add3A_930 : memref<256x256xf32, #tpu.memory_space<vmem>>[vector<16xi32>, vector<16xi32>], vector<16xf32>,
        %add3A_932 = arith.constant 46 : i32
        %add3A_933 = vector.broadcast %add3A_932 : i32 to vector<16xi32>
        %add3A_934 = arith.addi %iota3A, %add3A_933 : vector<16xi32>
        %and3A_935 = arith.constant 63 : i32
        %and3A_936 = vector.broadcast %and3A_935 : i32 to vector<16xi32>
        %and3A_937 = arith.andi %add3A_934, %and3A_936 : vector<16xi32>
        %add3A_938 = arith.addi %mul3A_88, %and3A_937 : vector<16xi32>
        %gather3A_939 = tpu.vector_load_idx %arg6[%add3A_938] : memref<7020xf32, #tpu.memory_space<vmem>>[vector<16xi32>], vector<16xf32>,
        %add3A_940 = arith.addi %mul3A_92, %and3A_937 : vector<16xi32>
        %gather3A_941 = tpu.vector_load_idx %arg6[%add3A_940] : memref<7020xf32, #tpu.memory_space<vmem>>[vector<16xi32>], vector<16xf32>,
        %add3A_942 = arith.addi %mul3A_96, %and3A_937 : vector<16xi32>
        %gather3A_943 = tpu.vector_load_idx %arg6[%add3A_942] : memref<7020xf32, #tpu.memory_space<vmem>>[vector<16xi32>], vector<16xf32>,
        %mul3A_944 = arith.mulf %min3A_41, %gather3A_939 : vector<16xf32>
        %mul3A_945 = arith.mulf %sub3A_97, %gather3A_941 : vector<16xf32>
        %add3A_946 = arith.addf %mul3A_944, %mul3A_945 : vector<16xf32>
        %mul3A_947 = arith.mulf %sub3A_98, %gather3A_943 : vector<16xf32>
        %add3A_948 = arith.addf %add3A_946, %mul3A_947 : vector<16xf32>
        %add3A_949 = arith.addi %mul3A_103, %and3A_937 : vector<16xi32>
        tpu.vector_store_idx %arg7[%shift_right_logical3A_100, %add3A_949], %add3A_948 : memref<256x256xf32, #tpu.memory_space<vmem>>[vector<16xi32>, vector<16xi32>], vector<16xf32>,
        %add3A_950 = arith.constant 47 : i32
        %add3A_951 = vector.broadcast %add3A_950 : i32 to vector<16xi32>
        %add3A_952 = arith.addi %iota3A, %add3A_951 : vector<16xi32>
        %and3A_953 = arith.constant 63 : i32
        %and3A_954 = vector.broadcast %and3A_953 : i32 to vector<16xi32>
        %and3A_955 = arith.andi %add3A_952, %and3A_954 : vector<16xi32>
        %add3A_956 = arith.addi %mul3A_88, %and3A_955 : vector<16xi32>
        %gather3A_957 = tpu.vector_load_idx %arg6[%add3A_956] : memref<7020xf32, #tpu.memory_space<vmem>>[vector<16xi32>], vector<16xf32>,
        %add3A_958 = arith.addi %mul3A_92, %and3A_955 : vector<16xi32>
        %gather3A_959 = tpu.vector_load_idx %arg6[%add3A_958] : memref<7020xf32, #tpu.memory_space<vmem>>[vector<16xi32>], vector<16xf32>,
        %add3A_960 = arith.addi %mul3A_96, %and3A_955 : vector<16xi32>
        %gather3A_961 = tpu.vector_load_idx %arg6[%add3A_960] : memref<7020xf32, #tpu.memory_space<vmem>>[vector<16xi32>], vector<16xf32>,
        %mul3A_962 = arith.mulf %min3A_41, %gather3A_957 : vector<16xf32>
        %mul3A_963 = arith.mulf %sub3A_97, %gather3A_959 : vector<16xf32>
        %add3A_964 = arith.addf %mul3A_962, %mul3A_963 : vector<16xf32>
        %mul3A_965 = arith.mulf %sub3A_98, %gather3A_961 : vector<16xf32>
        %add3A_966 = arith.addf %add3A_964, %mul3A_965 : vector<16xf32>
        %add3A_967 = arith.addi %mul3A_103, %and3A_955 : vector<16xi32>
        tpu.vector_store_idx %arg7[%shift_right_logical3A_100, %add3A_967], %add3A_966 : memref<256x256xf32, #tpu.memory_space<vmem>>[vector<16xi32>, vector<16xi32>], vector<16xf32>,
        %add3A_968 = arith.constant 48 : i32
        %add3A_969 = vector.broadcast %add3A_968 : i32 to vector<16xi32>
        %add3A_970 = arith.addi %iota3A, %add3A_969 : vector<16xi32>
        %and3A_971 = arith.constant 63 : i32
        %and3A_972 = vector.broadcast %and3A_971 : i32 to vector<16xi32>
        %and3A_973 = arith.andi %add3A_970, %and3A_972 : vector<16xi32>
        %add3A_974 = arith.addi %mul3A_88, %and3A_973 : vector<16xi32>
        %gather3A_975 = tpu.vector_load_idx %arg6[%add3A_974] : memref<7020xf32, #tpu.memory_space<vmem>>[vector<16xi32>], vector<16xf32>,
        %add3A_976 = arith.addi %mul3A_92, %and3A_973 : vector<16xi32>
        %gather3A_977 = tpu.vector_load_idx %arg6[%add3A_976] : memref<7020xf32, #tpu.memory_space<vmem>>[vector<16xi32>], vector<16xf32>,
        %add3A_978 = arith.addi %mul3A_96, %and3A_973 : vector<16xi32>
        %gather3A_979 = tpu.vector_load_idx %arg6[%add3A_978] : memref<7020xf32, #tpu.memory_space<vmem>>[vector<16xi32>], vector<16xf32>,
        %mul3A_980 = arith.mulf %min3A_41, %gather3A_975 : vector<16xf32>
        %mul3A_981 = arith.mulf %sub3A_97, %gather3A_977 : vector<16xf32>
        %add3A_982 = arith.addf %mul3A_980, %mul3A_981 : vector<16xf32>
        %mul3A_983 = arith.mulf %sub3A_98, %gather3A_979 : vector<16xf32>
        %add3A_984 = arith.addf %add3A_982, %mul3A_983 : vector<16xf32>
        %add3A_985 = arith.addi %mul3A_103, %and3A_973 : vector<16xi32>
        tpu.vector_store_idx %arg7[%shift_right_logical3A_100, %add3A_985], %add3A_984 : memref<256x256xf32, #tpu.memory_space<vmem>>[vector<16xi32>, vector<16xi32>], vector<16xf32>,
        %add3A_986 = arith.constant 49 : i32
        %add3A_987 = vector.broadcast %add3A_986 : i32 to vector<16xi32>
        %add3A_988 = arith.addi %iota3A, %add3A_987 : vector<16xi32>
        %and3A_989 = arith.constant 63 : i32
        %and3A_990 = vector.broadcast %and3A_989 : i32 to vector<16xi32>
        %and3A_991 = arith.andi %add3A_988, %and3A_990 : vector<16xi32>
        %add3A_992 = arith.addi %mul3A_88, %and3A_991 : vector<16xi32>
        %gather3A_993 = tpu.vector_load_idx %arg6[%add3A_992] : memref<7020xf32, #tpu.memory_space<vmem>>[vector<16xi32>], vector<16xf32>,
        %add3A_994 = arith.addi %mul3A_92, %and3A_991 : vector<16xi32>
        %gather3A_995 = tpu.vector_load_idx %arg6[%add3A_994] : memref<7020xf32, #tpu.memory_space<vmem>>[vector<16xi32>], vector<16xf32>,
        %add3A_996 = arith.addi %mul3A_96, %and3A_991 : vector<16xi32>
        %gather3A_997 = tpu.vector_load_idx %arg6[%add3A_996] : memref<7020xf32, #tpu.memory_space<vmem>>[vector<16xi32>], vector<16xf32>,
        %mul3A_998 = arith.mulf %min3A_41, %gather3A_993 : vector<16xf32>
        %mul3A_999 = arith.mulf %sub3A_97, %gather3A_995 : vector<16xf32>
        %add3A_1000 = arith.addf %mul3A_998, %mul3A_999 : vector<16xf32>
        %mul3A_1001 = arith.mulf %sub3A_98, %gather3A_997 : vector<16xf32>
        %add3A_1002 = arith.addf %add3A_1000, %mul3A_1001 : vector<16xf32>
        %add3A_1003 = arith.addi %mul3A_103, %and3A_991 : vector<16xi32>
        tpu.vector_store_idx %arg7[%shift_right_logical3A_100, %add3A_1003], %add3A_1002 : memref<256x256xf32, #tpu.memory_space<vmem>>[vector<16xi32>, vector<16xi32>], vector<16xf32>,
        %add3A_1004 = arith.constant 50 : i32
        %add3A_1005 = vector.broadcast %add3A_1004 : i32 to vector<16xi32>
        %add3A_1006 = arith.addi %iota3A, %add3A_1005 : vector<16xi32>
        %and3A_1007 = arith.constant 63 : i32
        %and3A_1008 = vector.broadcast %and3A_1007 : i32 to vector<16xi32>
        %and3A_1009 = arith.andi %add3A_1006, %and3A_1008 : vector<16xi32>
        %add3A_1010 = arith.addi %mul3A_88, %and3A_1009 : vector<16xi32>
        %gather3A_1011 = tpu.vector_load_idx %arg6[%add3A_1010] : memref<7020xf32, #tpu.memory_space<vmem>>[vector<16xi32>], vector<16xf32>,
        %add3A_1012 = arith.addi %mul3A_92, %and3A_1009 : vector<16xi32>
        %gather3A_1013 = tpu.vector_load_idx %arg6[%add3A_1012] : memref<7020xf32, #tpu.memory_space<vmem>>[vector<16xi32>], vector<16xf32>,
        %add3A_1014 = arith.addi %mul3A_96, %and3A_1009 : vector<16xi32>
        %gather3A_1015 = tpu.vector_load_idx %arg6[%add3A_1014] : memref<7020xf32, #tpu.memory_space<vmem>>[vector<16xi32>], vector<16xf32>,
        %mul3A_1016 = arith.mulf %min3A_41, %gather3A_1011 : vector<16xf32>
        %mul3A_1017 = arith.mulf %sub3A_97, %gather3A_1013 : vector<16xf32>
        %add3A_1018 = arith.addf %mul3A_1016, %mul3A_1017 : vector<16xf32>
        %mul3A_1019 = arith.mulf %sub3A_98, %gather3A_1015 : vector<16xf32>
        %add3A_1020 = arith.addf %add3A_1018, %mul3A_1019 : vector<16xf32>
        %add3A_1021 = arith.addi %mul3A_103, %and3A_1009 : vector<16xi32>
        tpu.vector_store_idx %arg7[%shift_right_logical3A_100, %add3A_1021], %add3A_1020 : memref<256x256xf32, #tpu.memory_space<vmem>>[vector<16xi32>, vector<16xi32>], vector<16xf32>,
        %add3A_1022 = arith.constant 51 : i32
        %add3A_1023 = vector.broadcast %add3A_1022 : i32 to vector<16xi32>
        %add3A_1024 = arith.addi %iota3A, %add3A_1023 : vector<16xi32>
        %and3A_1025 = arith.constant 63 : i32
        %and3A_1026 = vector.broadcast %and3A_1025 : i32 to vector<16xi32>
        %and3A_1027 = arith.andi %add3A_1024, %and3A_1026 : vector<16xi32>
        %add3A_1028 = arith.addi %mul3A_88, %and3A_1027 : vector<16xi32>
        %gather3A_1029 = tpu.vector_load_idx %arg6[%add3A_1028] : memref<7020xf32, #tpu.memory_space<vmem>>[vector<16xi32>], vector<16xf32>,
        %add3A_1030 = arith.addi %mul3A_92, %and3A_1027 : vector<16xi32>
        %gather3A_1031 = tpu.vector_load_idx %arg6[%add3A_1030] : memref<7020xf32, #tpu.memory_space<vmem>>[vector<16xi32>], vector<16xf32>,
        %add3A_1032 = arith.addi %mul3A_96, %and3A_1027 : vector<16xi32>
        %gather3A_1033 = tpu.vector_load_idx %arg6[%add3A_1032] : memref<7020xf32, #tpu.memory_space<vmem>>[vector<16xi32>], vector<16xf32>,
        %mul3A_1034 = arith.mulf %min3A_41, %gather3A_1029 : vector<16xf32>
        %mul3A_1035 = arith.mulf %sub3A_97, %gather3A_1031 : vector<16xf32>
        %add3A_1036 = arith.addf %mul3A_1034, %mul3A_1035 : vector<16xf32>
        %mul3A_1037 = arith.mulf %sub3A_98, %gather3A_1033 : vector<16xf32>
        %add3A_1038 = arith.addf %add3A_1036, %mul3A_1037 : vector<16xf32>
        %add3A_1039 = arith.addi %mul3A_103, %and3A_1027 : vector<16xi32>
        tpu.vector_store_idx %arg7[%shift_right_logical3A_100, %add3A_1039], %add3A_1038 : memref<256x256xf32, #tpu.memory_space<vmem>>[vector<16xi32>, vector<16xi32>], vector<16xf32>,
        %add3A_1040 = arith.constant 52 : i32
        %add3A_1041 = vector.broadcast %add3A_1040 : i32 to vector<16xi32>
        %add3A_1042 = arith.addi %iota3A, %add3A_1041 : vector<16xi32>
        %and3A_1043 = arith.constant 63 : i32
        %and3A_1044 = vector.broadcast %and3A_1043 : i32 to vector<16xi32>
        %and3A_1045 = arith.andi %add3A_1042, %and3A_1044 : vector<16xi32>
        %add3A_1046 = arith.addi %mul3A_88, %and3A_1045 : vector<16xi32>
        %gather3A_1047 = tpu.vector_load_idx %arg6[%add3A_1046] : memref<7020xf32, #tpu.memory_space<vmem>>[vector<16xi32>], vector<16xf32>,
        %add3A_1048 = arith.addi %mul3A_92, %and3A_1045 : vector<16xi32>
        %gather3A_1049 = tpu.vector_load_idx %arg6[%add3A_1048] : memref<7020xf32, #tpu.memory_space<vmem>>[vector<16xi32>], vector<16xf32>,
        %add3A_1050 = arith.addi %mul3A_96, %and3A_1045 : vector<16xi32>
        %gather3A_1051 = tpu.vector_load_idx %arg6[%add3A_1050] : memref<7020xf32, #tpu.memory_space<vmem>>[vector<16xi32>], vector<16xf32>,
        %mul3A_1052 = arith.mulf %min3A_41, %gather3A_1047 : vector<16xf32>
        %mul3A_1053 = arith.mulf %sub3A_97, %gather3A_1049 : vector<16xf32>
        %add3A_1054 = arith.addf %mul3A_1052, %mul3A_1053 : vector<16xf32>
        %mul3A_1055 = arith.mulf %sub3A_98, %gather3A_1051 : vector<16xf32>
        %add3A_1056 = arith.addf %add3A_1054, %mul3A_1055 : vector<16xf32>
        %add3A_1057 = arith.addi %mul3A_103, %and3A_1045 : vector<16xi32>
        tpu.vector_store_idx %arg7[%shift_right_logical3A_100, %add3A_1057], %add3A_1056 : memref<256x256xf32, #tpu.memory_space<vmem>>[vector<16xi32>, vector<16xi32>], vector<16xf32>,
        %add3A_1058 = arith.constant 53 : i32
        %add3A_1059 = vector.broadcast %add3A_1058 : i32 to vector<16xi32>
        %add3A_1060 = arith.addi %iota3A, %add3A_1059 : vector<16xi32>
        %and3A_1061 = arith.constant 63 : i32
        %and3A_1062 = vector.broadcast %and3A_1061 : i32 to vector<16xi32>
        %and3A_1063 = arith.andi %add3A_1060, %and3A_1062 : vector<16xi32>
        %add3A_1064 = arith.addi %mul3A_88, %and3A_1063 : vector<16xi32>
        %gather3A_1065 = tpu.vector_load_idx %arg6[%add3A_1064] : memref<7020xf32, #tpu.memory_space<vmem>>[vector<16xi32>], vector<16xf32>,
        %add3A_1066 = arith.addi %mul3A_92, %and3A_1063 : vector<16xi32>
        %gather3A_1067 = tpu.vector_load_idx %arg6[%add3A_1066] : memref<7020xf32, #tpu.memory_space<vmem>>[vector<16xi32>], vector<16xf32>,
        %add3A_1068 = arith.addi %mul3A_96, %and3A_1063 : vector<16xi32>
        %gather3A_1069 = tpu.vector_load_idx %arg6[%add3A_1068] : memref<7020xf32, #tpu.memory_space<vmem>>[vector<16xi32>], vector<16xf32>,
        %mul3A_1070 = arith.mulf %min3A_41, %gather3A_1065 : vector<16xf32>
        %mul3A_1071 = arith.mulf %sub3A_97, %gather3A_1067 : vector<16xf32>
        %add3A_1072 = arith.addf %mul3A_1070, %mul3A_1071 : vector<16xf32>
        %mul3A_1073 = arith.mulf %sub3A_98, %gather3A_1069 : vector<16xf32>
        %add3A_1074 = arith.addf %add3A_1072, %mul3A_1073 : vector<16xf32>
        %add3A_1075 = arith.addi %mul3A_103, %and3A_1063 : vector<16xi32>
        tpu.vector_store_idx %arg7[%shift_right_logical3A_100, %add3A_1075], %add3A_1074 : memref<256x256xf32, #tpu.memory_space<vmem>>[vector<16xi32>, vector<16xi32>], vector<16xf32>,
        %add3A_1076 = arith.constant 54 : i32
        %add3A_1077 = vector.broadcast %add3A_1076 : i32 to vector<16xi32>
        %add3A_1078 = arith.addi %iota3A, %add3A_1077 : vector<16xi32>
        %and3A_1079 = arith.constant 63 : i32
        %and3A_1080 = vector.broadcast %and3A_1079 : i32 to vector<16xi32>
        %and3A_1081 = arith.andi %add3A_1078, %and3A_1080 : vector<16xi32>
        %add3A_1082 = arith.addi %mul3A_88, %and3A_1081 : vector<16xi32>
        %gather3A_1083 = tpu.vector_load_idx %arg6[%add3A_1082] : memref<7020xf32, #tpu.memory_space<vmem>>[vector<16xi32>], vector<16xf32>,
        %add3A_1084 = arith.addi %mul3A_92, %and3A_1081 : vector<16xi32>
        %gather3A_1085 = tpu.vector_load_idx %arg6[%add3A_1084] : memref<7020xf32, #tpu.memory_space<vmem>>[vector<16xi32>], vector<16xf32>,
        %add3A_1086 = arith.addi %mul3A_96, %and3A_1081 : vector<16xi32>
        %gather3A_1087 = tpu.vector_load_idx %arg6[%add3A_1086] : memref<7020xf32, #tpu.memory_space<vmem>>[vector<16xi32>], vector<16xf32>,
        %mul3A_1088 = arith.mulf %min3A_41, %gather3A_1083 : vector<16xf32>
        %mul3A_1089 = arith.mulf %sub3A_97, %gather3A_1085 : vector<16xf32>
        %add3A_1090 = arith.addf %mul3A_1088, %mul3A_1089 : vector<16xf32>
        %mul3A_1091 = arith.mulf %sub3A_98, %gather3A_1087 : vector<16xf32>
        %add3A_1092 = arith.addf %add3A_1090, %mul3A_1091 : vector<16xf32>
        %add3A_1093 = arith.addi %mul3A_103, %and3A_1081 : vector<16xi32>
        tpu.vector_store_idx %arg7[%shift_right_logical3A_100, %add3A_1093], %add3A_1092 : memref<256x256xf32, #tpu.memory_space<vmem>>[vector<16xi32>, vector<16xi32>], vector<16xf32>,
        %add3A_1094 = arith.constant 55 : i32
        %add3A_1095 = vector.broadcast %add3A_1094 : i32 to vector<16xi32>
        %add3A_1096 = arith.addi %iota3A, %add3A_1095 : vector<16xi32>
        %and3A_1097 = arith.constant 63 : i32
        %and3A_1098 = vector.broadcast %and3A_1097 : i32 to vector<16xi32>
        %and3A_1099 = arith.andi %add3A_1096, %and3A_1098 : vector<16xi32>
        %add3A_1100 = arith.addi %mul3A_88, %and3A_1099 : vector<16xi32>
        %gather3A_1101 = tpu.vector_load_idx %arg6[%add3A_1100] : memref<7020xf32, #tpu.memory_space<vmem>>[vector<16xi32>], vector<16xf32>,
        %add3A_1102 = arith.addi %mul3A_92, %and3A_1099 : vector<16xi32>
        %gather3A_1103 = tpu.vector_load_idx %arg6[%add3A_1102] : memref<7020xf32, #tpu.memory_space<vmem>>[vector<16xi32>], vector<16xf32>,
        %add3A_1104 = arith.addi %mul3A_96, %and3A_1099 : vector<16xi32>
        %gather3A_1105 = tpu.vector_load_idx %arg6[%add3A_1104] : memref<7020xf32, #tpu.memory_space<vmem>>[vector<16xi32>], vector<16xf32>,
        %mul3A_1106 = arith.mulf %min3A_41, %gather3A_1101 : vector<16xf32>
        %mul3A_1107 = arith.mulf %sub3A_97, %gather3A_1103 : vector<16xf32>
        %add3A_1108 = arith.addf %mul3A_1106, %mul3A_1107 : vector<16xf32>
        %mul3A_1109 = arith.mulf %sub3A_98, %gather3A_1105 : vector<16xf32>
        %add3A_1110 = arith.addf %add3A_1108, %mul3A_1109 : vector<16xf32>
        %add3A_1111 = arith.addi %mul3A_103, %and3A_1099 : vector<16xi32>
        tpu.vector_store_idx %arg7[%shift_right_logical3A_100, %add3A_1111], %add3A_1110 : memref<256x256xf32, #tpu.memory_space<vmem>>[vector<16xi32>, vector<16xi32>], vector<16xf32>,
        %add3A_1112 = arith.constant 56 : i32
        %add3A_1113 = vector.broadcast %add3A_1112 : i32 to vector<16xi32>
        %add3A_1114 = arith.addi %iota3A, %add3A_1113 : vector<16xi32>
        %and3A_1115 = arith.constant 63 : i32
        %and3A_1116 = vector.broadcast %and3A_1115 : i32 to vector<16xi32>
        %and3A_1117 = arith.andi %add3A_1114, %and3A_1116 : vector<16xi32>
        %add3A_1118 = arith.addi %mul3A_88, %and3A_1117 : vector<16xi32>
        %gather3A_1119 = tpu.vector_load_idx %arg6[%add3A_1118] : memref<7020xf32, #tpu.memory_space<vmem>>[vector<16xi32>], vector<16xf32>,
        %add3A_1120 = arith.addi %mul3A_92, %and3A_1117 : vector<16xi32>
        %gather3A_1121 = tpu.vector_load_idx %arg6[%add3A_1120] : memref<7020xf32, #tpu.memory_space<vmem>>[vector<16xi32>], vector<16xf32>,
        %add3A_1122 = arith.addi %mul3A_96, %and3A_1117 : vector<16xi32>
        %gather3A_1123 = tpu.vector_load_idx %arg6[%add3A_1122] : memref<7020xf32, #tpu.memory_space<vmem>>[vector<16xi32>], vector<16xf32>,
        %mul3A_1124 = arith.mulf %min3A_41, %gather3A_1119 : vector<16xf32>
        %mul3A_1125 = arith.mulf %sub3A_97, %gather3A_1121 : vector<16xf32>
        %add3A_1126 = arith.addf %mul3A_1124, %mul3A_1125 : vector<16xf32>
        %mul3A_1127 = arith.mulf %sub3A_98, %gather3A_1123 : vector<16xf32>
        %add3A_1128 = arith.addf %add3A_1126, %mul3A_1127 : vector<16xf32>
        %add3A_1129 = arith.addi %mul3A_103, %and3A_1117 : vector<16xi32>
        tpu.vector_store_idx %arg7[%shift_right_logical3A_100, %add3A_1129], %add3A_1128 : memref<256x256xf32, #tpu.memory_space<vmem>>[vector<16xi32>, vector<16xi32>], vector<16xf32>,
        %add3A_1130 = arith.constant 57 : i32
        %add3A_1131 = vector.broadcast %add3A_1130 : i32 to vector<16xi32>
        %add3A_1132 = arith.addi %iota3A, %add3A_1131 : vector<16xi32>
        %and3A_1133 = arith.constant 63 : i32
        %and3A_1134 = vector.broadcast %and3A_1133 : i32 to vector<16xi32>
        %and3A_1135 = arith.andi %add3A_1132, %and3A_1134 : vector<16xi32>
        %add3A_1136 = arith.addi %mul3A_88, %and3A_1135 : vector<16xi32>
        %gather3A_1137 = tpu.vector_load_idx %arg6[%add3A_1136] : memref<7020xf32, #tpu.memory_space<vmem>>[vector<16xi32>], vector<16xf32>,
        %add3A_1138 = arith.addi %mul3A_92, %and3A_1135 : vector<16xi32>
        %gather3A_1139 = tpu.vector_load_idx %arg6[%add3A_1138] : memref<7020xf32, #tpu.memory_space<vmem>>[vector<16xi32>], vector<16xf32>,
        %add3A_1140 = arith.addi %mul3A_96, %and3A_1135 : vector<16xi32>
        %gather3A_1141 = tpu.vector_load_idx %arg6[%add3A_1140] : memref<7020xf32, #tpu.memory_space<vmem>>[vector<16xi32>], vector<16xf32>,
        %mul3A_1142 = arith.mulf %min3A_41, %gather3A_1137 : vector<16xf32>
        %mul3A_1143 = arith.mulf %sub3A_97, %gather3A_1139 : vector<16xf32>
        %add3A_1144 = arith.addf %mul3A_1142, %mul3A_1143 : vector<16xf32>
        %mul3A_1145 = arith.mulf %sub3A_98, %gather3A_1141 : vector<16xf32>
        %add3A_1146 = arith.addf %add3A_1144, %mul3A_1145 : vector<16xf32>
        %add3A_1147 = arith.addi %mul3A_103, %and3A_1135 : vector<16xi32>
        tpu.vector_store_idx %arg7[%shift_right_logical3A_100, %add3A_1147], %add3A_1146 : memref<256x256xf32, #tpu.memory_space<vmem>>[vector<16xi32>, vector<16xi32>], vector<16xf32>,
        %add3A_1148 = arith.constant 58 : i32
        %add3A_1149 = vector.broadcast %add3A_1148 : i32 to vector<16xi32>
        %add3A_1150 = arith.addi %iota3A, %add3A_1149 : vector<16xi32>
        %and3A_1151 = arith.constant 63 : i32
        %and3A_1152 = vector.broadcast %and3A_1151 : i32 to vector<16xi32>
        %and3A_1153 = arith.andi %add3A_1150, %and3A_1152 : vector<16xi32>
        %add3A_1154 = arith.addi %mul3A_88, %and3A_1153 : vector<16xi32>
        %gather3A_1155 = tpu.vector_load_idx %arg6[%add3A_1154] : memref<7020xf32, #tpu.memory_space<vmem>>[vector<16xi32>], vector<16xf32>,
        %add3A_1156 = arith.addi %mul3A_92, %and3A_1153 : vector<16xi32>
        %gather3A_1157 = tpu.vector_load_idx %arg6[%add3A_1156] : memref<7020xf32, #tpu.memory_space<vmem>>[vector<16xi32>], vector<16xf32>,
        %add3A_1158 = arith.addi %mul3A_96, %and3A_1153 : vector<16xi32>
        %gather3A_1159 = tpu.vector_load_idx %arg6[%add3A_1158] : memref<7020xf32, #tpu.memory_space<vmem>>[vector<16xi32>], vector<16xf32>,
        %mul3A_1160 = arith.mulf %min3A_41, %gather3A_1155 : vector<16xf32>
        %mul3A_1161 = arith.mulf %sub3A_97, %gather3A_1157 : vector<16xf32>
        %add3A_1162 = arith.addf %mul3A_1160, %mul3A_1161 : vector<16xf32>
        %mul3A_1163 = arith.mulf %sub3A_98, %gather3A_1159 : vector<16xf32>
        %add3A_1164 = arith.addf %add3A_1162, %mul3A_1163 : vector<16xf32>
        %add3A_1165 = arith.addi %mul3A_103, %and3A_1153 : vector<16xi32>
        tpu.vector_store_idx %arg7[%shift_right_logical3A_100, %add3A_1165], %add3A_1164 : memref<256x256xf32, #tpu.memory_space<vmem>>[vector<16xi32>, vector<16xi32>], vector<16xf32>,
        %add3A_1166 = arith.constant 59 : i32
        %add3A_1167 = vector.broadcast %add3A_1166 : i32 to vector<16xi32>
        %add3A_1168 = arith.addi %iota3A, %add3A_1167 : vector<16xi32>
        %and3A_1169 = arith.constant 63 : i32
        %and3A_1170 = vector.broadcast %and3A_1169 : i32 to vector<16xi32>
        %and3A_1171 = arith.andi %add3A_1168, %and3A_1170 : vector<16xi32>
        %add3A_1172 = arith.addi %mul3A_88, %and3A_1171 : vector<16xi32>
        %gather3A_1173 = tpu.vector_load_idx %arg6[%add3A_1172] : memref<7020xf32, #tpu.memory_space<vmem>>[vector<16xi32>], vector<16xf32>,
        %add3A_1174 = arith.addi %mul3A_92, %and3A_1171 : vector<16xi32>
        %gather3A_1175 = tpu.vector_load_idx %arg6[%add3A_1174] : memref<7020xf32, #tpu.memory_space<vmem>>[vector<16xi32>], vector<16xf32>,
        %add3A_1176 = arith.addi %mul3A_96, %and3A_1171 : vector<16xi32>
        %gather3A_1177 = tpu.vector_load_idx %arg6[%add3A_1176] : memref<7020xf32, #tpu.memory_space<vmem>>[vector<16xi32>], vector<16xf32>,
        %mul3A_1178 = arith.mulf %min3A_41, %gather3A_1173 : vector<16xf32>
        %mul3A_1179 = arith.mulf %sub3A_97, %gather3A_1175 : vector<16xf32>
        %add3A_1180 = arith.addf %mul3A_1178, %mul3A_1179 : vector<16xf32>
        %mul3A_1181 = arith.mulf %sub3A_98, %gather3A_1177 : vector<16xf32>
        %add3A_1182 = arith.addf %add3A_1180, %mul3A_1181 : vector<16xf32>
        %add3A_1183 = arith.addi %mul3A_103, %and3A_1171 : vector<16xi32>
        tpu.vector_store_idx %arg7[%shift_right_logical3A_100, %add3A_1183], %add3A_1182 : memref<256x256xf32, #tpu.memory_space<vmem>>[vector<16xi32>, vector<16xi32>], vector<16xf32>,
        %add3A_1184 = arith.constant 60 : i32
        %add3A_1185 = vector.broadcast %add3A_1184 : i32 to vector<16xi32>
        %add3A_1186 = arith.addi %iota3A, %add3A_1185 : vector<16xi32>
        %and3A_1187 = arith.constant 63 : i32
        %and3A_1188 = vector.broadcast %and3A_1187 : i32 to vector<16xi32>
        %and3A_1189 = arith.andi %add3A_1186, %and3A_1188 : vector<16xi32>
        %add3A_1190 = arith.addi %mul3A_88, %and3A_1189 : vector<16xi32>
        %gather3A_1191 = tpu.vector_load_idx %arg6[%add3A_1190] : memref<7020xf32, #tpu.memory_space<vmem>>[vector<16xi32>], vector<16xf32>,
        %add3A_1192 = arith.addi %mul3A_92, %and3A_1189 : vector<16xi32>
        %gather3A_1193 = tpu.vector_load_idx %arg6[%add3A_1192] : memref<7020xf32, #tpu.memory_space<vmem>>[vector<16xi32>], vector<16xf32>,
        %add3A_1194 = arith.addi %mul3A_96, %and3A_1189 : vector<16xi32>
        %gather3A_1195 = tpu.vector_load_idx %arg6[%add3A_1194] : memref<7020xf32, #tpu.memory_space<vmem>>[vector<16xi32>], vector<16xf32>,
        %mul3A_1196 = arith.mulf %min3A_41, %gather3A_1191 : vector<16xf32>
        %mul3A_1197 = arith.mulf %sub3A_97, %gather3A_1193 : vector<16xf32>
        %add3A_1198 = arith.addf %mul3A_1196, %mul3A_1197 : vector<16xf32>
        %mul3A_1199 = arith.mulf %sub3A_98, %gather3A_1195 : vector<16xf32>
        %add3A_1200 = arith.addf %add3A_1198, %mul3A_1199 : vector<16xf32>
        %add3A_1201 = arith.addi %mul3A_103, %and3A_1189 : vector<16xi32>
        tpu.vector_store_idx %arg7[%shift_right_logical3A_100, %add3A_1201], %add3A_1200 : memref<256x256xf32, #tpu.memory_space<vmem>>[vector<16xi32>, vector<16xi32>], vector<16xf32>,
        %add3A_1202 = arith.constant 61 : i32
        %add3A_1203 = vector.broadcast %add3A_1202 : i32 to vector<16xi32>
        %add3A_1204 = arith.addi %iota3A, %add3A_1203 : vector<16xi32>
        %and3A_1205 = arith.constant 63 : i32
        %and3A_1206 = vector.broadcast %and3A_1205 : i32 to vector<16xi32>
        %and3A_1207 = arith.andi %add3A_1204, %and3A_1206 : vector<16xi32>
        %add3A_1208 = arith.addi %mul3A_88, %and3A_1207 : vector<16xi32>
        %gather3A_1209 = tpu.vector_load_idx %arg6[%add3A_1208] : memref<7020xf32, #tpu.memory_space<vmem>>[vector<16xi32>], vector<16xf32>,
        %add3A_1210 = arith.addi %mul3A_92, %and3A_1207 : vector<16xi32>
        %gather3A_1211 = tpu.vector_load_idx %arg6[%add3A_1210] : memref<7020xf32, #tpu.memory_space<vmem>>[vector<16xi32>], vector<16xf32>,
        %add3A_1212 = arith.addi %mul3A_96, %and3A_1207 : vector<16xi32>
        %gather3A_1213 = tpu.vector_load_idx %arg6[%add3A_1212] : memref<7020xf32, #tpu.memory_space<vmem>>[vector<16xi32>], vector<16xf32>,
        %mul3A_1214 = arith.mulf %min3A_41, %gather3A_1209 : vector<16xf32>
        %mul3A_1215 = arith.mulf %sub3A_97, %gather3A_1211 : vector<16xf32>
        %add3A_1216 = arith.addf %mul3A_1214, %mul3A_1215 : vector<16xf32>
        %mul3A_1217 = arith.mulf %sub3A_98, %gather3A_1213 : vector<16xf32>
        %add3A_1218 = arith.addf %add3A_1216, %mul3A_1217 : vector<16xf32>
        %add3A_1219 = arith.addi %mul3A_103, %and3A_1207 : vector<16xi32>
        tpu.vector_store_idx %arg7[%shift_right_logical3A_100, %add3A_1219], %add3A_1218 : memref<256x256xf32, #tpu.memory_space<vmem>>[vector<16xi32>, vector<16xi32>], vector<16xf32>,
        %add3A_1220 = arith.constant 62 : i32
        %add3A_1221 = vector.broadcast %add3A_1220 : i32 to vector<16xi32>
        %add3A_1222 = arith.addi %iota3A, %add3A_1221 : vector<16xi32>
        %and3A_1223 = arith.constant 63 : i32
        %and3A_1224 = vector.broadcast %and3A_1223 : i32 to vector<16xi32>
        %and3A_1225 = arith.andi %add3A_1222, %and3A_1224 : vector<16xi32>
        %add3A_1226 = arith.addi %mul3A_88, %and3A_1225 : vector<16xi32>
        %gather3A_1227 = tpu.vector_load_idx %arg6[%add3A_1226] : memref<7020xf32, #tpu.memory_space<vmem>>[vector<16xi32>], vector<16xf32>,
        %add3A_1228 = arith.addi %mul3A_92, %and3A_1225 : vector<16xi32>
        %gather3A_1229 = tpu.vector_load_idx %arg6[%add3A_1228] : memref<7020xf32, #tpu.memory_space<vmem>>[vector<16xi32>], vector<16xf32>,
        %add3A_1230 = arith.addi %mul3A_96, %and3A_1225 : vector<16xi32>
        %gather3A_1231 = tpu.vector_load_idx %arg6[%add3A_1230] : memref<7020xf32, #tpu.memory_space<vmem>>[vector<16xi32>], vector<16xf32>,
        %mul3A_1232 = arith.mulf %min3A_41, %gather3A_1227 : vector<16xf32>
        %mul3A_1233 = arith.mulf %sub3A_97, %gather3A_1229 : vector<16xf32>
        %add3A_1234 = arith.addf %mul3A_1232, %mul3A_1233 : vector<16xf32>
        %mul3A_1235 = arith.mulf %sub3A_98, %gather3A_1231 : vector<16xf32>
        %add3A_1236 = arith.addf %add3A_1234, %mul3A_1235 : vector<16xf32>
        %add3A_1237 = arith.addi %mul3A_103, %and3A_1225 : vector<16xi32>
        tpu.vector_store_idx %arg7[%shift_right_logical3A_100, %add3A_1237], %add3A_1236 : memref<256x256xf32, #tpu.memory_space<vmem>>[vector<16xi32>, vector<16xi32>], vector<16xf32>,
        %add3A_1238 = arith.constant 63 : i32
        %add3A_1239 = vector.broadcast %add3A_1238 : i32 to vector<16xi32>
        %add3A_1240 = arith.addi %iota3A, %add3A_1239 : vector<16xi32>
        %and3A_1241 = arith.constant 63 : i32
        %and3A_1242 = vector.broadcast %and3A_1241 : i32 to vector<16xi32>
        %and3A_1243 = arith.andi %add3A_1240, %and3A_1242 : vector<16xi32>
        %add3A_1244 = arith.addi %mul3A_88, %and3A_1243 : vector<16xi32>
        %gather3A_1245 = tpu.vector_load_idx %arg6[%add3A_1244] : memref<7020xf32, #tpu.memory_space<vmem>>[vector<16xi32>], vector<16xf32>,
        %add3A_1246 = arith.addi %mul3A_92, %and3A_1243 : vector<16xi32>
        %gather3A_1247 = tpu.vector_load_idx %arg6[%add3A_1246] : memref<7020xf32, #tpu.memory_space<vmem>>[vector<16xi32>], vector<16xf32>,
        %add3A_1248 = arith.addi %mul3A_96, %and3A_1243 : vector<16xi32>
        %gather3A_1249 = tpu.vector_load_idx %arg6[%add3A_1248] : memref<7020xf32, #tpu.memory_space<vmem>>[vector<16xi32>], vector<16xf32>,
        %mul3A_1250 = arith.mulf %min3A_41, %gather3A_1245 : vector<16xf32>
        %mul3A_1251 = arith.mulf %sub3A_97, %gather3A_1247 : vector<16xf32>
        %add3A_1252 = arith.addf %mul3A_1250, %mul3A_1251 : vector<16xf32>
        %mul3A_1253 = arith.mulf %sub3A_98, %gather3A_1249 : vector<16xf32>
        %add3A_1254 = arith.addf %add3A_1252, %mul3A_1253 : vector<16xf32>
        %add3A_1255 = arith.addi %mul3A_103, %and3A_1243 : vector<16xi32>
        tpu.vector_store_idx %arg7[%shift_right_logical3A_100, %add3A_1255], %add3A_1254 : memref<256x256xf32, #tpu.memory_space<vmem>>[vector<16xi32>, vector<16xi32>], vector<16xf32>,
      }
      %scan3A_16 = arith.constant 64 : i32
      %mul3A_17 = arith.constant 256 : i32
      %mul3A_18 = arith.muli %scan3A_7, %mul3A_17 : i32
      %mul3A_19 = arith.constant 4 : i32
      %mul3A_20 = arith.muli %add3A, %mul3A_19 : i32
      %mul3A_21 = arith.constant 64 : i32
      %mul3A_22 = arith.muli %mul3A_20, %mul3A_21 : i32
      "tpu.region"() ({
        %run_scoped3A = tpu.sem_alloc : memref<!tpu.dma_semaphore, #tpu.memory_space<semaphore_mem>>
        %dma_start3A = tpu.memref_slice %arg4[%mul3A_18, %mul3A_22] : memref<2048x8192xf32, #tpu.memory_space<hbm>> -> memref<256x256xf32, #tpu.memory_space<hbm>>
        %dma_start3A_23 = tpu.memref_slice %arg4[%mul3A_18, %mul3A_22] : memref<2048x8192xf32, #tpu.memory_space<hbm>> -> memref<256x256xf32, #tpu.memory_space<hbm>>
        tpu.enqueue_dma source(%arg7 : memref<256x256xf32, #tpu.memory_space<vmem>>) target(%dma_start3A_23 : memref<256x256xf32, #tpu.memory_space<hbm>>) target_semaphore(%run_scoped3A : memref<!tpu.dma_semaphore, #tpu.memory_space<semaphore_mem>>)
        %dma_wait3A = tpu.memref_slice %arg4[%mul3A_18, %mul3A_22] : memref<2048x8192xf32, #tpu.memory_space<hbm>> -> memref<256x256xf32, #tpu.memory_space<hbm>>
        %dma_wait3A_24 = tpu.memref_slice %arg4[%mul3A_18, %mul3A_22] : memref<2048x8192xf32, #tpu.memory_space<hbm>> -> memref<256x256xf32, #tpu.memory_space<hbm>>
        tpu.wait_dma2 semaphore(%run_scoped3A : memref<!tpu.dma_semaphore, #tpu.memory_space<semaphore_mem>>) src(%arg7 : memref<256x256xf32, #tpu.memory_space<vmem>>) dst(%dma_wait3A_24 : memref<256x256xf32, #tpu.memory_space<hbm>>)
        tpu.yield
      }) : () -> ()
    }
    %scan3A_6 = arith.constant 8 : i32
    return
  }
}

</mosaic_0001>

<sc_bundles>
// kernel: _sc_call.3.cloned.1.call-start
scs
__scs_entry_jumppad:
0x0: {  	(pc) =	sbr.rel $0x88, $3  }
0x1: {  	(tag) =	ssettag $0x0;
	lr =	simm.s32 $0x1  }
0x2: {  	[smem:$0x3F9F] =	sst lr;
	_ =	strace $0xD0000000  }
0x3: {  	_ = 	snop  }
0x4: {  	_ = 	snop  }
0x5: {  	_ = 	snop  }
0x6: {  	_ = 	snop  }
0x7: {  	_ = 	snop  }
__scs_overlays_trampoline_lowered:
0x8: {  	[smem:$0x3FAE] =	sst s0  }
0x9: {  	[smem:$0x3FAF] =	sst s1  }
0xa: {  	[smem:$0x3FB0] =	sst s2  }
0xb: {  	[smem:$0x3FB1] =	sst s3  }
0xc: {  	[smem:$0x3FB2] =	sst s4  }
0xd: {  	[smem:$0x3FB3] =	sst s5  }
0xe: {  	[smem:$0x3FB4] =	sst s6  }
0xf: {  	[smem:$0x3FB5] =	sst s7  }
0x10: {  	[smem:$0x3FB6] =	sst s8  }
0x11: {  	[smem:$0x3FB7] =	sst s9;
	s0 =	simm.s32 @!p0 $0x0  }
0x12: {  	s1 =	sld [smem:$0x3F9D];
	s0 =	simm.s32 @p0 $0x1  }
0x13: {  	[smem:$0x3FB8] =	sst s0;
	s0 =	simm.s32 @!p1 $0x0  }
0x14: {  	s2 =	sld [smem:$0x3F9C];
	s0 =	simm.s32 @p1 $0x1  }
0x15: {  	[smem:$0x3FB9] =	sst s0;
	s0 =	simm.s32 @!p2 $0x0  }
0x16: {  	s3 =	sld [smem:$0x3FDB];
	s0 =	simm.s32 @p2 $0x1  }
0x17: {  	s4 =	simm.s32 $0x1BF5;
	[smem:$0x3FBB] =	sst s0  }
0x18: {  	s0 =	sld [smem:$0x3F9E];
	_ =	swait.ge [sflag:s4], $0x0  }
0x19: {  	s7 =	sld [smem:$0x3F9F]  }
0x1a: {  	s8 =	sadd.s32 $0xFFFFE003, lr  }
0x1b: {  	s9 =	sadd.s32 $0xFFFFFEF7, lr;
	s5 =	simm.s32 $0xFFFFFFFF;
	p2 =	slt.u32 s8, $0xFFFFF086  }
0x1c: {  	p1 =	slt.u32 s9, $0xF7A;
	s5 =	simm.s32 @!p2 $0x0  }
0x1d: {  	s5 =	simm.s32 @p1 $0x1;
	p0 =	seq.s32 s7, s2  }
0x1e: {  	s7 =	smul.u32 @!p0 $0xF7A, s2;
	p2 =	seq.s32 @!p0 s5, $0x0  }
0x1f: {  	s9 =	smul.u32 $0xF7A, s1;
	s8 =	simm.s32 @!p0 $0x1BF5;
	p2 =	por !p2, p0  }
0x20: {  	[sflag:s8] =	ssyncset.s32 @!p0 $0xFFFFF086;
	s6 =	sadd.s32 @!p0 s3, s7;
	s7 =	simm.s32 @!p0 $0x108  }
0x21: {  	s3 =	sadd.s32 s3, s9;
	s6 =	sadd.s32 @!p0 $0x88, s6;
	s7 =	simm.s32 @p2 $0x1082  }
0x22: {  	[simem:s7], [sflag:s8] =	dma.local @!p0 [hbm:s6], $0xF7A  }
0x23: {  	s9 =	sor.u32 $0xD0000000, s2;
	s6 =	simm.s32 $0x108;
	_ =	swait.ge @!p0 [sflag:s8], $0x0  }
0x24: {  	s3 =	sadd.s32 $0x88, s3;
	s6 =	simm.s32 @!p1 $0x1082;
	[sflag:s4] =	ssyncset.s32 $0xFFFFF086  }
0x25: {  	[simem:s6], [sflag:s4] =	dma.local [hbm:s3], $0xF7A  }
0x26: {  	[smem:$0x3F9F] =	sst s1;
	(tag) =	ssettag s2;
	_ =	strace s9  }
0x27: {  	s1 =	sld [smem:$0x3FAF]  }
0x28: {  	s2 =	sld [smem:$0x3FB0]  }
0x29: {  	s4 =	sld [smem:$0x3FB2]  }
0x2a: {  	p0 =	seq.s32 s5, $0x0;
	s5 =	sld [smem:$0x3FB3]  }
0x2b: {  	s6 =	sld [smem:$0x3FB4]  }
0x2c: {  	s7 =	sld [smem:$0x3FB5]  }
0x2d: {  	s3 =	simm.s32 $0x108;
	s8 =	sld [smem:$0x3FB6]  }
0x2e: {  	s3 =	simm.s32 @!p0 $0x1082;
	s9 =	sld [smem:$0x3FB7]  }
0x2f: {  	lr =	sadd.s32 s0, s3;
	s0 =	sld [smem:$0x3FAE]  }
0x30: {  	s3 =	sld [smem:$0x3FB1]  }
0x31: {  	[smem:$0x3FBA] =	sst s10  }
0x32: {  	s10 =	sld [smem:$0x3FB8];
	_ =	sdelay $0x3  }
0x33: {  	p0 =	seq.s32 s10, $0x1;
	s10 =	sld [smem:$0x3FBA];
	_ =	sdelay $0x3  }
0x34: {  	[smem:$0x3FBA] =	sst s10  }
0x35: {  	s10 =	sld [smem:$0x3FB9];
	_ =	sdelay $0x3  }
0x36: {  	p1 =	seq.s32 s10, $0x1;
	s10 =	sld [smem:$0x3FBA];
	_ =	sdelay $0x3  }
0x37: {  	[smem:$0x3FBA] =	sst s10  }
0x38: {  	s10 =	sld [smem:$0x3FBB]  }
0x39: {  	_ = 	snop;
	(pc) =	sbr.ind lr, $3  }
0x3a: {  	_ = 	snop  }
0x3b: {  	_ = 	snop  }
0x3c: {  	p2 =	seq.s32 s10, $0x1;
	s10 =	sld [smem:$0x3FBA]  }
0x3d: {  	_ =	shalt  }
0x3e: {  	_ =	shalt  }
0x3f: {  	_ =	shalt  }
0x40: {  	_ =	shalt  }
0x41: {  	_ =	shalt  }
0x42: {  	_ =	shalt  }
0x43: {  	_ =	shalt  }
0x44: {  	_ =	shalt  }
0x45: {  	_ =	shalt  }
0x46: {  	_ =	shalt  }
0x47: {  	_ =	shalt  }
0x48: {  	_ =	shalt  }
0x49: {  	_ =	shalt  }
0x4a: {  	_ =	shalt  }
0x4b: {  	_ =	shalt  }
0x4c: {  	_ =	shalt  }
0x4d: {  	_ =	shalt  }
0x4e: {  	_ =	shalt  }
0x4f: {  	_ =	shalt  }
0x50: {  	_ =	shalt  }
0x51: {  	_ =	shalt  }
0x52: {  	_ =	shalt  }
0x53: {  	_ =	shalt  }
0x54: {  	_ =	shalt  }
0x55: {  	_ =	shalt  }
0x56: {  	_ =	shalt  }
0x57: {  	_ =	shalt  }
0x58: {  	_ =	shalt  }
0x59: {  	_ =	shalt  }
0x5a: {  	_ =	shalt  }
0x5b: {  	_ =	shalt  }
0x5c: {  	_ =	shalt  }
0x5d: {  	_ =	shalt  }
0x5e: {  	_ =	shalt  }
0x5f: {  	_ =	shalt  }
0x60: {  	_ =	shalt  }
0x61: {  	_ =	shalt  }
0x62: {  	_ =	shalt  }
0x63: {  	_ =	shalt  }
0x64: {  	_ =	shalt  }
0x65: {  	_ =	shalt  }
0x66: {  	_ =	shalt  }
0x67: {  	_ =	shalt  }
0x68: {  	_ =	shalt  }
0x69: {  	_ =	shalt  }
0x6a: {  	_ =	shalt  }
0x6b: {  	_ =	shalt  }
0x6c: {  	_ =	shalt  }
0x6d: {  	_ =	shalt  }
0x6e: {  	_ =	shalt  }
0x6f: {  	_ =	shalt  }
0x70: {  	_ =	shalt  }
0x71: {  	_ =	shalt  }
0x72: {  	_ =	shalt  }
0x73: {  	_ =	shalt  }
0x74: {  	_ =	shalt  }
0x75: {  	_ =	shalt  }
0x76: {  	_ =	shalt  }
0x77: {  	_ =	shalt  }
0x78: {  	_ =	shalt  }
0x79: {  	_ =	shalt  }
0x7a: {  	_ =	shalt  }
0x7b: {  	_ =	shalt  }
0x7c: {  	_ =	shalt  }
0x7d: {  	_ =	shalt  }
0x7e: {  	_ =	shalt  }
0x7f: {  	_ =	shalt  }
0x80: {  	_ =	shalt  }
0x81: {  	_ =	shalt  }
0x82: {  	_ =	shalt  }
0x83: {  	_ =	shalt  }
0x84: {  	_ =	shalt  }
0x85: {  	_ =	shalt  }
0x86: {  	_ =	shalt  }
0x87: {  	_ =	shalt  }
.Lfunc_end0:
.L_simem_size_0:
called_computation_lowered:
.L_overlay_start_0:
0x88: {  	s2 =	sld [smem:$0x3FD9]  }
0x89: {  	s3 =	sld [smem:$0x3FFE];
	_ =	sdelay $0x1  }
0x8a: {  	s1 =	srdreg.scid  }
0x8b: {  	s0 =	sand.u32 $0x1, s1  }
0x8c: {  	s18 =	sshll.u32 s0, $0xA;
	s2 =	sadd.s32 s3, s2  }
0x8d: {  	s2 =	sadd.s32 s2, s18  }
0x8e: {  	[smem:$0x3FC6] =	sst s2  }
0x8f: {  	_ = 	snop  }
0x90: {  	s2 =	sld [smem:$0x3FC9]  }
0x91: {  	s19 =	sld [smem:$0x3FC8]  }
0x92: {  	s4 =	sld [smem:$0x3FD0];
	(tm) =	ssettm $0x1  }
0x93: {  	s5 =	sld [smem:$0x3FFB];
	_ =	sdelay $0x3  }
0x94: {  	_ =	strace s5  }
0x95: {  	s5 =	sld [smem:$0x3FFC];
	_ =	sdelay $0x3  }
0x96: {  	_ =	strace s5  }
0x97: {  	s5 =	sld [smem:$0x3FFD];
	_ =	sdelay $0x3  }
0x98: {  	_ =	strace s5  }
0x99: {  	_ =	strace $0x8FFFFFFF  }
0x9a: {  	s20 =	sld [smem:$0x3FDB];
	_ =	sdelay $0x1  }
0x9b: {  	s6 =	simm.s32 $_scs_section_size  }
0x9c: {  	s7 =	simm.s32 $_size__tile_overlayer_lowered;
	s8 =	simm.s32 $_tile_overlayer_lowered  }
0x9d: {  	s23 =	simm.s32 $0x1BFF;
	s22 =	sshll.u32 s8, $0x1;
	s5 =	sadd.s32 s6, s20  }
0x9e: {  	s9 =	simm.s32 $0x0;
	s21 =	sshll.u32 s7, $0x1;
	s7 =	sadd.s32 s22, s5  }
0x9f: {  	[timem:s9], [sflag:s23] =	dma.local [hbm:s7], s21  }
0xa0: {  	_ =	swait.ge [sflag:s23], s21  }
0xa1: {  	s6 =	ssub.s32 $0x0, s21;
	[sflag:s23] =	ssyncset.done $0x0  }
0xa2: {  	[sflag:s23] =	ssyncadd.s32 s6;
	_ =	sdelay $0x1  }
0xa3: {  	s24 =	simm.s32 $0x1B8B  }
0xa4: {  	_ =	swait.ge [sflag:s24], $0x1  }
0xa5: {  	[sflag:s24] =	ssyncset.done $0x0  }
0xa6: {  	s25 =	simm.s32 $0x1B8E;
	[sflag:s24] =	ssyncadd.s32 $0xFFFFFFFF  }
0xa7: {  	s26 =	simm.s32 $execute0_lowered;
	[smem:$0x3FD2] =	sst s25  }
0xa8: {  	s6 =	sshll.u32 s26, $0x1;
	_ =	strace $0x80000046;
	[dreg:$0x1] =	wrdreg $0xFFFFFFFF  }
0xa9: {  	s28 =	simm.s32 $_size_execute0_lowered;
	s5 =	sadd.s32 s5, s6;
	[dreg:$0x0] =	wrdreg $0x0  }
0xaa: {  	s6 =	sshll.u32 s28, $0x1;
	[dreg:$0x2] =	wrdreg s5  }
0xab: {  	[dreg:$0x3] =	wrdreg s6  }
0xac: {  	[dreg:$0x4] =	wrdreg $0xC0  }
0xad: {  	_ =	task [dreg:s9], $0x5FFFF  }
0xae: {  	[dreg:$0x1] =	wrdreg $0xFFFFFFFF  }
0xaf: {  	[dreg:$0x0] =	wrdreg $0x60  }
0xb0: {  	[dreg:$0x2] =	wrdreg s2  }
0xb1: {  	[dreg:$0x3] =	wrdreg s19  }
0xb2: {  	[dreg:$0x4] =	wrdreg s4  }
0xb3: {  	[dreg:$0x5] =	wrdreg $0x9  }
0xb4: {  	_ =	task.clear_ibuf [dreg:s9], $0x6FFFF;
	_ =	strace $0x90000046  }
0xb5: {  	s29 =	simm.s32 $0x9;
	_ =	strace $0x80000048  }
0xb6: {  	_ =	swait.ge [sflag:s29], $0x1  }
0xb7: {  	[sflag:s29] =	ssyncadd.s32 $0xFFFFFFFF  }
0xb8: {  	_ =	strace $0x90000048  }
0xb9: {  	_ =	sfence  }
0xba: {  	s30 =	sld [smem:$0x0];
	_ =	sdelay $0x2  }
0xbb: {  	s31 =	sshll.u32 s1, $0xD;
	s1 =	sshrl.u32 s1, $0x2  }
0xbc: {  	s3 =	sand.u32 $0x4000, s31;
	s1 =	sadd.s32 s1, s30  }
0xbd: {  	s0 =	sor.u32 s3, s0;
	s1 =	sshll.u32 s1, $0x11  }
0xbe: {  	s0 =	sor.u32 s1, s0  }
0xbf: {  	s0 =	sadd.s32 $0x8F2B, s0  }
0xc0: {  	[sflag:s0] =	ssyncadd.remote.s32 $0x1  }
0xc1: {  	_ =	sfence.sel $0xFFFF  }
0xc2: {  	[dreg:$0x0] =	wrdreg $0xFFFFFFFF;
	(pc) =	sbr.abs _section_cstart, $3  }
0xc3: {  	[dreg:$0x1] =	wrdreg $0xFFFFFFFF  }
0xc4: {  	_ =	task.clear_ibuf [dreg:s9], $0x2FFFF;
	_ =	strace $0x9FFFFFFF  }
0xc5: {  	(tm) =	ssettm $0x7FFFFFFF  }
tec
execute0_lowered:
.L_overlay_start_1:
0x0: {  	(tag) =	ssettag $0x1  }
0x1: {  	vm15 =	vcmask $0x300;
	v0 =	vimm.s32 $0x17ED  }
0x2: {  	vm13 =	vcmask $0x704;
	vm14 =	vcmask $0xB08;
	vm12 =	vcmask $0xF0C  }
0x3: {  	vm11 =	vcmask $0x1310;
	vm10 =	vcmask $0x1714;
	vm9 =	vcmask $0x1B18  }
0x4: {  	vm8 =	vcmask $0x1F1C;
	vm7 =	vcmask $0x2320;
	vm6 =	vcmask $0x2724  }
0x5: {  	vm5 =	vcmask $0x2B28;
	v1 =	vimm.s32 $0x17EE;
	vm4 =	vcmask $0x2F2C  }
0x6: {  	vm3 =	vcmask $0x3330;
	vm2 =	vcmask $0x3734;
	v2 =	vlaneseq.u32  }
0x7: {  	vm1 =	vcmask $0x3B38;
	vm0 =	vcmask $0x1F10;
	v8 =	vimm.s32 $0x17F0  }
0x8: {  	v9 =	vimm.s32 $0x51104F0E;
	v11 =	vimm.s32 $0x17F1;
	v12 =	vimm.s32 $0x17F6  }
0x9: {  	v13 =	vimm.s32 $0x17F7;
	v14 =	vimm.s32 $0x17F8;
	v15 =	vimm.s32 $0x17F9  }
0xa: {  	v16 =	vimm.s32 $0x17FA;
	v17 =	vimm.s32 $0x17FB;
	v18 =	vimm.s32 $0x17FC  }
0xb: {  	v19 =	vimm.s32 $0x17FD;
	v20 =	vimm.s32 $0x17FE;
	v21 =	vimm.s32 $0x17FF  }
0xc: {  	v22 =	vimm.s32 $0x1800;
	v23 =	vimm.s32 $0x1801;
	v24 =	vimm.s32 $0x1802  }
0xd: {  	v25 =	vimm.s32 $0x1803;
	v26 =	vimm.s32 $0x1804;
	v27 =	vimm.s32 $0x1805  }
0xe: {  	v28 =	vimm.s32 $0x1806;
	v29 =	vimm.s32 $0x1807;
	v30 =	vimm.s32 $0x1808  }
0xf: {  	v31 =	vimm.s32 $0x1809;
	v32 =	vimm.s32 $0x180A;
	v33 =	vimm.s32 $0x180B  }
0x10: {  	v34 =	vimm.s32 $0x180C;
	v35 =	vimm.s32 $0x180D;
	v36 =	vimm.s32 $0x180E  }
0x11: {  	v37 =	vimm.s32 $0x180F;
	v38 =	vimm.s32 $0x1810;
	v39 =	vimm.s32 $0x1811  }
0x12: {  	v40 =	vimm.s32 $0x1812;
	v41 =	vimm.s32 $0x1813;
	v42 =	vimm.s32 $0x1814  }
0x13: {  	v43 =	vimm.s32 $0x1815;
	v44 =	vimm.s32 $0x1816;
	v45 =	vimm.s32 $0x1817  }
0x14: {  	v46 =	vimm.s32 $0x1818;
	v47 =	vimm.s32 $0x1819;
	v48 =	vimm.s32 $0x181A  }
0x15: {  	v49 =	vimm.s32 $0x181B;
	v50 =	vimm.s32 $0x181C;
	v51 =	vimm.s32 $0x181D  }
0x16: {  	v52 =	vimm.s32 $0x17DE;
	v53 =	vimm.s32 $0x17DF;
	v54 =	vimm.s32 $0x17E0  }
0x17: {  	v55 =	vimm.s32 $0x17E1;
	v56 =	vimm.s32 $0x17E2;
	v57 =	vimm.s32 $0x17E3  }
0x18: {  	v58 =	vimm.s32 $0x17E4;
	v59 =	vimm.s32 $0x17E5;
	v60 =	vimm.s32 $0x17E6  }
0x19: {  	v61 =	vimm.s32 $0x17E7;
	v62 =	vimm.s32 $0x17E8;
	v63 =	vimm.s32 $0x17E9  }
0x1a: {  	v0 =	vsel vm15, $0x34D, v0;
	v1 =	vsel vm15, $0x34E, v1;
	v2 =	vshrl.u32 v2, $0x1  }
0x1b: {  	v12 =	vsel vm15, $0x356, v12;
	v13 =	vsel vm15, $0x357, v13;
	v14 =	vsel vm15, $0x358, v14  }
0x1c: {  	v15 =	vsel vm15, $0x359, v15;
	v16 =	vsel vm15, $0x35A, v16;
	v17 =	vsel vm15, $0x35B, v17  }
0x1d: {  	v18 =	vsel vm15, $0x35C, v18;
	v19 =	vsel vm15, $0x35D, v19;
	v20 =	vsel vm15, $0x35E, v20  }
0x1e: {  	v21 =	vsel vm15, $0x35F, v21;
	v22 =	vsel vm15, $0x360, v22;
	v23 =	vsel vm15, $0x361, v23  }
0x1f: {  	v24 =	vsel vm15, $0x362, v24;
	v25 =	vsel vm15, $0x363, v25;
	v26 =	vsel vm15, $0x364, v26  }
0x20: {  	v27 =	vsel vm15, $0x365, v27;
	v28 =	vsel vm15, $0x366, v28;
	v29 =	vsel vm15, $0x367, v29  }
0x21: {  	v30 =	vsel vm15, $0x368, v30;
	v31 =	vsel vm15, $0x369, v31;
	v32 =	vsel vm15, $0x36A, v32  }
0x22: {  	v33 =	vsel vm15, $0x36B, v33;
	v34 =	vsel vm15, $0x36C, v34;
	v0 =	vsel vm13, $0xA29, v0  }
0x23: {  	v35 =	vsel vm15, $0x36D, v35;
	v36 =	vsel vm15, $0x36E, v36;
	v0 =	vsel vm14, $0x1105, v0  }
0x24: {  	v37 =	vsel vm15, $0x36F, v37;
	v38 =	vsel vm15, $0x370, v38;
	v0 =	vsel vm12, $0x17E1, v0  }
0x25: {  	v39 =	vsel vm15, $0x371, v39;
	v40 =	vsel vm15, $0x372, v40;
	v0 =	vsel vm11, $0x351, v0  }
0x26: {  	v41 =	vsel vm15, $0x373, v41;
	v42 =	vsel vm15, $0x374, v42;
	v0 =	vsel vm10, $0xA2D, v0  }
0x27: {  	v43 =	vsel vm15, $0x375, v43;
	v44 =	vsel vm15, $0x376, v44;
	v0 =	vsel vm9, $0x1109, v0  }
0x28: {  	v45 =	vsel vm15, $0x377, v45;
	v46 =	vsel vm15, $0x378, v46;
	v0 =	vsel vm8, $0x17E5, v0  }
0x29: {  	v47 =	vsel vm15, $0x379, v47;
	v48 =	vsel vm15, $0x37A, v48;
	v0 =	vsel vm7, $0x355, v0  }
0x2a: {  	v49 =	vsel vm15, $0x37B, v49;
	v50 =	vsel vm15, $0x37C, v50;
	v0 =	vsel vm6, $0xA31, v0  }
0x2b: {  	v51 =	vsel vm15, $0x37D, v51;
	v52 =	vsel vm15, $0x37E, v52;
	v0 =	vsel vm5, $0x110D, v0  }
0x2c: {  	v53 =	vsel vm15, $0x37F, v53;
	v54 =	vsel vm15, $0x380, v54;
	v0 =	vsel vm4, $0x17E9, v0  }
0x2d: {  	v55 =	vsel vm15, $0x381, v55;
	v56 =	vsel vm15, $0x382, v56;
	v0 =	vsel vm3, $0x359, v0  }
0x2e: {  	v57 =	vsel vm15, $0x383, v57;
	v1 =	vsel vm13, $0xA2A, v1;
	v0 =	vsel vm2, $0xA35, v0  }
0x2f: {  	v58 =	vsel vm15, $0x384, v58;
	v1 =	vsel vm14, $0x1106, v1;
	v0 =	vsel vm1, $0x1111, v0  }
0x30: {  	v59 =	vsel vm15, $0x385, v59;
	v1 =	vsel vm12, $0x17E2, v1;
	[tilespmem:$0x1F7F0] =	vst v0;
	v0 =	vand.u32 $0x1, v2  }
0x31: {  	v60 =	vsel vm15, $0x386, v60;
	v1 =	vsel vm11, $0x352, v1;
	v0 =	vmul.u32 $0x400, v0  }
0x32: {  	v61 =	vsel vm15, $0x387, v61;
	v1 =	vsel vm10, $0xA2E, v1;
	v2 =	vimm.s32 $0x4B0A4908  }
0x33: {  	v62 =	vsel vm15, $0x388, v62;
	v5 =	vunpack.c.0.s8.s32 v2;
	[tilespmem:$0x1F800] =	vst v0;
	v0 =	vsel vm9, $0x110A, v1  }
0x34: {  	v2 =	vimm.s32 $0x17EF;
	v1 =	vimm.s32 $0x4F0E4D0C;
	v0 =	vsel vm8, $0x17E6, v0  }
0x35: {  	v3 =	vunpack.c.0.s8.s32 v1;
	v1 =	vimm.s32 $0x43024100;
	v0 =	vsel vm7, $0x356, v0  }
0x36: {  	v4 =	vunpack.c.0.s8.s32 v1;
	v1 =	vsel vm15, $0x34F, v2;
	v0 =	vsel vm6, $0xA32, v0  }
0x37: {  	v63 =	vsel vm15, $0x389, v63;
	v1 =	vsel vm13, $0xA2B, v1;
	v0 =	vsel vm5, $0x110E, v0  }
0x38: {  	v2 =	vimm.s32 $0x47064504;
	v1 =	vsel vm14, $0x1107, v1;
	v0 =	vsel vm4, $0x17EA, v0  }
0x39: {  	v6 =	vunpack.c.0.s8.s32 v2;
	v1 =	vsel vm12, $0x17E3, v1;
	v2 =	vsel vm3, $0x35A, v0  }
0x3a: {  	[tilespmem:$0x1F810] =	vst v4;
	v0 =	vsel vm0, v3, v5;
	v1 =	vsel vm11, $0x353, v1;
	v2 =	vsel vm2, $0xA36, v2  }
0x3b: {  	[tilespmem:$0x1F970] =	vst v0;
	v0 =	vsel vm0, v6, v4;
	v4 =	vimm.s32 $0x4C0B4A09;
	v1 =	vsel vm10, $0xA2F, v1  }
0x3c: {  	[tilespmem:$0x1F960] =	vst v0;
	v0 =	vsel vm1, $0x1112, v2;
	v2 =	vimm.s32 $0x500F4E0D;
	v7 =	vunpack.c.0.s8.s32 v4  }
0x3d: {  	v1 =	vsel vm9, $0x110B, v1;
	v4 =	vimm.s32 $0x44034201;
	v2 =	vunpack.c.0.s8.s32 v2  }
0x3e: {  	[tilespmem:$0x1F820] =	vst v0;
	v1 =	vsel vm8, $0x17E7, v1;
	v0 =	vunpack.c.0.s8.s32 v4;
	v4 =	vsel vm15, $0x350, v8  }
0x3f: {  	v8 =	vimm.s32 $0x48074605;
	v1 =	vsel vm7, $0x357, v1;
	v4 =	vsel vm13, $0xA2C, v4  }
0x40: {  	v8 =	vunpack.c.0.s8.s32 v8;
	[tilespmem:$0x1F8C0] =	vst v2;
	v1 =	vsel vm6, $0xA33, v1;
	v4 =	vsel vm14, $0x1108, v4  }
0x41: {  	v2 =	vsel vm0, v2, v7;
	[tilespmem:$0x1F830] =	vst v0;
	v1 =	vsel vm5, $0x110F, v1;
	v4 =	vsel vm12, $0x17E4, v4  }
0x42: {  	[tilespmem:$0x1FA00] =	vst v2;
	v0 =	vsel vm0, v8, v0;
	v2 =	vimm.s32 $0x17EC;
	v1 =	vsel vm4, $0x17EB, v1  }
0x43: {  	v4 =	vsel vm11, $0x354, v4;
	v2 =	vsel vm15, $0x38C, v2;
	v1 =	vsel vm3, $0x35B, v1  }
0x44: {  	v4 =	vsel vm10, $0xA30, v4;
	v2 =	vsel vm13, $0xA28, v2;
	v1 =	vsel vm2, $0xA37, v1  }
0x45: {  	[tilespmem:$0x1F9F0] =	vst v0;
	v4 =	vsel vm9, $0x110C, v4;
	v2 =	vsel vm14, $0x1104, v2;
	v0 =	vsel vm1, $0x1113, v1  }
0x46: {  	v10 =	vsel vm8, $0x17E8, v4;
	v1 =	vimm.s32 $0x17EB;
	v2 =	vsel vm12, $0x17E0, v2  }
0x47: {  	[tilespmem:$0x1F840] =	vst v0;
	v0 =	vunpack.c.0.s8.s32 v9;
	v9 =	vimm.s32 $0x4D0C4B0A;
	v1 =	vsel vm15, $0x38B, v1  }
0x48: {  	v2 =	vsel vm11, $0x350, v2;
	v4 =	vunpack.c.0.s8.s32 v9;
	v9 =	vsel vm7, $0x358, v10  }
0x49: {  	v10 =	vsel vm15, $0x351, v11;
	v11 =	vimm.s32 $0x45044302;
	v1 =	vsel vm13, $0xA67, v1  }
0x4a: {  	v2 =	vsel vm10, $0xA2C, v2;
	v9 =	vsel vm6, $0xA34, v9;
	v10 =	vsel vm13, $0xA2D, v10  }
0x4b: {  	[tilespmem:$0x1F8A0] =	vst v3;
	v3 =	vunpack.c.0.s8.s32 v11;
	v11 =	vimm.s32 $0x49084706;
	v1 =	vsel vm14, $0x1103, v1  }
0x4c: {  	v2 =	vsel vm9, $0x1108, v2;
	v9 =	vsel vm5, $0x1110, v9;
	v10 =	vsel vm14, $0x1109, v10  }
0x4d: {  	v11 =	vunpack.c.0.s8.s32 v11;
	v1 =	vsel vm12, $0x17DF, v1;
	v2 =	vsel vm8, $0x17E4, v2  }
0x4e: {  	v9 =	vsel vm4, $0x17EC, v9;
	v10 =	vsel vm12, $0x17E5, v10;
	v1 =	vsel vm11, $0x34F, v1  }
0x4f: {  	[tilespmem:$0x1F8F0] =	vst v0;
	v2 =	vsel vm7, $0x354, v2;
	v0 =	vsel vm3, $0x35C, v9;
	v10 =	vsel vm11, $0x355, v10  }
0x50: {  	[tilespmem:$0x1F850] =	vst v3;
	v3 =	vsel vm0, v11, v3;
	v1 =	vsel vm10, $0xA2B, v1;
	v2 =	vsel vm6, $0xA30, v2  }
0x51: {  	[tilespmem:$0x1F860] =	vst v0;
	v10 =	vsel vm10, $0xA31, v10;
	v0 =	vsel vm0, v5, v6;
	v5 =	vimm.s32 $0x17F2  }
0x52: {  	v6 =	vimm.s32 $0x17F3;
	v1 =	vsel vm9, $0x1107, v1;
	v2 =	vsel vm5, $0x110C, v2  }
0x53: {  	v9 =	vld [tilespmem:$0x1F8F0];
	[tilespmem:$0x1FA10] =	vst v0;
	v5 =	vsel vm15, $0x352, v5;
	v0 =	vsel vm0, v7, v8;
	v6 =	vsel vm15, $0x353, v6  }
0x54: {  	v7 =	vimm.s32 $0x17F4;
	v8 =	vimm.s32 $0x17F5;
	v1 =	vsel vm8, $0x17E3, v1  }
0x55: {  	[tilespmem:$0x1FA60] =	vst v3;
	v2 =	vsel vm4, $0x17E8, v2;
	v7 =	vsel vm15, $0x354, v7;
	v8 =	vsel vm15, $0x355, v8  }
0x56: {  	v3 =	vld [tilespmem:$0x1F860];
	[tilespmem:$0x1FA20] =	vst v0;
	v0 =	vimm.s32 $0x17EA;
	v5 =	vsel vm13, $0xA2E, v5;
	v1 =	vsel vm7, $0x353, v1  }
0x57: {  	v2 =	vsel vm3, $0x358, v2;
	v0 =	vsel vm15, $0x38A, v0;
	v1 =	vsel vm6, $0xA2F, v1  }
0x58: {  	v9 =	vsel vm0, v9, v4;
	v4 =	vsel vm0, v4, v11;
	v0 =	vsel vm13, $0xA66, v0  }
0x59: {  	v1 =	vsel vm5, $0x110B, v1;
	[tilespmem:$0x1FA30] =	vst v9;
	v9 =	vsel vm9, $0x110D, v10;
	v10 =	vsel vm14, $0x110A, v5  }
0x5a: {  	v5 =	vsel vm13, $0xA31, v8;
	v0 =	vsel vm14, $0x1142, v0;
	v1 =	vsel vm4, $0x17E7, v1  }
0x5b: {  	[tilespmem:$0x1F9E0] =	vst v4;
	v4 =	vsel vm2, $0xA38, v3;
	v8 =	vsel vm14, $0x110D, v5;
	v5 =	vsel vm13, $0xA34, v14  }
0x5c: {  	v10 =	vsel vm12, $0x17E6, v10;
	v0 =	vsel vm12, $0x17DE, v0;
	v3 =	vsel vm1, $0x1114, v4  }
0x5d: {  	v4 =	vsel vm8, $0x17E9, v9;
	v8 =	vsel vm12, $0x17E9, v8;
	v10 =	vsel vm11, $0x356, v10  }
0x5e: {  	v0 =	vsel vm11, $0x34E, v0;
	v9 =	vsel vm7, $0x359, v4;
	v4 =	vsel vm13, $0xA2F, v6  }
0x5f: {  	v10 =	vsel vm10, $0xA32, v10;
	v8 =	vsel vm11, $0x359, v8;
	v0 =	vsel vm10, $0xA2A, v0  }
0x60: {  	v6 =	vsel vm14, $0x110B, v4;
	v4 =	vsel vm13, $0xA30, v7;
	v9 =	vsel vm6, $0xA35, v9  }
0x61: {  	v10 =	vsel vm9, $0x110E, v10;
	v8 =	vsel vm10, $0xA35, v8;
	v0 =	vsel vm9, $0x1106, v0  }
0x62: {  	v7 =	vsel vm14, $0x110C, v4;
	v4 =	vsel vm13, $0xA32, v12;
	v6 =	vsel vm12, $0x17E7, v6  }
0x63: {  	v9 =	vsel vm5, $0x1111, v9;
	v8 =	vsel vm9, $0x1111, v8;
	v0 =	vsel vm8, $0x17E2, v0  }
0x64: {  	v11 =	vsel vm14, $0x110E, v4;
	v4 =	vsel vm13, $0xA33, v13;
	v13 =	vsel vm14, $0x1110, v5  }
0x65: {  	v5 =	vsel vm13, $0xA37, v17;
	v7 =	vsel vm12, $0x17E8, v7;
	v6 =	vsel vm11, $0x357, v6  }
0x66: {  	v9 =	vsel vm4, $0x17ED, v9;
	v8 =	vsel vm8, $0x17ED, v8;
	v0 =	vsel vm7, $0x352, v0  }
0x67: {  	v12 =	vsel vm14, $0x110F, v4;
	v4 =	vsel vm13, $0xA35, v15;
	v11 =	vsel vm12, $0x17EA, v11  }
0x68: {  	v13 =	vsel vm12, $0x17EC, v13;
	v7 =	vsel vm11, $0x358, v7;
	v6 =	vsel vm10, $0xA33, v6  }
0x69: {  	v0 =	vsel vm6, $0xA2E, v0;
	v14 =	vsel vm14, $0x1111, v4;
	v4 =	vsel vm13, $0xA36, v16  }
0x6a: {  	v16 =	vsel vm14, $0x1113, v5;
	v5 =	vsel vm13, $0xA3A, v20;
	v12 =	vsel vm12, $0x17EB, v12  }
0x6b: {  	v11 =	vsel vm11, $0x35A, v11;
	v13 =	vsel vm11, $0x35C, v13;
	v7 =	vsel vm10, $0xA34, v7  }
0x6c: {  	v6 =	vsel vm9, $0x110F, v6;
	v0 =	vsel vm5, $0x110A, v0;
	v15 =	vsel vm14, $0x1112, v4  }
0x6d: {  	v4 =	vsel vm13, $0xA38, v18;
	v14 =	vsel vm12, $0x17ED, v14;
	v16 =	vsel vm12, $0x17EF, v16  }
0x6e: {  	v12 =	vsel vm11, $0x35B, v12;
	v11 =	vsel vm10, $0xA36, v11;
	v13 =	vsel vm10, $0xA38, v13  }
0x6f: {  	v6 =	vsel vm8, $0x17EB, v6;
	v7 =	vsel vm9, $0x1110, v7;
	v0 =	vsel vm4, $0x17E6, v0  }
0x70: {  	v17 =	vsel vm14, $0x1114, v4;
	v4 =	vsel vm13, $0xA39, v19;
	v19 =	vsel vm14, $0x1116, v5  }
0x71: {  	v5 =	vsel vm13, $0xA3D, v23;
	v15 =	vsel vm12, $0x17EE, v15;
	v14 =	vsel vm11, $0x35D, v14  }
0x72: {  	v16 =	vsel vm11, $0x35F, v16;
	v12 =	vsel vm10, $0xA37, v12;
	v11 =	vsel vm9, $0x1112, v11  }
0x73: {  	v13 =	vsel vm9, $0x1114, v13;
	v6 =	vsel vm7, $0x35B, v6;
	v7 =	vsel vm8, $0x17EC, v7  }
0x74: {  	v0 =	vsel vm3, $0x356, v0;
	v18 =	vsel vm14, $0x1115, v4;
	v4 =	vsel vm13, $0xA3B, v21  }
0x75: {  	v17 =	vsel vm12, $0x17F0, v17;
	v19 =	vsel vm12, $0x17F2, v19;
	v15 =	vsel vm11, $0x35E, v15  }
0x76: {  	v14 =	vsel vm10, $0xA39, v14;
	v16 =	vsel vm10, $0xA3B, v16;
	v12 =	vsel vm9, $0x1113, v12  }
0x77: {  	v6 =	vsel vm6, $0xA37, v6;
	v7 =	vsel vm7, $0x35C, v7;
	v0 =	vsel vm2, $0xA32, v0  }
0x78: {  	v20 =	vsel vm14, $0x1117, v4;
	v4 =	vsel vm13, $0xA3C, v22;
	v22 =	vsel vm14, $0x1119, v5  }
0x79: {  	v5 =	vsel vm13, $0xA40, v26;
	v18 =	vsel vm12, $0x17F1, v18;
	v17 =	vsel vm11, $0x360, v17  }
0x7a: {  	v19 =	vsel vm11, $0x362, v19;
	v15 =	vsel vm10, $0xA3A, v15;
	v14 =	vsel vm9, $0x1115, v14  }
0x7b: {  	v16 =	vsel vm9, $0x1117, v16;
	v6 =	vsel vm5, $0x1113, v6;
	v7 =	vsel vm6, $0xA38, v7  }
0x7c: {  	[tilespmem:$0x1FD90] =	vst v0;
	v0 =	vsel vm2, $0xA34, v2;
	v21 =	vsel vm14, $0x1118, v4;
	v4 =	vsel vm13, $0xA3E, v24  }
0x7d: {  	v20 =	vsel vm12, $0x17F3, v20;
	v22 =	vsel vm12, $0x17F5, v22;
	v18 =	vsel vm11, $0x361, v18  }
0x7e: {  	v17 =	vsel vm10, $0xA3C, v17;
	v19 =	vsel vm10, $0xA3E, v19;
	v15 =	vsel vm9, $0x1116, v15  }
0x7f: {  	v6 =	vsel vm4, $0x17EF, v6;
	[tilespmem:$0x1FDA0] =	vst v0;
	v0 =	vimm.s32 $0x59185716;
	v23 =	vsel vm14, $0x111A, v4  }
0x80: {  	v4 =	vsel vm13, $0xA3F, v25;
	v25 =	vsel vm14, $0x111C, v5;
	v5 =	vsel vm13, $0xA43, v29  }
0x81: {  	v21 =	vsel vm12, $0x17F4, v21;
	v20 =	vsel vm11, $0x363, v20;
	v22 =	vsel vm11, $0x365, v22  }
0x82: {  	v18 =	vsel vm10, $0xA3D, v18;
	v17 =	vsel vm9, $0x1118, v17;
	v19 =	vsel vm9, $0x111A, v19  }
0x83: {  	v6 =	vsel vm3, $0x35F, v6;
	v24 =	vsel vm14, $0x111B, v4;
	v4 =	vsel vm13, $0xA41, v27  }
0x84: {  	v23 =	vsel vm12, $0x17F6, v23;
	v25 =	vsel vm12, $0x17F8, v25;
	v21 =	vsel vm11, $0x364, v21  }
0x85: {  	v20 =	vsel vm10, $0xA3F, v20;
	v22 =	vsel vm10, $0xA41, v22;
	v18 =	vsel vm9, $0x1119, v18  }
0x86: {  	v6 =	vsel vm2, $0xA3B, v6;
	v26 =	vsel vm14, $0x111D, v4;
	v4 =	vsel vm13, $0xA42, v28  }
0x87: {  	v28 =	vsel vm14, $0x111F, v5;
	v5 =	vsel vm13, $0xA46, v32;
	v24 =	vsel vm12, $0x17F7, v24  }
0x88: {  	v23 =	vsel vm11, $0x366, v23;
	v25 =	vsel vm11, $0x368, v25;
	v21 =	vsel vm10, $0xA40, v21  }
0x89: {  	v20 =	vsel vm9, $0x111B, v20;
	v22 =	vsel vm9, $0x111D, v22;
	v6 =	vsel vm1, $0x1117, v6  }
0x8a: {  	v27 =	vsel vm14, $0x111E, v4;
	v4 =	vsel vm13, $0xA44, v30;
	v26 =	vsel vm12, $0x17F9, v26  }
0x8b: {  	v28 =	vsel vm12, $0x17FB, v28;
	v24 =	vsel vm11, $0x367, v24;
	v23 =	vsel vm10, $0xA42, v23  }
0x8c: {  	v25 =	vsel vm10, $0xA44, v25;
	v21 =	vsel vm9, $0x111C, v21;
	[tilespmem:$0x1F8D0] =	vst v6;
	v6 =	vsel vm5, $0x1114, v7  }
0x8d: {  	v7 =	vsel vm7, $0x35D, v8;
	v29 =	vsel vm14, $0x1120, v4;
	v4 =	vsel vm13, $0xA45, v31  }
0x8e: {  	v31 =	vsel vm14, $0x1122, v5;
	v5 =	vsel vm13, $0xA49, v35;
	v27 =	vsel vm12, $0x17FA, v27  }
0x8f: {  	v26 =	vsel vm11, $0x369, v26;
	v28 =	vsel vm11, $0x36B, v28;
	v24 =	vsel vm10, $0xA43, v24  }
0x90: {  	v23 =	vsel vm9, $0x111E, v23;
	v25 =	vsel vm9, $0x1120, v25;
	v6 =	vsel vm4, $0x17F0, v6  }
0x91: {  	v7 =	vsel vm6, $0xA39, v7;
	v30 =	vsel vm14, $0x1121, v4;
	v4 =	vsel vm13, $0xA47, v33  }
0x92: {  	v29 =	vsel vm12, $0x17FC, v29;
	v31 =	vsel vm12, $0x17FE, v31;
	v27 =	vsel vm11, $0x36A, v27  }
0x93: {  	v26 =	vsel vm10, $0xA45, v26;
	v28 =	vsel vm10, $0xA47, v28;
	v24 =	vsel vm9, $0x111F, v24  }
0x94: {  	v7 =	vsel vm5, $0x1115, v7;
	v6 =	vsel vm3, $0x360, v6;
	v32 =	vsel vm14, $0x1123, v4  }
0x95: {  	v4 =	vsel vm13, $0xA48, v34;
	v34 =	vsel vm14, $0x1125, v5;
	v5 =	vsel vm13, $0xA4C, v38  }
0x96: {  	v30 =	vsel vm12, $0x17FD, v30;
	v29 =	vsel vm11, $0x36C, v29;
	v31 =	vsel vm11, $0x36E, v31  }
0x97: {  	v27 =	vsel vm10, $0xA46, v27;
	v26 =	vsel vm9, $0x1121, v26;
	v28 =	vsel vm9, $0x1123, v28  }
0x98: {  	v7 =	vsel vm4, $0x17F1, v7;
	v6 =	vsel vm2, $0xA3C, v6;
	v33 =	vsel vm14, $0x1124, v4  }
0x99: {  	v4 =	vsel vm13, $0xA4A, v36;
	v32 =	vsel vm12, $0x17FF, v32;
	v34 =	vsel vm12, $0x1801, v34  }
0x9a: {  	v30 =	vsel vm11, $0x36D, v30;
	v29 =	vsel vm10, $0xA48, v29;
	v31 =	vsel vm10, $0xA4A, v31  }
0x9b: {  	v27 =	vsel vm9, $0x1122, v27;
	v7 =	vsel vm3, $0x361, v7;
	v6 =	vsel vm1, $0x1118, v6  }
0x9c: {  	v35 =	vsel vm14, $0x1126, v4;
	v4 =	vsel vm13, $0xA4B, v37;
	v37 =	vsel vm14, $0x1128, v5  }
0x9d: {  	v5 =	vsel vm13, $0xA4F, v41;
	v33 =	vsel vm12, $0x1800, v33;
	v32 =	vsel vm11, $0x36F, v32  }
0x9e: {  	v34 =	vsel vm11, $0x371, v34;
	v30 =	vsel vm10, $0xA49, v30;
	v29 =	vsel vm9, $0x1124, v29  }
0x9f: {  	v31 =	vsel vm9, $0x1126, v31;
	v36 =	vsel vm14, $0x1127, v4;
	v4 =	vsel vm13, $0xA4D, v39  }
0xa0: {  	v35 =	vsel vm12, $0x1802, v35;
	v37 =	vsel vm12, $0x1804, v37;
	v33 =	vsel vm11, $0x370, v33  }
0xa1: {  	v32 =	vsel vm10, $0xA4B, v32;
	v34 =	vsel vm10, $0xA4D, v34;
	v30 =	vsel vm9, $0x1125, v30  }
0xa2: {  	v38 =	vsel vm14, $0x1129, v4;
	v4 =	vsel vm13, $0xA4E, v40;
	v40 =	vsel vm14, $0x112B, v5  }
0xa3: {  	v5 =	vsel vm13, $0xA52, v44;
	v36 =	vsel vm12, $0x1803, v36;
	v35 =	vsel vm11, $0x372, v35  }
0xa4: {  	v37 =	vsel vm11, $0x374, v37;
	v33 =	vsel vm10, $0xA4C, v33;
	v32 =	vsel vm9, $0x1127, v32  }
0xa5: {  	v34 =	vsel vm9, $0x1129, v34;
	v39 =	vsel vm14, $0x112A, v4;
	v4 =	vsel vm13, $0xA50, v42  }
0xa6: {  	v38 =	vsel vm12, $0x1805, v38;
	v40 =	vsel vm12, $0x1807, v40;
	v36 =	vsel vm11, $0x373, v36  }
0xa7: {  	v35 =	vsel vm10, $0xA4E, v35;
	v37 =	vsel vm10, $0xA50, v37;
	v33 =	vsel vm9, $0x1128, v33  }
0xa8: {  	v41 =	vsel vm14, $0x112C, v4;
	v4 =	vsel vm13, $0xA51, v43;
	v43 =	vsel vm14, $0x112E, v5  }
0xa9: {  	v5 =	vsel vm13, $0xA55, v47;
	v39 =	vsel vm12, $0x1806, v39;
	v38 =	vsel vm11, $0x375, v38  }
0xaa: {  	v40 =	vsel vm11, $0x377, v40;
	v36 =	vsel vm10, $0xA4F, v36;
	v35 =	vsel vm9, $0x112A, v35  }
0xab: {  	v37 =	vsel vm9, $0x112C, v37;
	v42 =	vsel vm14, $0x112D, v4;
	v4 =	vsel vm13, $0xA53, v45  }
0xac: {  	v41 =	vsel vm12, $0x1808, v41;
	v43 =	vsel vm12, $0x180A, v43;
	v39 =	vsel vm11, $0x376, v39  }
0xad: {  	v38 =	vsel vm10, $0xA51, v38;
	v40 =	vsel vm10, $0xA53, v40;
	v36 =	vsel vm9, $0x112B, v36  }
0xae: {  	v44 =	vsel vm14, $0x112F, v4;
	v4 =	vsel vm13, $0xA54, v46;
	v46 =	vsel vm14, $0x1131, v5  }
0xaf: {  	v5 =	vsel vm13, $0xA58, v50;
	v42 =	vsel vm12, $0x1809, v42;
	v41 =	vsel vm11, $0x378, v41  }
0xb0: {  	v43 =	vsel vm11, $0x37A, v43;
	v39 =	vsel vm10, $0xA52, v39;
	v38 =	vsel vm9, $0x112D, v38  }
0xb1: {  	v40 =	vsel vm9, $0x112F, v40;
	v45 =	vsel vm14, $0x1130, v4;
	v4 =	vsel vm13, $0xA56, v48  }
0xb2: {  	v44 =	vsel vm12, $0x180B, v44;
	v46 =	vsel vm12, $0x180D, v46;
	v42 =	vsel vm11, $0x379, v42  }
0xb3: {  	v41 =	vsel vm10, $0xA54, v41;
	v43 =	vsel vm10, $0xA56, v43;
	v39 =	vsel vm9, $0x112E, v39  }
0xb4: {  	v47 =	vsel vm14, $0x1132, v4;
	v4 =	vsel vm13, $0xA57, v49;
	v49 =	vsel vm14, $0x1134, v5  }
0xb5: {  	v5 =	vsel vm13, $0xA5B, v53;
	v45 =	vsel vm12, $0x180C, v45;
	v44 =	vsel vm11, $0x37B, v44  }
0xb6: {  	v46 =	vsel vm11, $0x37D, v46;
	v42 =	vsel vm10, $0xA55, v42;
	v41 =	vsel vm9, $0x1130, v41  }
0xb7: {  	v43 =	vsel vm9, $0x1132, v43;
	v48 =	vsel vm14, $0x1133, v4;
	v4 =	vsel vm13, $0xA59, v51  }
0xb8: {  	v47 =	vsel vm12, $0x180E, v47;
	v49 =	vsel vm12, $0x1810, v49;
	v45 =	vsel vm11, $0x37C, v45  }
0xb9: {  	v44 =	vsel vm10, $0xA57, v44;
	v46 =	vsel vm10, $0xA59, v46;
	v42 =	vsel vm9, $0x1131, v42  }
0xba: {  	v50 =	vsel vm14, $0x1135, v4;
	v4 =	vsel vm13, $0xA5A, v52;
	v52 =	vsel vm14, $0x1137, v5  }
0xbb: {  	v5 =	vsel vm13, $0xA5E, v56;
	v48 =	vsel vm12, $0x180F, v48;
	v47 =	vsel vm11, $0x37E, v47  }
0xbc: {  	v49 =	vsel vm11, $0x380, v49;
	v45 =	vsel vm10, $0xA58, v45;
	v44 =	vsel vm9, $0x1133, v44  }
0xbd: {  	v46 =	vsel vm9, $0x1135, v46;
	v51 =	vsel vm14, $0x1136, v4;
	v4 =	vsel vm13, $0xA5C, v54  }
0xbe: {  	v50 =	vsel vm12, $0x1811, v50;
	v52 =	vsel vm12, $0x1813, v52;
	v48 =	vsel vm11, $0x37F, v48  }
0xbf: {  	v47 =	vsel vm10, $0xA5A, v47;
	v49 =	vsel vm10, $0xA5C, v49;
	v45 =	vsel vm9, $0x1134, v45  }
0xc0: {  	v53 =	vsel vm14, $0x1138, v4;
	v4 =	vsel vm13, $0xA5D, v55;
	v55 =	vsel vm14, $0x113A, v5  }
0xc1: {  	v5 =	vsel vm13, $0xA61, v59;
	v51 =	vsel vm12, $0x1812, v51;
	v50 =	vsel vm11, $0x381, v50  }
0xc2: {  	v52 =	vsel vm11, $0x383, v52;
	v48 =	vsel vm10, $0xA5B, v48;
	v47 =	vsel vm9, $0x1136, v47  }
0xc3: {  	v49 =	vsel vm9, $0x1138, v49;
	v54 =	vsel vm14, $0x1139, v4;
	v4 =	vsel vm13, $0xA5F, v57  }
0xc4: {  	v53 =	vsel vm12, $0x1814, v53;
	v55 =	vsel vm12, $0x1816, v55;
	v51 =	vsel vm11, $0x382, v51  }
0xc5: {  	v50 =	vsel vm10, $0xA5D, v50;
	v52 =	vsel vm10, $0xA5F, v52;
	v48 =	vsel vm9, $0x1137, v48  }
0xc6: {  	v56 =	vsel vm14, $0x113B, v4;
	v4 =	vsel vm13, $0xA60, v58;
	v58 =	vsel vm14, $0x113D, v5  }
0xc7: {  	v5 =	vsel vm13, $0xA64, v62;
	v54 =	vsel vm12, $0x1815, v54;
	v53 =	vsel vm11, $0x384, v53  }
0xc8: {  	v55 =	vsel vm11, $0x386, v55;
	v51 =	vsel vm10, $0xA5E, v51;
	v50 =	vsel vm9, $0x1139, v50  }
0xc9: {  	v52 =	vsel vm9, $0x113B, v52;
	v57 =	vsel vm14, $0x113C, v4;
	v4 =	vsel vm13, $0xA62, v60  }
0xca: {  	v56 =	vsel vm12, $0x1817, v56;
	v58 =	vsel vm12, $0x1819, v58;
	v54 =	vsel vm11, $0x385, v54  }
0xcb: {  	v53 =	vsel vm10, $0xA60, v53;
	v55 =	vsel vm10, $0xA62, v55;
	v51 =	vsel vm9, $0x113A, v51  }
0xcc: {  	v59 =	vsel vm14, $0x113E, v4;
	v4 =	vsel vm13, $0xA63, v61;
	v61 =	vsel vm14, $0x1140, v5  }
0xcd: {  	v5 =	vimm.s32 $0x4E0D4C0B;
	v57 =	vsel vm12, $0x1818, v57;
	v56 =	vsel vm11, $0x387, v56  }
0xce: {  	v58 =	vsel vm11, $0x389, v58;
	v54 =	vsel vm10, $0xA61, v54;
	v53 =	vsel vm9, $0x113C, v53  }
0xcf: {  	v55 =	vsel vm9, $0x113E, v55;
	v60 =	vsel vm14, $0x113F, v4;
	v4 =	vsel vm13, $0xA65, v63  }
0xd0: {  	v5 =	vunpack.c.0.s8.s32 v5;
	v59 =	vsel vm12, $0x181A, v59;
	v61 =	vsel vm12, $0x181C, v61  }
0xd1: {  	v63 =	vimm.s32 $0x46054403;
	v62 =	vsel vm14, $0x1141, v4;
	v4 =	vimm.s32 $0x5211500F  }
0xd2: {  	[tilespmem:$0x1F870] =	vst v3;
	v57 =	vsel vm11, $0x388, v57;
	v56 =	vsel vm10, $0xA63, v56;
	v3 =	vunpack.c.0.s8.s32 v4  }
0xd3: {  	v58 =	vsel vm10, $0xA65, v58;
	v54 =	vsel vm9, $0x113D, v54;
	v60 =	vsel vm12, $0x181B, v60  }
0xd4: {  	v59 =	vsel vm11, $0x38A, v59;
	v61 =	vsel vm11, $0x38C, v61;
	v57 =	vsel vm10, $0xA64, v57;
	[tilespmem:$0x1F920] =	vst v3  }
0xd5: {  	v56 =	vsel vm9, $0x113F, v56;
	v58 =	vsel vm9, $0x1141, v58;
	v62 =	vsel vm12, $0x181D, v62;
	v4 =	vld [tilespmem:$0x1F920]  }
0xd6: {  	v60 =	vsel vm11, $0x38B, v60;
	v59 =	vsel vm10, $0xA66, v59;
	v61 =	vsel vm10, $0xA28, v61  }
0xd7: {  	v57 =	vsel vm9, $0x1140, v57;
	v62 =	vsel vm11, $0x34D, v62;
	v60 =	vsel vm10, $0xA67, v60  }
0xd8: {  	v59 =	vsel vm9, $0x1142, v59;
	v3 =	vunpack.c.0.s8.s32 v63;
	v63 =	vimm.s32 $0x4A094807  }
0xd9: {  	v61 =	vsel vm9, $0x1104, v61;
	v62 =	vsel vm10, $0xA29, v62;
	v63 =	vunpack.c.0.s8.s32 v63  }
0xda: {  	v60 =	vsel vm9, $0x1103, v60;
	v62 =	vsel vm9, $0x1105, v62;
	v4 =	vsel vm0, v4, v5  }
0xdb: {  	[tilespmem:$0x1FA50] =	vst v4;
	v4 =	vsel vm0, v5, v63;
	v5 =	vsel vm3, $0x35D, v9;
	v9 =	vsel vm8, $0x17EA, v10  }
0xdc: {  	[tilespmem:$0x1F880] =	vst v3;
	v3 =	vsel vm0, v63, v3;
	v10 =	vsel vm2, $0xA39, v5;
	v5 =	vsel vm7, $0x35A, v9  }
0xdd: {  	[tilespmem:$0x1FA70] =	vst v3;
	v9 =	vsel vm6, $0xA36, v5;
	v5 =	vimm.s32 $0x53125110;
	v3 =	vsel vm1, $0x1115, v10  }
0xde: {  	v10 =	vsel vm8, $0x17EE, v11;
	v11 =	vsel vm8, $0x17EF, v12;
	v12 =	vsel vm8, $0x17F0, v13  }
0xdf: {  	v13 =	vsel vm8, $0x17F1, v14;
	v14 =	vsel vm8, $0x17F2, v15;
	v15 =	vsel vm8, $0x17F3, v16  }
0xe0: {  	v16 =	vsel vm8, $0x17F4, v17;
	v17 =	vsel vm8, $0x17F5, v18;
	v18 =	vsel vm8, $0x17F6, v19  }
0xe1: {  	v19 =	vsel vm8, $0x17F7, v20;
	v20 =	vsel vm8, $0x17F8, v21;
	v21 =	vsel vm8, $0x17F9, v22  }
0xe2: {  	v22 =	vsel vm8, $0x17FA, v23;
	v23 =	vsel vm8, $0x17FB, v24;
	v24 =	vsel vm8, $0x17FC, v25  }
0xe3: {  	v25 =	vsel vm8, $0x17FD, v26;
	v26 =	vsel vm8, $0x17FE, v27;
	v27 =	vsel vm8, $0x17FF, v28  }
0xe4: {  	v28 =	vsel vm8, $0x1800, v29;
	v29 =	vsel vm8, $0x1801, v30;
	v30 =	vsel vm8, $0x1802, v31  }
0xe5: {  	v31 =	vsel vm8, $0x1803, v32;
	v32 =	vsel vm8, $0x1804, v33;
	v33 =	vsel vm8, $0x1805, v34  }
0xe6: {  	v34 =	vsel vm8, $0x1806, v35;
	v35 =	vsel vm8, $0x1807, v36;
	v36 =	vsel vm8, $0x1808, v37  }
0xe7: {  	v37 =	vsel vm8, $0x1809, v38;
	v38 =	vsel vm8, $0x180A, v39;
	v39 =	vsel vm8, $0x180B, v40  }
0xe8: {  	v40 =	vsel vm8, $0x180C, v41;
	v41 =	vsel vm8, $0x180D, v42;
	v42 =	vsel vm8, $0x180E, v43  }
0xe9: {  	v43 =	vsel vm8, $0x180F, v44;
	v44 =	vsel vm8, $0x1810, v45;
	v45 =	vsel vm8, $0x1811, v46  }
0xea: {  	v46 =	vsel vm8, $0x1812, v47;
	v47 =	vsel vm8, $0x1813, v48;
	v48 =	vsel vm8, $0x1814, v49  }
0xeb: {  	v49 =	vsel vm8, $0x1815, v50;
	v50 =	vsel vm8, $0x1816, v51;
	v51 =	vsel vm8, $0x1817, v52  }
0xec: {  	v52 =	vsel vm8, $0x1818, v53;
	v53 =	vsel vm8, $0x1819, v54;
	v54 =	vsel vm8, $0x181A, v55  }
0xed: {  	v55 =	vsel vm8, $0x181B, v56;
	v56 =	vsel vm8, $0x181C, v57;
	v57 =	vsel vm8, $0x181D, v58  }
0xee: {  	v58 =	vsel vm8, $0x17DE, v59;
	v59 =	vsel vm8, $0x17DF, v60;
	v60 =	vsel vm8, $0x17E0, v61  }
0xef: {  	v61 =	vsel vm8, $0x17E1, v62;
	v5 =	vunpack.c.0.s8.s32 v5;
	v9 =	vsel vm5, $0x1112, v9  }
0xf0: {  	v8 =	vsel vm7, $0x35E, v10;
	v10 =	vsel vm7, $0x360, v12;
	v12 =	vsel vm7, $0x362, v14  }
0xf1: {  	v14 =	vsel vm7, $0x364, v16;
	v16 =	vsel vm7, $0x366, v18;
	v18 =	vsel vm7, $0x368, v20  }
0xf2: {  	v20 =	vsel vm7, $0x36A, v22;
	v22 =	vsel vm7, $0x36C, v24;
	v24 =	vsel vm7, $0x36E, v26  }
0xf3: {  	v26 =	vsel vm7, $0x370, v28;
	v28 =	vsel vm7, $0x372, v30;
	v30 =	vsel vm7, $0x374, v32  }
0xf4: {  	v32 =	vsel vm7, $0x376, v34;
	v34 =	vsel vm7, $0x378, v36;
	v36 =	vsel vm7, $0x37A, v38  }
0xf5: {  	v38 =	vsel vm7, $0x37C, v40;
	v40 =	vsel vm7, $0x37E, v42;
	v42 =	vsel vm7, $0x380, v44  }
0xf6: {  	[tilespmem:$0x1F890] =	vst v3;
	v3 =	vld [tilespmem:$0x1F8A0];
	v44 =	vsel vm7, $0x382, v46;
	v46 =	vsel vm7, $0x384, v48;
	v48 =	vsel vm7, $0x386, v50  }
0xf7: {  	v50 =	vsel vm7, $0x388, v52;
	v52 =	vsel vm7, $0x38A, v54;
	v54 =	vsel vm7, $0x38C, v56  }
0xf8: {  	v56 =	vsel vm7, $0x34E, v58;
	v58 =	vsel vm7, $0x350, v60;
	v60 =	vimm.s32 $0x55145312  }
0xf9: {  	v9 =	vsel vm4, $0x17EE, v9;
	v8 =	vsel vm6, $0xA3A, v8;
	v10 =	vsel vm6, $0xA3C, v10  }
0xfa: {  	v12 =	vsel vm6, $0xA3E, v12;
	v14 =	vsel vm6, $0xA40, v14;
	v16 =	vsel vm6, $0xA42, v16  }
0xfb: {  	v18 =	vsel vm6, $0xA44, v18;
	v20 =	vsel vm6, $0xA46, v20;
	v3 =	vsel vm0, v5, v3  }
0xfc: {  	v22 =	vsel vm6, $0xA48, v22;
	v24 =	vsel vm6, $0xA4A, v24;
	[tilespmem:$0x1FA40] =	vst v3;
	v3 =	vsel vm3, $0x35E, v9  }
0xfd: {  	v26 =	vsel vm6, $0xA4C, v26;
	v28 =	vsel vm6, $0xA4E, v28;
	v9 =	vsel vm2, $0xA3A, v3  }
0xfe: {  	v30 =	vsel vm6, $0xA50, v30;
	v32 =	vsel vm6, $0xA52, v32;
	v9 =	vsel vm1, $0x1116, v9  }
0xff: {  	v34 =	vsel vm6, $0xA54, v34;
	v36 =	vsel vm6, $0xA56, v36;
	v38 =	vsel vm6, $0xA58, v38;
	[tilespmem:$0x1F8B0] =	vst v9;
	v9 =	vld [tilespmem:$0x1F8C0]  }
0x100: {  	v40 =	vsel vm6, $0xA5A, v40;
	v42 =	vsel vm6, $0xA5C, v42;
	v44 =	vsel vm6, $0xA5E, v44  }
0x101: {  	v46 =	vsel vm6, $0xA60, v46;
	v48 =	vsel vm6, $0xA62, v48;
	v3 =	vimm.s32 $0x54135211  }
0x102: {  	v50 =	vsel vm6, $0xA64, v50;
	v52 =	vsel vm6, $0xA66, v52;
	v3 =	vunpack.c.0.s8.s32 v3  }
0x103: {  	v54 =	vsel vm6, $0xA28, v54;
	v56 =	vsel vm6, $0xA2A, v56;
	v58 =	vsel vm6, $0xA2C, v58  }
0x104: {  	v63 =	vsel vm0, v3, v9;
	v9 =	vsel vm7, $0x35F, v11;
	v11 =	vsel vm7, $0x361, v13  }
0x105: {  	v13 =	vsel vm7, $0x363, v15;
	v15 =	vsel vm7, $0x365, v17;
	v17 =	vsel vm7, $0x367, v19  }
0x106: {  	v19 =	vsel vm7, $0x369, v21;
	v21 =	vsel vm7, $0x36B, v23;
	v23 =	vsel vm7, $0x36D, v25  }
0x107: {  	v25 =	vsel vm7, $0x36F, v27;
	v27 =	vsel vm7, $0x371, v29;
	v29 =	vsel vm7, $0x373, v31  }
0x108: {  	v31 =	vsel vm7, $0x375, v33;
	v33 =	vsel vm7, $0x377, v35;
	v35 =	vsel vm7, $0x379, v37  }
0x109: {  	v37 =	vsel vm7, $0x37B, v39;
	v39 =	vsel vm7, $0x37D, v41;
	v41 =	vsel vm7, $0x37F, v43  }
0x10a: {  	v43 =	vsel vm7, $0x381, v45;
	v45 =	vsel vm7, $0x383, v47;
	v47 =	vsel vm7, $0x385, v49  }
0x10b: {  	v49 =	vsel vm7, $0x387, v51;
	v51 =	vsel vm7, $0x389, v53;
	v53 =	vsel vm7, $0x38B, v55  }
0x10c: {  	v55 =	vsel vm7, $0x34D, v57;
	v57 =	vsel vm7, $0x34F, v59;
	v59 =	vsel vm7, $0x351, v61  }
0x10d: {  	v61 =	vunpack.c.0.s8.s32 v60;
	v9 =	vsel vm6, $0xA3B, v9;
	v11 =	vsel vm6, $0xA3D, v11  }
0x10e: {  	v13 =	vsel vm6, $0xA3F, v13;
	v15 =	vsel vm6, $0xA41, v15;
	v17 =	vsel vm6, $0xA43, v17  }
0x10f: {  	v19 =	vsel vm6, $0xA45, v19;
	v21 =	vsel vm6, $0xA47, v21;
	v23 =	vsel vm6, $0xA49, v23  }
0x110: {  	v25 =	vsel vm6, $0xA4B, v25;
	v27 =	vsel vm6, $0xA4D, v27;
	v60 =	vsel vm6, $0xA4F, v29  }
0x111: {  	v62 =	vld [tilespmem:$0x1F8F0];
	v31 =	vsel vm6, $0xA51, v31;
	v33 =	vsel vm6, $0xA53, v33;
	v35 =	vsel vm6, $0xA55, v35  }
0x112: {  	v37 =	vsel vm6, $0xA57, v37;
	v39 =	vsel vm6, $0xA59, v39;
	v41 =	vsel vm6, $0xA5B, v41  }
0x113: {  	v43 =	vsel vm6, $0xA5D, v43;
	v45 =	vsel vm6, $0xA5F, v45;
	v47 =	vsel vm6, $0xA61, v47  }
0x114: {  	v49 =	vsel vm6, $0xA63, v49;
	v51 =	vsel vm6, $0xA65, v51;
	v53 =	vsel vm6, $0xA67, v53  }
0x115: {  	v55 =	vsel vm6, $0xA29, v55;
	v57 =	vsel vm6, $0xA2B, v57;
	v29 =	vimm.s32 $0x56155413  }
0x116: {  	v59 =	vsel vm6, $0xA2D, v59;
	v29 =	vunpack.c.0.s8.s32 v29;
	v62 =	vsel vm0, v61, v62  }
0x117: {  	[tilespmem:$0x1F900] =	vst v6;
	v6 =	vsel vm5, $0x1117, v9;
	v9 =	vsel vm5, $0x111A, v12;
	v12 =	vsel vm5, $0x111D, v15  }
0x118: {  	v15 =	vsel vm5, $0x1120, v18;
	v18 =	vsel vm5, $0x1123, v21;
	v21 =	vsel vm5, $0x1126, v24  }
0x119: {  	v24 =	vsel vm5, $0x1129, v27;
	v27 =	vsel vm5, $0x112C, v30;
	v30 =	vsel vm5, $0x112E, v32  }
0x11a: {  	v32 =	vsel vm5, $0x112F, v33;
	v33 =	vsel vm5, $0x1130, v34;
	v34 =	vsel vm5, $0x1131, v35  }
0x11b: {  	v35 =	vsel vm5, $0x1132, v36;
	v36 =	vsel vm5, $0x1133, v37;
	v37 =	vsel vm5, $0x1134, v38  }
0x11c: {  	v38 =	vsel vm5, $0x1135, v39;
	v39 =	vsel vm5, $0x1136, v40;
	v40 =	vsel vm5, $0x1137, v41  }
0x11d: {  	v41 =	vsel vm5, $0x1138, v42;
	v42 =	vsel vm5, $0x1139, v43;
	v43 =	vsel vm5, $0x113A, v44  }
0x11e: {  	v44 =	vsel vm5, $0x113B, v45;
	v45 =	vsel vm5, $0x113C, v46;
	v46 =	vsel vm5, $0x113D, v47  }
0x11f: {  	v47 =	vsel vm5, $0x113E, v48;
	v48 =	vsel vm5, $0x113F, v49;
	v49 =	vsel vm5, $0x1140, v50  }
0x120: {  	v50 =	vsel vm5, $0x1141, v51;
	v51 =	vsel vm5, $0x1142, v52;
	v52 =	vsel vm5, $0x1103, v53  }
0x121: {  	v53 =	vsel vm5, $0x1104, v54;
	v54 =	vsel vm5, $0x1105, v55;
	v55 =	vsel vm5, $0x1106, v56  }
0x122: {  	[tilespmem:$0x1F8E0] =	vst v61;
	v56 =	vsel vm5, $0x1107, v57;
	v57 =	vsel vm5, $0x1108, v58;
	v61 =	vsel vm5, $0x1109, v59  }
0x123: {  	v59 =	vsel vm3, $0x357, v1;
	v6 =	vsel vm4, $0x17F3, v6;
	v9 =	vsel vm4, $0x17F6, v9  }
0x124: {  	v12 =	vsel vm4, $0x17F9, v12;
	v15 =	vsel vm4, $0x17FC, v15;
	v18 =	vsel vm4, $0x17FF, v18  }
0x125: {  	v21 =	vsel vm4, $0x1802, v21;
	v24 =	vsel vm4, $0x1805, v24;
	v27 =	vsel vm4, $0x1808, v27  }
0x126: {  	v30 =	vsel vm4, $0x180A, v30;
	v32 =	vsel vm4, $0x180B, v32;
	v33 =	vsel vm4, $0x180C, v33  }
0x127: {  	v34 =	vsel vm4, $0x180D, v34;
	v35 =	vsel vm4, $0x180E, v35;
	v36 =	vsel vm4, $0x180F, v36  }
0x128: {  	[tilespmem:$0x1F950] =	vst v4;
	v4 =	vld [tilespmem:$0x1F920];
	v37 =	vsel vm4, $0x1810, v37;
	v38 =	vsel vm4, $0x1811, v38;
	v39 =	vsel vm4, $0x1812, v39  }
0x129: {  	v40 =	vsel vm4, $0x1813, v40;
	v41 =	vsel vm4, $0x1814, v41;
	v42 =	vsel vm4, $0x1815, v42  }
0x12a: {  	v43 =	vsel vm4, $0x1816, v43;
	v44 =	vsel vm4, $0x1817, v44;
	v45 =	vsel vm4, $0x1818, v45  }
0x12b: {  	v46 =	vsel vm4, $0x1819, v46;
	v52 =	vsel vm4, $0x17DF, v52;
	v55 =	vsel vm4, $0x17E2, v55  }
0x12c: {  	v56 =	vsel vm4, $0x17E3, v56;
	v57 =	vsel vm4, $0x17E4, v57;
	v58 =	vsel vm4, $0x17E5, v61  }
0x12d: {  	v61 =	vimm.s32 $0x58175615;
	[tilespmem:$0x1F910] =	vst v29;
	v29 =	vsel vm0, v29, v4;
	v4 =	vsel vm2, $0xA3D, v7  }
0x12e: {  	v7 =	vsel vm5, $0x1118, v10;
	v10 =	vsel vm5, $0x111B, v13;
	v13 =	vsel vm5, $0x111E, v16  }
0x12f: {  	v16 =	vsel vm5, $0x1121, v19;
	v19 =	vsel vm5, $0x1124, v22;
	v22 =	vsel vm5, $0x1127, v25  }
0x130: {  	v25 =	vsel vm5, $0x112A, v28;
	v28 =	vsel vm5, $0x112D, v31;
	v46 =	vsel vm3, $0x389, v46  }
0x131: {  	v52 =	vsel vm3, $0x34F, v52;
	v55 =	vsel vm3, $0x352, v55;
	v56 =	vsel vm3, $0x353, v56  }
0x132: {  	v57 =	vsel vm3, $0x354, v57;
	v58 =	vsel vm3, $0x355, v58;
	v4 =	vsel vm1, $0x1119, v4  }
0x133: {  	v7 =	vsel vm4, $0x17F4, v7;
	v10 =	vsel vm4, $0x17F7, v10;
	v13 =	vsel vm4, $0x17FA, v13  }
0x134: {  	v16 =	vsel vm4, $0x17FD, v16;
	v19 =	vsel vm4, $0x1800, v19;
	v22 =	vsel vm4, $0x1803, v22  }
0x135: {  	v25 =	vsel vm4, $0x1806, v25;
	v28 =	vsel vm4, $0x1809, v28;
	v46 =	vsel vm2, $0xA65, v46  }
0x136: {  	[tilespmem:$0x1F930] =	vst v4;
	v4 =	vsel vm5, $0x1116, v8;
	v8 =	vsel vm5, $0x1119, v11;
	v11 =	vsel vm5, $0x111C, v14  }
0x137: {  	v14 =	vsel vm5, $0x111F, v17;
	v17 =	vsel vm5, $0x1122, v20;
	v20 =	vsel vm5, $0x1125, v23  }
0x138: {  	v1 =	vld [tilespmem:$0x1F960];
	v23 =	vsel vm5, $0x1128, v26;
	v26 =	vsel vm5, $0x112B, v60;
	v60 =	vimm.s32 $0x57165514  }
0x139: {  	v52 =	vsel vm2, $0xA2B, v52;
	v31 =	vunpack.c.0.s8.s32 v60;
	v60 =	vunpack.c.0.s8.s32 v61;
	v61 =	vld [tilespmem:$0x1F970]  }
0x13a: {  	[tilespmem:$0x1FD30] =	vst v52;
	v52 =	vsel vm2, $0xA2E, v55;
	v4 =	vsel vm4, $0x17F2, v4;
	v8 =	vsel vm4, $0x17F5, v8  }
0x13b: {  	v11 =	vsel vm4, $0x17F8, v11;
	v14 =	vsel vm4, $0x17FB, v14;
	v17 =	vsel vm4, $0x17FE, v17  }
0x13c: {  	v20 =	vsel vm4, $0x1801, v20;
	v23 =	vsel vm4, $0x1804, v23;
	v26 =	vsel vm4, $0x1807, v26;
	v55 =	vmovc v63  }
0x13d: {  	v63 =	vsel vm2, $0xA2F, v56;
	v56 =	vmovc v62;
	v62 =	vsel vm2, $0xA30, v57;
	v57 =	vmovc v29;
	v29 =	vsel vm2, $0xA31, v58  }
0x13e: {  	v58 =	vunpack.c.0.s8.s32 v0;
	v4 =	vsel vm3, $0x362, v4;
	v1 =	vcombine.low v1, v61  }
0x13f: {  	[tilespmem:$0x1F940] =	vst v31;
	v31 =	vsel vm0, v31, v5;
	v5 =	vsel vm3, $0x363, v6;
	v6 =	vsel vm3, $0x364, v7  }
0x140: {  	v7 =	vsel vm3, $0x365, v8;
	v8 =	vsel vm3, $0x366, v9;
	[tilespmem:$0x1F980] =	vst v1;
	v1 =	vcombine.low v61, v31  }
0x141: {  	[tilespmem:$0x1FC90] =	vst v46;
	v9 =	vsel vm3, $0x367, v10;
	v10 =	vsel vm3, $0x368, v11;
	v4 =	vsel vm2, $0xA3E, v4  }
0x142: {  	v11 =	vsel vm3, $0x369, v12;
	v12 =	vsel vm3, $0x36A, v13;
	[tilespmem:$0x1F9A0] =	vst v1;
	v1 =	vsel vm1, $0x111A, v4  }
0x143: {  	[tilespmem:$0x1F990] =	vst v31;
	v4 =	vsel vm2, $0xA40, v6;
	v6 =	vsel vm2, $0xA42, v8;
	v8 =	vsel vm2, $0xA44, v10  }
0x144: {  	[tilespmem:$0x1F9B0] =	vst v1;
	v1 =	vsel vm0, v60, v3;
	v3 =	vsel vm2, $0xA3F, v5;
	v5 =	vsel vm2, $0xA41, v7  }
0x145: {  	v7 =	vsel vm2, $0xA43, v9;
	v9 =	vsel vm2, $0xA45, v11;
	v0 =	vsel vm1, $0x1120, v8;
	[tilespmem:$0x1F9D0] =	vst v1  }
0x146: {  	v13 =	vsel vm3, $0x36B, v14;
	v10 =	vsel vm2, $0xA46, v12;
	[tilespmem:$0x1FA80] =	vst v0;
	v0 =	vsel vm1, $0x1121, v9  }
0x147: {  	v14 =	vsel vm3, $0x36C, v15;
	v11 =	vsel vm2, $0xA47, v13;
	[tilespmem:$0x1FA90] =	vst v0;
	v0 =	vsel vm1, $0x1122, v10  }
0x148: {  	v15 =	vsel vm3, $0x36D, v16;
	v12 =	vsel vm2, $0xA48, v14;
	[tilespmem:$0x1FAA0] =	vst v0;
	v0 =	vsel vm1, $0x1123, v11  }
0x149: {  	v16 =	vsel vm3, $0x36E, v17;
	v13 =	vsel vm2, $0xA49, v15;
	[tilespmem:$0x1FAB0] =	vst v0;
	v0 =	vsel vm1, $0x1124, v12  }
0x14a: {  	v17 =	vsel vm3, $0x36F, v18;
	v14 =	vsel vm2, $0xA4A, v16;
	[tilespmem:$0x1FAC0] =	vst v0;
	v0 =	vsel vm1, $0x1125, v13  }
0x14b: {  	v18 =	vsel vm3, $0x370, v19;
	v15 =	vsel vm2, $0xA4B, v17;
	[tilespmem:$0x1FAD0] =	vst v0;
	v0 =	vsel vm1, $0x1126, v14  }
0x14c: {  	v19 =	vsel vm3, $0x371, v20;
	v16 =	vsel vm2, $0xA4C, v18;
	[tilespmem:$0x1FAE0] =	vst v0;
	v0 =	vsel vm1, $0x1127, v15  }
0x14d: {  	v20 =	vsel vm3, $0x372, v21;
	v17 =	vsel vm2, $0xA4D, v19;
	[tilespmem:$0x1FAF0] =	vst v0;
	v0 =	vsel vm1, $0x1128, v16  }
0x14e: {  	v21 =	vsel vm3, $0x373, v22;
	v18 =	vsel vm2, $0xA4E, v20;
	[tilespmem:$0x1FB00] =	vst v0;
	v0 =	vsel vm1, $0x1129, v17  }
0x14f: {  	v22 =	vsel vm3, $0x374, v23;
	v19 =	vsel vm2, $0xA4F, v21;
	[tilespmem:$0x1FB10] =	vst v0;
	v0 =	vsel vm1, $0x112A, v18  }
0x150: {  	v23 =	vsel vm3, $0x375, v24;
	v20 =	vsel vm2, $0xA50, v22;
	[tilespmem:$0x1FB20] =	vst v0;
	v0 =	vsel vm1, $0x112B, v19  }
0x151: {  	v24 =	vsel vm3, $0x376, v25;
	v21 =	vsel vm2, $0xA51, v23;
	[tilespmem:$0x1FB30] =	vst v0;
	v0 =	vsel vm1, $0x112C, v20  }
0x152: {  	v25 =	vsel vm3, $0x377, v26;
	v22 =	vsel vm2, $0xA52, v24;
	[tilespmem:$0x1FB40] =	vst v0;
	v0 =	vsel vm1, $0x112D, v21  }
0x153: {  	v26 =	vsel vm3, $0x378, v27;
	v23 =	vsel vm2, $0xA53, v25;
	[tilespmem:$0x1FB50] =	vst v0;
	v0 =	vsel vm1, $0x112E, v22  }
0x154: {  	v27 =	vsel vm3, $0x379, v28;
	v24 =	vsel vm2, $0xA54, v26;
	[tilespmem:$0x1FB60] =	vst v0;
	v0 =	vsel vm1, $0x112F, v23  }
0x155: {  	v28 =	vsel vm3, $0x37A, v30;
	v25 =	vsel vm2, $0xA55, v27;
	[tilespmem:$0x1FB70] =	vst v0;
	v0 =	vsel vm1, $0x1130, v24  }
0x156: {  	v30 =	vsel vm3, $0x37B, v32;
	v26 =	vsel vm2, $0xA56, v28;
	[tilespmem:$0x1FB80] =	vst v0;
	v0 =	vsel vm1, $0x1131, v25  }
0x157: {  	v32 =	vsel vm3, $0x37C, v33;
	v27 =	vsel vm2, $0xA57, v30;
	[tilespmem:$0x1FB90] =	vst v0;
	v0 =	vsel vm1, $0x1132, v26  }
0x158: {  	v33 =	vsel vm3, $0x37D, v34;
	v28 =	vsel vm2, $0xA58, v32;
	[tilespmem:$0x1FBA0] =	vst v0;
	v0 =	vsel vm1, $0x1133, v27  }
0x159: {  	v34 =	vsel vm3, $0x37E, v35;
	v30 =	vsel vm2, $0xA59, v33;
	[tilespmem:$0x1FBB0] =	vst v0;
	v0 =	vsel vm1, $0x1134, v28  }
0x15a: {  	v35 =	vsel vm3, $0x37F, v36;
	v32 =	vsel vm2, $0xA5A, v34;
	[tilespmem:$0x1FBC0] =	vst v0;
	v0 =	vsel vm1, $0x1135, v30  }
0x15b: {  	v36 =	vsel vm3, $0x380, v37;
	v33 =	vsel vm2, $0xA5B, v35;
	[tilespmem:$0x1FBD0] =	vst v0;
	v0 =	vsel vm1, $0x1136, v32  }
0x15c: {  	v38 =	vsel vm3, $0x381, v38;
	v34 =	vsel vm2, $0xA5C, v36;
	[tilespmem:$0x1FBE0] =	vst v0;
	v0 =	vsel vm1, $0x1137, v33  }
0x15d: {  	v39 =	vsel vm3, $0x382, v39;
	v35 =	vsel vm2, $0xA5D, v38;
	[tilespmem:$0x1FBF0] =	vst v0;
	v0 =	vsel vm1, $0x1138, v34  }
0x15e: {  	v40 =	vsel vm3, $0x383, v40;
	v36 =	vsel vm2, $0xA5E, v39;
	[tilespmem:$0x1FC00] =	vst v0;
	v0 =	vsel vm1, $0x1139, v35  }
0x15f: {  	v41 =	vsel vm3, $0x384, v41;
	v38 =	vsel vm2, $0xA5F, v40;
	[tilespmem:$0x1FC10] =	vst v0;
	v0 =	vsel vm1, $0x113A, v36  }
0x160: {  	v42 =	vsel vm3, $0x385, v42;
	v40 =	vsel vm2, $0xA60, v41;
	[tilespmem:$0x1FC20] =	vst v0;
	v0 =	vsel vm1, $0x113B, v38  }
0x161: {  	v43 =	vsel vm3, $0x386, v43;
	v1 =	vsel vm2, $0xA61, v42;
	[tilespmem:$0x1FC30] =	vst v0;
	v0 =	vsel vm1, $0x113C, v40  }
0x162: {  	v44 =	vsel vm3, $0x387, v44;
	v31 =	vsel vm2, $0xA62, v43;
	[tilespmem:$0x1FC40] =	vst v0;
	v0 =	vsel vm1, $0x113D, v1  }
0x163: {  	v45 =	vsel vm3, $0x388, v45;
	v39 =	vsel vm2, $0xA63, v44;
	[tilespmem:$0x1FC50] =	vst v0;
	v0 =	vsel vm1, $0x113E, v31  }
0x164: {  	v41 =	vsel vm2, $0xA64, v45;
	[tilespmem:$0x1FC60] =	vst v0;
	v0 =	vsel vm1, $0x113F, v39  }
0x165: {  	[tilespmem:$0x1FC70] =	vst v0;
	v0 =	vsel vm1, $0x1140, v41  }
0x166: {  	[tilespmem:$0x1FC80] =	vst v0;
	v0 =	vld [tilespmem:$0x1FC90];
	_ =	sdelay $0x1  }
0x167: {  	v47 =	vsel vm4, $0x181A, v47  }
0x168: {  	v47 =	vsel vm3, $0x38A, v47  }
0x169: {  	v47 =	vsel vm2, $0xA66, v47  }
0x16a: {  	[tilespmem:$0x1FCB0] =	vst v47;
	v0 =	vsel vm1, $0x1141, v0  }
0x16b: {  	[tilespmem:$0x1FCA0] =	vst v0;
	v0 =	vld [tilespmem:$0x1FCB0];
	_ =	sdelay $0x1  }
0x16c: {  	v48 =	vsel vm4, $0x181B, v48  }
0x16d: {  	v48 =	vsel vm3, $0x38B, v48  }
0x16e: {  	v48 =	vsel vm2, $0xA67, v48  }
0x16f: {  	[tilespmem:$0x1FCD0] =	vst v48;
	v0 =	vsel vm1, $0x1142, v0  }
0x170: {  	[tilespmem:$0x1FCC0] =	vst v0;
	v0 =	vld [tilespmem:$0x1FCD0];
	_ =	sdelay $0x1  }
0x171: {  	v49 =	vsel vm4, $0x181C, v49  }
0x172: {  	v49 =	vsel vm3, $0x38C, v49  }
0x173: {  	v49 =	vsel vm2, $0xA28, v49  }
0x174: {  	[tilespmem:$0x1FCF0] =	vst v49;
	v0 =	vsel vm1, $0x1103, v0  }
0x175: {  	[tilespmem:$0x1FCE0] =	vst v0;
	v0 =	vld [tilespmem:$0x1FCF0];
	_ =	sdelay $0x2  }
0x176: {  	v50 =	vsel vm4, $0x181D, v50  }
0x177: {  	v51 =	vsel vm4, $0x17DE, v51;
	v50 =	vsel vm3, $0x34D, v50  }
0x178: {  	v51 =	vsel vm3, $0x34E, v51;
	v50 =	vsel vm2, $0xA29, v50;
	v0 =	vsel vm1, $0x1104, v0  }
0x179: {  	v51 =	vsel vm2, $0xA2A, v51;
	[tilespmem:$0x1FD00] =	vst v0;
	v0 =	vsel vm1, $0x1105, v50  }
0x17a: {  	[tilespmem:$0x1FD10] =	vst v0;
	v0 =	vsel vm1, $0x1106, v51  }
0x17b: {  	[tilespmem:$0x1FD20] =	vst v0;
	v0 =	vld [tilespmem:$0x1FD30];
	_ =	sdelay $0x2  }
0x17c: {  	v53 =	vsel vm4, $0x17E0, v53  }
0x17d: {  	v54 =	vsel vm4, $0x17E1, v54;
	v53 =	vsel vm3, $0x350, v53  }
0x17e: {  	v54 =	vsel vm3, $0x351, v54;
	v53 =	vsel vm2, $0xA2C, v53;
	[tilespmem:$0x1FD70] =	vst v52;
	v0 =	vsel vm1, $0x1107, v0  }
0x17f: {  	v54 =	vsel vm2, $0xA2D, v54;
	[tilespmem:$0x1FD40] =	vst v0;
	v0 =	vsel vm1, $0x1108, v53  }
0x180: {  	[tilespmem:$0x1FD50] =	vst v0;
	v0 =	vsel vm1, $0x1109, v54  }
0x181: {  	[tilespmem:$0x1FD60] =	vst v0;
	v0 =	vld [tilespmem:$0x1FD70];
	_ =	sdelay $0x3  }
0x182: {  	[tilespmem:$0x1FD80] =	vst v63  }
0x183: {  	v12 =	vsel vm1, $0x110A, v0;
	v0 =	vld [tilespmem:$0x1FD80];
	_ =	sdelay $0x4  }
0x184: {  	v34 =	vsel vm1, $0x110B, v0;
	v0 =	vld [tilespmem:$0x1FD90];
	_ =	sdelay $0x3  }
0x185: {  	v59 =	vsel vm2, $0xA33, v59  }
0x186: {  	v52 =	vsel vm1, $0x111D, v5;
	v9 =	vimm.s32 $0x5A195817;
	v1 =	vsel vm1, $0x110E, v0;
	v0 =	vld [tilespmem:$0x1FDA0]  }
0x187: {  	v11 =	vunpack.c.0.s8.s32 v9;
	v9 =	vimm.s32 $0x5C1B5A19;
	v16 =	vimm.s32 $0x5B1A5918  }
0x188: {  	v13 =	vunpack.c.0.s8.s32 v16;
	v17 =	vunpack.c.0.s8.s32 v9;
	v9 =	vimm.s32 $0x5D1C5B1A  }
0x189: {  	v16 =	vimm.s32 $0x5E1D5C1B;
	v15 =	vunpack.c.0.s8.s32 v9;
	v9 =	vimm.s32 $0x5F1E5D1C  }
0x18a: {  	v50 =	vunpack.c.0.s8.s32 v16;
	v16 =	vimm.s32 $0x61205F1E;
	v54 =	vunpack.c.0.s8.s32 v9  }
0x18b: {  	v9 =	vimm.s32 $0x601F5E1D;
	v14 =	vsel vm1, $0x1110, v0;
	v0 =	vunpack.c.0.s8.s32 v16  }
0x18c: {  	v5 =	vsel vm1, $0x110F, v59;
	v59 =	vunpack.c.0.s8.s32 v9;
	v9 =	vimm.s32 $0x6221601F  }
0x18d: {  	[tilespmem:$0x1FDB0] =	vst v0;
	v0 =	vunpack.c.0.s8.s32 v9  }
0x18e: {  	v9 =	vimm.s32 $0x63226120  }
0x18f: {  	[tilespmem:$0x1FDC0] =	vst v0;
	v0 =	vunpack.c.0.s8.s32 v9  }
0x190: {  	v16 =	vimm.s32 $0x64236221  }
0x191: {  	[tilespmem:$0x1FDD0] =	vst v0;
	v0 =	vunpack.c.0.s8.s32 v16  }
0x192: {  	v9 =	vimm.s32 $0x65246322  }
0x193: {  	[tilespmem:$0x1FDE0] =	vst v0;
	v0 =	vunpack.c.0.s8.s32 v9  }
0x194: {  	v9 =	vimm.s32 $0x66256423  }
0x195: {  	[tilespmem:$0x1FDF0] =	vst v0;
	v0 =	vunpack.c.0.s8.s32 v9  }
0x196: {  	v16 =	vimm.s32 $0x67266524  }
0x197: {  	[tilespmem:$0x1FE00] =	vst v0;
	v0 =	vunpack.c.0.s8.s32 v16  }
0x198: {  	v9 =	vimm.s32 $0x68276625  }
0x199: {  	[tilespmem:$0x1FE10] =	vst v0;
	v0 =	vunpack.c.0.s8.s32 v9  }
0x19a: {  	v9 =	vimm.s32 $0x69286726  }
0x19b: {  	[tilespmem:$0x1FE20] =	vst v0;
	v0 =	vunpack.c.0.s8.s32 v9  }
0x19c: {  	v16 =	vimm.s32 $0x6A296827  }
0x19d: {  	[tilespmem:$0x1FE30] =	vst v0;
	v0 =	vunpack.c.0.s8.s32 v16  }
0x19e: {  	v9 =	vimm.s32 $0x6B2A6928  }
0x19f: {  	[tilespmem:$0x1FE40] =	vst v0;
	v0 =	vunpack.c.0.s8.s32 v9  }
0x1a0: {  	v9 =	vimm.s32 $0x6C2B6A29  }
0x1a1: {  	[tilespmem:$0x1FE50] =	vst v0;
	v0 =	vunpack.c.0.s8.s32 v9  }
0x1a2: {  	v16 =	vimm.s32 $0x6D2C6B2A  }
0x1a3: {  	[tilespmem:$0x1FE60] =	vst v0;
	v0 =	vunpack.c.0.s8.s32 v16  }
0x1a4: {  	v9 =	vimm.s32 $0x6E2D6C2B  }
0x1a5: {  	[tilespmem:$0x1FE70] =	vst v0;
	v0 =	vunpack.c.0.s8.s32 v9  }
0x1a6: {  	v9 =	vimm.s32 $0x6F2E6D2C  }
0x1a7: {  	[tilespmem:$0x1FE80] =	vst v0;
	v0 =	vunpack.c.0.s8.s32 v9  }
0x1a8: {  	v16 =	vimm.s32 $0x702F6E2D  }
0x1a9: {  	[tilespmem:$0x1FE90] =	vst v0;
	v0 =	vunpack.c.0.s8.s32 v16  }
0x1aa: {  	v9 =	vimm.s32 $0x71306F2E  }
0x1ab: {  	[tilespmem:$0x1FEA0] =	vst v0;
	v0 =	vunpack.c.0.s8.s32 v9  }
0x1ac: {  	v9 =	vimm.s32 $0x7231702F  }
0x1ad: {  	[tilespmem:$0x1FEB0] =	vst v0;
	v0 =	vunpack.c.0.s8.s32 v9  }
0x1ae: {  	v16 =	vimm.s32 $0x73327130  }
0x1af: {  	[tilespmem:$0x1FEC0] =	vst v0;
	v0 =	vunpack.c.0.s8.s32 v16  }
0x1b0: {  	v9 =	vimm.s32 $0x74337231  }
0x1b1: {  	[tilespmem:$0x1FED0] =	vst v0;
	v0 =	vunpack.c.0.s8.s32 v9  }
0x1b2: {  	v9 =	vimm.s32 $0x75347332  }
0x1b3: {  	[tilespmem:$0x1FEE0] =	vst v0;
	v0 =	vunpack.c.0.s8.s32 v9  }
0x1b4: {  	v16 =	vimm.s32 $0x76357433  }
0x1b5: {  	[tilespmem:$0x1FEF0] =	vst v0;
	v0 =	vunpack.c.0.s8.s32 v16  }
0x1b6: {  	v9 =	vimm.s32 $0x77367534  }
0x1b7: {  	v46 =	vld [tilespmem:$0x1FA20];
	[tilespmem:$0x1FF00] =	vst v0;
	v0 =	vunpack.c.0.s8.s32 v9  }
0x1b8: {  	v47 =	vld [tilespmem:$0x1FA30];
	v9 =	vimm.s32 $0x78377635  }
0x1b9: {  	v48 =	vld [tilespmem:$0x1FA40];
	[tilespmem:$0x1FF10] =	vst v0;
	v0 =	vunpack.c.0.s8.s32 v9  }
0x1ba: {  	v49 =	vld [tilespmem:$0x1FA60];
	v16 =	vimm.s32 $0x79387736  }
0x1bb: {  	v37 =	vld [tilespmem:$0x1F950];
	[tilespmem:$0x1FF20] =	vst v0;
	v0 =	vunpack.c.0.s8.s32 v16  }
0x1bc: {  	v43 =	vld [tilespmem:$0x1F9F0];
	v9 =	vimm.s32 $0x7A397837  }
0x1bd: {  	s0 =	rddreg [dreg:$0x0];
	v61 =	vld [tilespmem:$0x1FA70];
	[tilespmem:$0x1FF30] =	vst v0;
	v0 =	vunpack.c.0.s8.s32 v9  }
0x1be: {  	s4 =	rddreg [dreg:$0x1];
	v44 =	vld [tilespmem:$0x1FA00];
	v9 =	vimm.s32 $0x7B3A7938  }
0x1bf: {  	s6 =	rddreg [dreg:$0x2];
	s3 =	simm.s32 $0x0;
	v45 =	vld [tilespmem:$0x1FA10];
	[tilespmem:$0x1FF40] =	vst v0;
	v0 =	vunpack.c.0.s8.s32 v9  }
0x1c0: {  	[smem:$0x7FF] =	sst s3;
	[tilespmem:$0x1F9C0] =	vst v60;
	v60 =	vld [tilespmem:$0x1FA50];
	v16 =	vimm.s32 $0x7C3B7A39  }
0x1c1: {  	s1 =	rddreg [dreg:$0x3];
	v42 =	vld [tilespmem:$0x1F9E0];
	_ =	strace $0x80000047;
	[tilespmem:$0x1FF50] =	vst v0;
	v0 =	vunpack.c.0.s8.s32 v16  }
0x1c2: {  	v9 =	vimm.s32 $0x7D3C7B3A  }
0x1c3: {  	[tilespmem:$0x1FF60] =	vst v0;
	v0 =	vunpack.c.0.s8.s32 v9  }
0x1c4: {  	v9 =	vimm.s32 $0x7E3D7C3B  }
0x1c5: {  	[tilespmem:$0x1FF70] =	vst v0;
	v0 =	vunpack.c.0.s8.s32 v9  }
0x1c6: {  	s5 =	srdreg.scid;
	v16 =	vimm.s32 $0x7F3E7D3C  }
0x1c7: {  	s2 =	stileid.u32;
	s12 =	simm.s32 $0x2780;
	s13 =	simm.s32 $0x800;
	[tilespmem:$0x1FF80] =	vst v0;
	v0 =	vunpack.c.0.s8.s32 v16  }
0x1c8: {  	s14 =	simm.s32 $0x10000;
	s15 =	simm.s32 $0x0;
	s8 =	sshrl.u32 s2, $0x2;
	v9 =	vimm.s32 $0x403F7E3D  }
0x1c9: {  	s5 =	sand.u32 $0x1, s5;
	s7 =	sshll.u32 s2, $0x1;
	s10 =	smul.u32 $0xDC00, s8;
	v4 =	vsel vm1, $0x111C, v4;
	v2 =	vsel vm1, $0x111B, v3;
	[tilespmem:$0x1FF90] =	vst v0;
	v0 =	vunpack.c.0.s8.s32 v9  }
0x1ca: {  	s7 =	sor.u32 s5, s7;
	s5 =	ssub.s32 $0x2, s5;
	s8 =	smul.u32 $0x30000, s8;
	v63 =	vsel vm1, $0x111E, v6;
	v8 =	vcombine.low v46, v55;
	[tilespmem:$0x1FFD0] =	vst v2;
	v9 =	vimm.s32 $0x41007F3E  }
0x1cb: {  	s9 =	sshll.u32 s7, $0x7;
	s11 =	sshrl.u32 s5, $0x1;
	s7 =	sshll.u32 s7, $0x8;
	v7 =	vsel vm1, $0x111F, v7;
	v3 =	vcombine.low v61, v60;
	[tilespmem:$0x1FFA0] =	vst v0;
	v0 =	vunpack.c.0.s8.s32 v9  }
0x1cc: {  	s9 =	sand.u32 $0x380, s9;
	s11 =	ssub.s32 s5, s11;
	s6 =	sadd.s32 s6, s7;
	v6 =	vcombine.low v45, v48;
	v10 =	vcombine.low v42, v56;
	[tilespmem:$0x1FFE0] =	vst v4;
	v16 =	vimm.s32 $0x4201403F  }
0x1cd: {  	s10 =	sor.u32 s10, s9;
	s5 =	sor.u32 s9, s8;
	s7 =	smax.u32 s11, $0x1;
	v18 =	vcombine.low v37, v57;
	v35 =	vsel vm1, $0x110C, v62;
	[tilespmem:$0x1FFB0] =	vst v0;
	v0 =	vunpack.c.0.s8.s32 v16  }
0x1ce: {  	s8 =	simm.s32 $0x80;
	s9 =	simm.s32 $0x400;
	s31 =	sshrl.u32 s10, $0x3;
	v62 =	vcombine.low v43, v44;
	v36 =	vsel vm1, $0x110D, v29;
	v29 =	vimm.s32 $0xFFFFFFFF;
	[tilespmem:$0x1FFF0] =	vst v7  }
0x1cf: {  	s11 =	simm.s32 $0x1;
	s10 =	simm.s32 $0xC00;
	s4 =	sadd.s32 s4, s31;
	v31 =	vimm.s32 $0xFFFFFFFD;
	v39 =	vimm.s32 $0xFFFFFFF7;
	[tilespmem:$0x1FFC0] =	vst v0;
	v0 =	vcombine.low v49, v47  }
.LBB2_1:
0x1d0: {  	[tilespmem:s10], [sflag:$0x1] =	stream.strided.gather [hbm4b:s4+s8], $0x1B80, s9, s8, $0x38;
	[tilespmem:$0x12780] =	vst v63  }
0x1d1: {  	_ =	swait.ge [sflag:s11], $0x1B80  }
0x1d2: {  	[sflag:s11] =	ssyncset.done $0x0  }
0x1d3: {  	s16 =	simm.s32 $0x0;
	[sflag:s11] =	ssyncadd.s32 $0xFFFFE480  }
.LBB2_2:
0x1d4: {  	s17 =	smul.u32 $0x6000, s16;
	_ =	sdelay $0x1  }
0x1d5: {  	s17 =	sadd.s32 s5, s17  }
0x1d6: {  	s17 =	sshrl.u32 s17, $0x3  }
0x1d7: {  	s18 =	sadd.s32 s0, s17;
	s17 =	simm.s32 $0x0  }
0x1d8: {  	[tilespmem:s17], [sflag:$0x1] =	stream.strided.gather [hbm4b:s18+s8], $0xC00, s9, s8, $0x38;
	[tilespmem:$0x12780] =	vst v63  }
0x1d9: {  	_ =	swait.ge [sflag:s11], $0xC00  }
0x1da: {  	v28 =	vld [tilespmem:$0x1FD20]  }
0x1db: {  	v30 =	vld [tilespmem:$0x1FD40]  }
0x1dc: {  	[sflag:s11] =	ssyncset.done $0x0;
	v32 =	vld [tilespmem:$0x1FD50]  }
0x1dd: {  	v33 =	vld [tilespmem:$0x1FD60];
	[sflag:s11] =	ssyncadd.s32 $0xFFFFF400  }
.LBB2_3:
0x1de: {  	v9 =	vlaneseq.u32  }
0x1df: {  	v23 =	vor.u32 s17, v9  }
0x1e0: {  	v9 =	vmul.u32 $0x3, v23;
	_ =	sdelay $0x1  }
0x1e1: {  	v16 =	vadd.s32 $0x1, v9  }
0x1e2: {  	v21 =	vadd.s32 $0x2, v9;
	_ =	sdelay $0x2  }
0x1e3: {  	v9 =	vld.idx.msk [tilespmem:v9+s3+$0x0], $0xffff  }
0x1e4: {  	v16 =	vld.idx.msk [tilespmem:v16+s3+$0x0], $0xffff  }
0x1e5: {  	v21 =	vld.idx.msk [tilespmem:v21+s3+$0x0], $0xffff;
	_ =	sdelay $0x2  }
0x1e6: {  	v25 =	vand.u32 $0x7FFFFFFF, v9;
	vm1 =	vge.f32 v9, $0.0e+00  }
0x1e7: {  	v38 =	vand.u32 $0x7FFFFFFF, v16;
	v9 =	vsel vm1, $0x1, v29;
	vm1 =	vge.f32 v16, $0.0e+00  }
0x1e8: {  	v16 =	vsel vm1, $0x3, v31;
	vm1 =	vge.f32 v21, $0.0e+00;
	vm2 =	vlt.f32 v38, v25  }
0x1e9: {  	v61 =	vld [tilespmem:$0x1F7F0];
	v31 =	vand.u32 $0x7FFFFFFF, v21;
	v29 =	vsel vm1, $0x9, v39;
	v26 =	vsel vm2, v38, v25  }
0x1ea: {  	v40 =	vadd.s32 v9, v16;
	v37 =	vsel vm2, v16, v9;
	vm1 =	vlt.f32 v31, v26  }
0x1eb: {  	v51 =	vadd.s32 v29, v40;
	v37 =	vsel vm1, v29, v37;
	vm1 =	vge.f32 v38, v25  }
0x1ec: {  	v40 =	vmul.u32 $0x41, v51;
	v53 =	vsel vm1, v38, v25  }
0x1ed: {  	v21 =	vsub.s32 v51, v37;
	v16 =	vsel vm1, v16, v9;
	vm1 =	vge.f32 v31, v53  }
0x1ee: {  	v9 =	vmul.u32 $0x41, v21;
	v16 =	vsel vm1, v29, v16;
	v29 =	vadd.s32 v61, v40  }
0x1ef: {  	v21 =	vmul.u32 $0x41, v16  }
0x1f0: {  	v22 =	vmov s17;
	v16 =	vadd.s32 v61, v9  }
0x1f1: {  	v41 =	vmin.f32 v25, v38;
	v25 =	vmax.f32 v25, v38;
	v37 =	vadd.s32 v61, v21  }
0x1f2: {  	v24 =	vshll.u32 v22, $0x6;
	v22 =	vld [tilespmem:$0x1F980];
	v61 =	vmax.f32 v25, v31;
	v25 =	vmin.f32 v25, v31  }
0x1f3: {  	v23 =	vshll.u32 v23, $0x5;
	v25 =	vmax.f32 v41, v25;
	v29 =	vld.idx.msk [tilespmem:v29+s10+$0x0], $0xffff  }
0x1f4: {  	v26 =	vand.u32 $0x380, v23;
	v23 =	vsub.f32 v61, v25;
	v61 =	vld [tilespmem:$0x1F800]  }
0x1f5: {  	v42 =	vld.idx.msk [tilespmem:v16+s10+$0x0], $0xffff  }
0x1f6: {  	v16 =	vmin.f32 v41, v31;
	v31 =	vld.idx.msk [tilespmem:v37+s10+$0x0], $0xffff  }
0x1f7: {  	v37 =	vand.u32 $0xF800, v24;
	v24 =	vld [tilespmem:$0x1F820]  }
0x1f8: {  	v38 =	vsub.f32 v25, v16  }
0x1f9: {  	v53 =	vmov v43;
	v43 =	vor.u32 v26, v37  }
0x1fa: {  	v29 =	vmul.f32 v16, v29;
	v25 =	vor.u32 v61, v43;
	v51 =	vmul.f32 v38, v42  }
0x1fb: {  	v39 =	vor.u32 v22, v25  }
0x1fc: {  	v29 =	vadd.f32 v51, v29;
	v31 =	vmul.f32 v23, v31;
	v26 =	vadd.s32 v24, v40  }
0x1fd: {  	v51 =	vadd.s32 v24, v9  }
0x1fe: {  	v29 =	vadd.f32 v29, v31  }
0x1ff: {  	v31 =	vadd.s32 v24, v21  }
0x200: {  	[tilespmem:v39+s12+$0x0] =	vst.idx.msk $0xffff, v29  }
0x201: {  	v29 =	vld.idx.msk [tilespmem:v26+s10+$0x0], $0xffff  }
0x202: {  	v61 =	vld.idx.msk [tilespmem:v51+s10+$0x0], $0xffff  }
0x203: {  	v24 =	vld [tilespmem:$0x1F840]  }
0x204: {  	v31 =	vld.idx.msk [tilespmem:v31+s10+$0x0], $0xffff;
	_ =	sdelay $0x2  }
0x205: {  	v29 =	vmul.f32 v29, v16;
	v37 =	vmul.f32 v61, v38  }
0x206: {  	v22 =	vor.u32 v62, v25  }
0x207: {  	v26 =	vadd.s32 v24, v40;
	v29 =	vadd.f32 v37, v29;
	v31 =	vmul.f32 v31, v23  }
0x208: {  	v51 =	vadd.s32 v24, v9  }
0x209: {  	v29 =	vadd.f32 v31, v29  }
0x20a: {  	v31 =	vadd.s32 v24, v21  }
0x20b: {  	[tilespmem:v22+s12+$0x0] =	vst.idx.msk $0xffff, v29  }
0x20c: {  	v29 =	vld.idx.msk [tilespmem:v26+s10+$0x0], $0xffff  }
0x20d: {  	v61 =	vld.idx.msk [tilespmem:v51+s10+$0x0], $0xffff  }
0x20e: {  	v24 =	vld [tilespmem:$0x1F870]  }
0x20f: {  	v31 =	vld.idx.msk [tilespmem:v31+s10+$0x0], $0xffff;
	_ =	sdelay $0x2  }
0x210: {  	v29 =	vmul.f32 v29, v16;
	v37 =	vmul.f32 v61, v38  }
0x211: {  	v22 =	vor.u32 v0, v25  }
0x212: {  	v26 =	vadd.s32 v24, v40;
	v29 =	vadd.f32 v37, v29;
	v31 =	vmul.f32 v31, v23  }
0x213: {  	v51 =	vadd.s32 v24, v9  }
0x214: {  	v29 =	vadd.f32 v31, v29  }
0x215: {  	v31 =	vadd.s32 v24, v21  }
0x216: {  	[tilespmem:v22+s12+$0x0] =	vst.idx.msk $0xffff, v29  }
0x217: {  	v29 =	vld.idx.msk [tilespmem:v26+s10+$0x0], $0xffff  }
0x218: {  	v61 =	vld.idx.msk [tilespmem:v51+s10+$0x0], $0xffff  }
0x219: {  	v24 =	vld [tilespmem:$0x1F890]  }
0x21a: {  	v31 =	vld.idx.msk [tilespmem:v31+s10+$0x0], $0xffff;
	_ =	sdelay $0x2  }
0x21b: {  	v29 =	vmul.f32 v29, v16;
	v37 =	vmul.f32 v61, v38  }
0x21c: {  	v22 =	vor.u32 v3, v25  }
0x21d: {  	v26 =	vadd.s32 v24, v40;
	v29 =	vadd.f32 v37, v29;
	v31 =	vmul.f32 v31, v23  }
0x21e: {  	v51 =	vadd.s32 v24, v9  }
0x21f: {  	v29 =	vadd.f32 v31, v29  }
0x220: {  	v31 =	vadd.s32 v24, v21  }
0x221: {  	[tilespmem:v22+s12+$0x0] =	vst.idx.msk $0xffff, v29  }
0x222: {  	v29 =	vld.idx.msk [tilespmem:v26+s10+$0x0], $0xffff  }
0x223: {  	v61 =	vld.idx.msk [tilespmem:v51+s10+$0x0], $0xffff  }
0x224: {  	v24 =	vld [tilespmem:$0x1F8B0]  }
0x225: {  	v31 =	vld.idx.msk [tilespmem:v31+s10+$0x0], $0xffff;
	_ =	sdelay $0x2  }
0x226: {  	v29 =	vmul.f32 v29, v16;
	v37 =	vmul.f32 v61, v38  }
0x227: {  	v22 =	vor.u32 v6, v25  }
0x228: {  	v26 =	vadd.s32 v24, v40;
	v29 =	vadd.f32 v37, v29;
	v31 =	vmul.f32 v31, v23  }
0x229: {  	v51 =	vadd.s32 v24, v9  }
0x22a: {  	v29 =	vadd.f32 v31, v29  }
0x22b: {  	v31 =	vadd.s32 v24, v21  }
0x22c: {  	[tilespmem:v22+s12+$0x0] =	vst.idx.msk $0xffff, v29  }
0x22d: {  	v29 =	vld.idx.msk [tilespmem:v26+s10+$0x0], $0xffff  }
0x22e: {  	v61 =	vld.idx.msk [tilespmem:v51+s10+$0x0], $0xffff  }
0x22f: {  	v24 =	vld [tilespmem:$0x1F8D0]  }
0x230: {  	v31 =	vld.idx.msk [tilespmem:v31+s10+$0x0], $0xffff;
	_ =	sdelay $0x2  }
0x231: {  	v29 =	vmul.f32 v29, v16;
	v37 =	vmul.f32 v61, v38  }
0x232: {  	v22 =	vor.u32 v8, v25  }
0x233: {  	v26 =	vadd.s32 v24, v40;
	v29 =	vadd.f32 v37, v29;
	v31 =	vmul.f32 v31, v23  }
0x234: {  	v51 =	vadd.s32 v24, v9  }
0x235: {  	v29 =	vadd.f32 v31, v29  }
0x236: {  	v31 =	vadd.s32 v24, v21  }
0x237: {  	[tilespmem:v22+s12+$0x0] =	vst.idx.msk $0xffff, v29  }
0x238: {  	v29 =	vld.idx.msk [tilespmem:v26+s10+$0x0], $0xffff  }
0x239: {  	v61 =	vld.idx.msk [tilespmem:v51+s10+$0x0], $0xffff  }
0x23a: {  	v24 =	vld [tilespmem:$0x1F900]  }
0x23b: {  	v31 =	vld.idx.msk [tilespmem:v31+s10+$0x0], $0xffff;
	_ =	sdelay $0x2  }
0x23c: {  	v29 =	vmul.f32 v29, v16;
	v37 =	vmul.f32 v61, v38  }
0x23d: {  	v22 =	vor.u32 v10, v25  }
0x23e: {  	v26 =	vadd.s32 v24, v40;
	v29 =	vadd.f32 v37, v29;
	v31 =	vmul.f32 v31, v23  }
0x23f: {  	v51 =	vadd.s32 v24, v9  }
0x240: {  	v29 =	vadd.f32 v31, v29  }
0x241: {  	v31 =	vadd.s32 v24, v21  }
0x242: {  	[tilespmem:v22+s12+$0x0] =	vst.idx.msk $0xffff, v29  }
0x243: {  	v29 =	vld.idx.msk [tilespmem:v26+s10+$0x0], $0xffff  }
0x244: {  	v61 =	vld.idx.msk [tilespmem:v51+s10+$0x0], $0xffff  }
0x245: {  	v24 =	vld [tilespmem:$0x1F930]  }
0x246: {  	v31 =	vld.idx.msk [tilespmem:v31+s10+$0x0], $0xffff;
	_ =	sdelay $0x2  }
0x247: {  	v29 =	vmul.f32 v29, v16;
	v37 =	vmul.f32 v61, v38  }
0x248: {  	v22 =	vor.u32 v18, v25  }
0x249: {  	v26 =	vadd.s32 v24, v40;
	v29 =	vadd.f32 v37, v29;
	v31 =	vmul.f32 v31, v23  }
0x24a: {  	v51 =	vadd.s32 v24, v9  }
0x24b: {  	v29 =	vadd.f32 v31, v29  }
0x24c: {  	v31 =	vadd.s32 v24, v21  }
0x24d: {  	v24 =	vld [tilespmem:$0x1F9B0];
	[tilespmem:v22+s12+$0x0] =	vst.idx.msk $0xffff, v29  }
0x24e: {  	v29 =	vld.idx.msk [tilespmem:v26+s10+$0x0], $0xffff  }
0x24f: {  	v61 =	vld.idx.msk [tilespmem:v51+s10+$0x0], $0xffff  }
0x250: {  	v22 =	vld [tilespmem:$0x1F9A0]  }
0x251: {  	v31 =	vld.idx.msk [tilespmem:v31+s10+$0x0], $0xffff;
	_ =	sdelay $0x2  }
0x252: {  	v29 =	vmul.f32 v29, v16;
	v37 =	vmul.f32 v61, v38  }
0x253: {  	v39 =	vor.u32 v22, v25  }
0x254: {  	v51 =	vadd.s32 v24, v9;
	v29 =	vadd.f32 v37, v29;
	v31 =	vmul.f32 v31, v23;
	_ =	sdelay $0x1  }
0x255: {  	v26 =	vadd.s32 v24, v40;
	v29 =	vadd.f32 v31, v29;
	_ =	sdelay $0x1  }
0x256: {  	v31 =	vadd.s32 v24, v21;
	[tilespmem:v39+s12+$0x0] =	vst.idx.msk $0xffff, v29  }
0x257: {  	v61 =	vld.idx.msk [tilespmem:v51+s10+$0x0], $0xffff  }
0x258: {  	v51 =	vld [tilespmem:$0x1F9D0]  }
0x259: {  	v29 =	vld.idx.msk [tilespmem:v26+s10+$0x0], $0xffff;
	_ =	sdelay $0x1  }
0x25a: {  	v31 =	vld.idx.msk [tilespmem:v31+s10+$0x0], $0xffff;
	_ =	sdelay $0x1  }
0x25b: {  	v22 =	vcombine.low v44, v51  }
0x25c: {  	v29 =	vmul.f32 v29, v16;
	v37 =	vmul.f32 v61, v38  }
0x25d: {  	v39 =	vor.u32 v22, v25  }
0x25e: {  	v24 =	vadd.s32 v2, v40;
	v29 =	vadd.f32 v37, v29;
	v31 =	vmul.f32 v31, v23  }
0x25f: {  	v26 =	vadd.s32 v2, v9  }
0x260: {  	v29 =	vadd.f32 v31, v29  }
0x261: {  	v31 =	vadd.s32 v2, v21  }
0x262: {  	v2 =	vld [tilespmem:$0x1F8E0];
	[tilespmem:v39+s12+$0x0] =	vst.idx.msk $0xffff, v29  }
0x263: {  	v29 =	vld.idx.msk [tilespmem:v24+s10+$0x0], $0xffff  }
0x264: {  	v61 =	vld.idx.msk [tilespmem:v26+s10+$0x0], $0xffff;
	_ =	sdelay $0x1  }
0x265: {  	v31 =	vld.idx.msk [tilespmem:v31+s10+$0x0], $0xffff  }
0x266: {  	v39 =	vsel vm0, v58, v2  }
0x267: {  	v22 =	vcombine.low v47, v39  }
0x268: {  	v29 =	vmul.f32 v29, v16;
	v37 =	vmul.f32 v61, v38  }
0x269: {  	v41 =	vor.u32 v22, v25  }
0x26a: {  	v24 =	vadd.s32 v4, v40;
	v31 =	vmul.f32 v31, v23;
	v29 =	vadd.f32 v37, v29  }
0x26b: {  	v26 =	vadd.s32 v4, v9  }
0x26c: {  	v29 =	vadd.f32 v31, v29  }
0x26d: {  	v31 =	vadd.s32 v4, v21  }
0x26e: {  	v2 =	vld [tilespmem:$0x1F910];
	[tilespmem:v41+s12+$0x0] =	vst.idx.msk $0xffff, v29  }
0x26f: {  	v29 =	vld.idx.msk [tilespmem:v24+s10+$0x0], $0xffff  }
0x270: {  	v61 =	vld.idx.msk [tilespmem:v26+s10+$0x0], $0xffff;
	_ =	sdelay $0x1  }
0x271: {  	v31 =	vld.idx.msk [tilespmem:v31+s10+$0x0], $0xffff  }
0x272: {  	v41 =	vsel vm0, v11, v2  }
0x273: {  	v22 =	vcombine.low v60, v41  }
0x274: {  	v29 =	vmul.f32 v29, v16;
	v37 =	vmul.f32 v61, v38  }
0x275: {  	v42 =	vor.u32 v22, v25  }
0x276: {  	v24 =	vadd.s32 v52, v40;
	v29 =	vadd.f32 v37, v29;
	v31 =	vmul.f32 v31, v23  }
0x277: {  	v26 =	vadd.s32 v52, v9  }
0x278: {  	v29 =	vadd.f32 v31, v29  }
0x279: {  	v31 =	vadd.s32 v52, v21  }
0x27a: {  	v2 =	vld [tilespmem:$0x1F940];
	[tilespmem:v42+s12+$0x0] =	vst.idx.msk $0xffff, v29  }
0x27b: {  	v29 =	vld.idx.msk [tilespmem:v24+s10+$0x0], $0xffff  }
0x27c: {  	v60 =	vld.idx.msk [tilespmem:v26+s10+$0x0], $0xffff;
	_ =	sdelay $0x1  }
0x27d: {  	v31 =	vld.idx.msk [tilespmem:v31+s10+$0x0], $0xffff  }
0x27e: {  	v42 =	vsel vm0, v13, v2  }
0x27f: {  	v61 =	vcombine.low v48, v42  }
0x280: {  	v29 =	vmul.f32 v29, v16;
	v37 =	vmul.f32 v60, v38  }
0x281: {  	v43 =	vor.u32 v61, v25  }
0x282: {  	v22 =	vadd.s32 v63, v40;
	v29 =	vadd.f32 v37, v29;
	v31 =	vmul.f32 v31, v23  }
0x283: {  	v24 =	vadd.s32 v63, v9  }
0x284: {  	v29 =	vadd.f32 v31, v29  }
0x285: {  	v31 =	vadd.s32 v63, v21  }
0x286: {  	v2 =	vld [tilespmem:$0x1F9C0];
	[tilespmem:v43+s12+$0x0] =	vst.idx.msk $0xffff, v29  }
0x287: {  	v29 =	vld.idx.msk [tilespmem:v22+s10+$0x0], $0xffff  }
0x288: {  	v26 =	vld.idx.msk [tilespmem:v24+s10+$0x0], $0xffff;
	_ =	sdelay $0x1  }
0x289: {  	v31 =	vld.idx.msk [tilespmem:v31+s10+$0x0], $0xffff  }
0x28a: {  	v43 =	vsel vm0, v17, v2  }
0x28b: {  	v60 =	vcombine.low v55, v43  }
0x28c: {  	v29 =	vmul.f32 v29, v16;
	v37 =	vmul.f32 v26, v38  }
0x28d: {  	v61 =	vmov v52;
	v52 =	vmov v44;
	v44 =	vor.u32 v60, v25  }
0x28e: {  	v22 =	vadd.s32 v7, v40;
	v29 =	vadd.f32 v37, v29;
	v31 =	vmul.f32 v31, v23  }
0x28f: {  	v24 =	vadd.s32 v7, v9  }
0x290: {  	v29 =	vadd.f32 v31, v29  }
0x291: {  	v31 =	vadd.s32 v7, v21  }
0x292: {  	[tilespmem:v44+s12+$0x0] =	vst.idx.msk $0xffff, v29  }
0x293: {  	v29 =	vld.idx.msk [tilespmem:v22+s10+$0x0], $0xffff  }
0x294: {  	v26 =	vld.idx.msk [tilespmem:v24+s10+$0x0], $0xffff  }
0x295: {  	v7 =	vld [tilespmem:$0x1FA80]  }
0x296: {  	v31 =	vld.idx.msk [tilespmem:v31+s10+$0x0], $0xffff  }
0x297: {  	v44 =	vsel vm0, v15, v58  }
0x298: {  	v60 =	vcombine.low v56, v44  }
0x299: {  	v29 =	vmul.f32 v29, v16;
	v37 =	vmul.f32 v26, v38  }
0x29a: {  	v2 =	vmov v55;
	v55 =	vmov v45;
	v45 =	vor.u32 v60, v25  }
0x29b: {  	v22 =	vadd.s32 v7, v40;
	v29 =	vadd.f32 v37, v29;
	v31 =	vmul.f32 v31, v23  }
0x29c: {  	v24 =	vadd.s32 v7, v9  }
0x29d: {  	v29 =	vadd.f32 v31, v29  }
0x29e: {  	v31 =	vadd.s32 v7, v21  }
0x29f: {  	[tilespmem:v45+s12+$0x0] =	vst.idx.msk $0xffff, v29  }
0x2a0: {  	v29 =	vld.idx.msk [tilespmem:v22+s10+$0x0], $0xffff  }
0x2a1: {  	v26 =	vld.idx.msk [tilespmem:v24+s10+$0x0], $0xffff  }
0x2a2: {  	v22 =	vld [tilespmem:$0x1FA90]  }
0x2a3: {  	v31 =	vld.idx.msk [tilespmem:v31+s10+$0x0], $0xffff  }
0x2a4: {  	v45 =	vsel vm0, v50, v11  }
0x2a5: {  	v60 =	vcombine.low v57, v45  }
0x2a6: {  	v29 =	vmul.f32 v29, v16;
	v37 =	vmul.f32 v26, v38  }
0x2a7: {  	v4 =	vmov v56;
	v56 =	vmov v46;
	v46 =	vor.u32 v60, v25  }
0x2a8: {  	v24 =	vadd.s32 v22, v40;
	v29 =	vadd.f32 v37, v29;
	v31 =	vmul.f32 v31, v23;
	_ =	sdelay $0x1  }
0x2a9: {  	v26 =	vadd.s32 v22, v9;
	v29 =	vadd.f32 v31, v29;
	_ =	sdelay $0x1  }
0x2aa: {  	v31 =	vadd.s32 v22, v21;
	[tilespmem:v46+s12+$0x0] =	vst.idx.msk $0xffff, v29  }
0x2ab: {  	v29 =	vld.idx.msk [tilespmem:v24+s10+$0x0], $0xffff  }
0x2ac: {  	v24 =	vld [tilespmem:$0x1F990]  }
0x2ad: {  	v22 =	vld.idx.msk [tilespmem:v26+s10+$0x0], $0xffff  }
0x2ae: {  	v19 =	vld [tilespmem:$0x1FAA0]  }
0x2af: {  	v31 =	vld.idx.msk [tilespmem:v31+s10+$0x0], $0xffff  }
0x2b0: {  	v46 =	vsel vm0, v54, v13  }
0x2b1: {  	v7 =	vmov v57;
	v57 =	vmov v47;
	v47 =	vcombine.low v24, v46  }
0x2b2: {  	v29 =	vmul.f32 v29, v16;
	v37 =	vmul.f32 v22, v38  }
0x2b3: {  	v47 =	vor.u32 v47, v25  }
0x2b4: {  	v26 =	vadd.s32 v19, v40;
	v29 =	vadd.f32 v37, v29;
	v31 =	vmul.f32 v31, v23  }
0x2b5: {  	v22 =	vadd.s32 v19, v9  }
0x2b6: {  	v29 =	vadd.f32 v31, v29  }
0x2b7: {  	v31 =	vadd.s32 v19, v21  }
0x2b8: {  	[tilespmem:v47+s12+$0x0] =	vst.idx.msk $0xffff, v29  }
0x2b9: {  	v29 =	vld.idx.msk [tilespmem:v26+s10+$0x0], $0xffff  }
0x2ba: {  	v24 =	vld.idx.msk [tilespmem:v22+s10+$0x0], $0xffff  }
0x2bb: {  	v19 =	vld [tilespmem:$0x1FAB0]  }
0x2bc: {  	v31 =	vld.idx.msk [tilespmem:v31+s10+$0x0], $0xffff  }
0x2bd: {  	v47 =	vsel vm0, v59, v17  }
0x2be: {  	v26 =	vcombine.low v51, v47  }
0x2bf: {  	v29 =	vmul.f32 v29, v16;
	v37 =	vmul.f32 v24, v38  }
0x2c0: {  	v60 =	vmov v63;
	v63 =	vmov v48;
	v48 =	vor.u32 v26, v25  }
0x2c1: {  	v22 =	vadd.s32 v19, v40;
	v31 =	vmul.f32 v31, v23;
	v29 =	vadd.f32 v37, v29  }
0x2c2: {  	v24 =	vadd.s32 v19, v9  }
0x2c3: {  	v29 =	vadd.f32 v31, v29  }
0x2c4: {  	v31 =	vadd.s32 v19, v21  }
0x2c5: {  	v20 =	vld [tilespmem:$0x1FDB0];
	[tilespmem:v48+s12+$0x0] =	vst.idx.msk $0xffff, v29  }
0x2c6: {  	v29 =	vld.idx.msk [tilespmem:v22+s10+$0x0], $0xffff  }
0x2c7: {  	v26 =	vld.idx.msk [tilespmem:v24+s10+$0x0], $0xffff  }
0x2c8: {  	v19 =	vld [tilespmem:$0x1FAC0]  }
0x2c9: {  	v31 =	vld.idx.msk [tilespmem:v31+s10+$0x0], $0xffff  }
0x2ca: {  	v48 =	vsel vm0, v20, v15  }
0x2cb: {  	v39 =	vcombine.low v39, v48  }
0x2cc: {  	v29 =	vmul.f32 v29, v16;
	v37 =	vmul.f32 v26, v38  }
0x2cd: {  	v39 =	vor.u32 v39, v25  }
0x2ce: {  	v24 =	vadd.s32 v19, v40;
	v29 =	vadd.f32 v37, v29;
	v31 =	vmul.f32 v31, v23  }
0x2cf: {  	v26 =	vadd.s32 v19, v9  }
0x2d0: {  	v29 =	vadd.f32 v31, v29  }
0x2d1: {  	v31 =	vadd.s32 v19, v21  }
0x2d2: {  	v51 =	vmov v17;
	v17 =	vmov v13;
	v22 =	vld [tilespmem:$0x1FDC0];
	[tilespmem:v39+s12+$0x0] =	vst.idx.msk $0xffff, v29  }
0x2d3: {  	v13 =	vmovc v11;
	v11 =	vmovc v14;
	v14 =	vmov v5;
	v5 =	vmov v1;
	v1 =	vmov v36;
	v29 =	vld.idx.msk [tilespmem:v24+s10+$0x0], $0xffff  }
0x2d4: {  	v36 =	vmovc v35;
	v35 =	vmovc v34;
	v34 =	vmov v12;
	v12 =	vmov v58;
	v58 =	vmov v49;
	v49 =	vld.idx.msk [tilespmem:v26+s10+$0x0], $0xffff  }
0x2d5: {  	v19 =	vld [tilespmem:$0x1FAD0]  }
0x2d6: {  	v31 =	vld.idx.msk [tilespmem:v31+s10+$0x0], $0xffff  }
0x2d7: {  	v39 =	vsel vm0, v22, v50  }
0x2d8: {  	v41 =	vcombine.low v41, v39  }
0x2d9: {  	v29 =	vmul.f32 v29, v16;
	v37 =	vmul.f32 v49, v38  }
0x2da: {  	v41 =	vor.u32 v41, v25  }
0x2db: {  	v24 =	vadd.s32 v19, v40;
	v29 =	vadd.f32 v37, v29;
	v31 =	vmul.f32 v31, v23;
	_ =	sdelay $0x1  }
0x2dc: {  	v29 =	vadd.f32 v31, v29  }
0x2dd: {  	v26 =	vadd.s32 v19, v9  }
0x2de: {  	[tilespmem:v41+s12+$0x0] =	vst.idx.msk $0xffff, v29  }
0x2df: {  	v31 =	vadd.s32 v19, v21;
	v29 =	vld.idx.msk [tilespmem:v24+s10+$0x0], $0xffff  }
0x2e0: {  	v24 =	vld [tilespmem:$0x1FDD0];
	_ =	sdelay $0x1  }
0x2e1: {  	v49 =	vld.idx.msk [tilespmem:v26+s10+$0x0], $0xffff  }
0x2e2: {  	v19 =	vld [tilespmem:$0x1FAE0]  }
0x2e3: {  	v31 =	vld.idx.msk [tilespmem:v31+s10+$0x0], $0xffff  }
0x2e4: {  	v41 =	vsel vm0, v24, v54  }
0x2e5: {  	v42 =	vcombine.low v42, v41  }
0x2e6: {  	v29 =	vmul.f32 v29, v16;
	v37 =	vmul.f32 v49, v38  }
0x2e7: {  	v42 =	vor.u32 v42, v25  }
0x2e8: {  	v26 =	vadd.s32 v19, v9;
	v29 =	vadd.f32 v37, v29;
	v31 =	vmul.f32 v31, v23;
	_ =	sdelay $0x1  }
0x2e9: {  	v29 =	vadd.f32 v31, v29  }
0x2ea: {  	v37 =	vadd.s32 v19, v40  }
0x2eb: {  	[tilespmem:v42+s12+$0x0] =	vst.idx.msk $0xffff, v29  }
0x2ec: {  	v31 =	vadd.s32 v19, v21;
	v49 =	vld.idx.msk [tilespmem:v26+s10+$0x0], $0xffff  }
0x2ed: {  	v26 =	vld [tilespmem:$0x1FDE0];
	_ =	sdelay $0x1  }
0x2ee: {  	v29 =	vld.idx.msk [tilespmem:v37+s10+$0x0], $0xffff  }
0x2ef: {  	v19 =	vld [tilespmem:$0x1FAF0]  }
0x2f0: {  	v31 =	vld.idx.msk [tilespmem:v31+s10+$0x0], $0xffff  }
0x2f1: {  	v42 =	vsel vm0, v26, v59  }
0x2f2: {  	v43 =	vcombine.low v43, v42  }
0x2f3: {  	v29 =	vmul.f32 v29, v16;
	v37 =	vmul.f32 v49, v38  }
0x2f4: {  	v43 =	vor.u32 v43, v25  }
0x2f5: {  	v31 =	vmul.f32 v31, v23;
	v29 =	vadd.f32 v37, v29;
	v37 =	vadd.s32 v19, v40  }
0x2f6: {  	v49 =	vadd.s32 v19, v9  }
0x2f7: {  	v29 =	vadd.f32 v31, v29  }
0x2f8: {  	v31 =	vadd.s32 v19, v21  }
0x2f9: {  	v27 =	vld [tilespmem:$0x1FDF0];
	[tilespmem:v43+s12+$0x0] =	vst.idx.msk $0xffff, v29  }
0x2fa: {  	v29 =	vld.idx.msk [tilespmem:v37+s10+$0x0], $0xffff  }
0x2fb: {  	v49 =	vld.idx.msk [tilespmem:v49+s10+$0x0], $0xffff  }
0x2fc: {  	v19 =	vld [tilespmem:$0x1FB00]  }
0x2fd: {  	v31 =	vld.idx.msk [tilespmem:v31+s10+$0x0], $0xffff  }
0x2fe: {  	v43 =	vsel vm0, v27, v20  }
0x2ff: {  	v44 =	vcombine.low v44, v43  }
0x300: {  	v29 =	vmul.f32 v29, v16;
	v37 =	vmul.f32 v49, v38  }
0x301: {  	v44 =	vor.u32 v44, v25  }
0x302: {  	v31 =	vmul.f32 v31, v23;
	v29 =	vadd.f32 v37, v29;
	v37 =	vadd.s32 v19, v40  }
0x303: {  	v49 =	vadd.s32 v19, v9  }
0x304: {  	v29 =	vadd.f32 v31, v29  }
0x305: {  	v31 =	vadd.s32 v19, v21  }
0x306: {  	v20 =	vld [tilespmem:$0x1FE00];
	[tilespmem:v44+s12+$0x0] =	vst.idx.msk $0xffff, v29  }
0x307: {  	v29 =	vld.idx.msk [tilespmem:v37+s10+$0x0], $0xffff  }
0x308: {  	v49 =	vld.idx.msk [tilespmem:v49+s10+$0x0], $0xffff  }
0x309: {  	v19 =	vld [tilespmem:$0x1FB10]  }
0x30a: {  	v31 =	vld.idx.msk [tilespmem:v31+s10+$0x0], $0xffff  }
0x30b: {  	v44 =	vsel vm0, v20, v22  }
0x30c: {  	v45 =	vcombine.low v45, v44  }
0x30d: {  	v29 =	vmul.f32 v29, v16;
	v37 =	vmul.f32 v49, v38  }
0x30e: {  	v45 =	vor.u32 v45, v25  }
0x30f: {  	v22 =	vadd.s32 v19, v9;
	v29 =	vadd.f32 v37, v29;
	v31 =	vmul.f32 v31, v23;
	_ =	sdelay $0x1  }
0x310: {  	v29 =	vadd.f32 v31, v29  }
0x311: {  	v37 =	vadd.s32 v19, v40  }
0x312: {  	[tilespmem:v45+s12+$0x0] =	vst.idx.msk $0xffff, v29  }
0x313: {  	v31 =	vadd.s32 v19, v21;
	v49 =	vld.idx.msk [tilespmem:v22+s10+$0x0], $0xffff  }
0x314: {  	v22 =	vld [tilespmem:$0x1FE10];
	_ =	sdelay $0x1  }
0x315: {  	v29 =	vld.idx.msk [tilespmem:v37+s10+$0x0], $0xffff  }
0x316: {  	v19 =	vld [tilespmem:$0x1FB20]  }
0x317: {  	v31 =	vld.idx.msk [tilespmem:v31+s10+$0x0], $0xffff  }
0x318: {  	v45 =	vsel vm0, v22, v24  }
0x319: {  	v46 =	vcombine.low v46, v45  }
0x31a: {  	v29 =	vmul.f32 v29, v16;
	v37 =	vmul.f32 v49, v38  }
0x31b: {  	v46 =	vor.u32 v46, v25  }
0x31c: {  	v24 =	vadd.s32 v19, v9;
	v29 =	vadd.f32 v37, v29;
	v31 =	vmul.f32 v31, v23;
	_ =	sdelay $0x1  }
0x31d: {  	v29 =	vadd.f32 v31, v29  }
0x31e: {  	v37 =	vadd.s32 v19, v40  }
0x31f: {  	[tilespmem:v46+s12+$0x0] =	vst.idx.msk $0xffff, v29  }
0x320: {  	v31 =	vadd.s32 v19, v21;
	v49 =	vld.idx.msk [tilespmem:v24+s10+$0x0], $0xffff  }
0x321: {  	v24 =	vld [tilespmem:$0x1FE20];
	_ =	sdelay $0x1  }
0x322: {  	v29 =	vld.idx.msk [tilespmem:v37+s10+$0x0], $0xffff  }
0x323: {  	v19 =	vld [tilespmem:$0x1FB30]  }
0x324: {  	v31 =	vld.idx.msk [tilespmem:v31+s10+$0x0], $0xffff  }
0x325: {  	v46 =	vsel vm0, v24, v26  }
0x326: {  	v47 =	vcombine.low v47, v46  }
0x327: {  	v29 =	vmul.f32 v29, v16;
	v37 =	vmul.f32 v49, v38  }
0x328: {  	v47 =	vor.u32 v47, v25  }
0x329: {  	v31 =	vmul.f32 v31, v23;
	v29 =	vadd.f32 v37, v29;
	v37 =	vadd.s32 v19, v40  }
0x32a: {  	v26 =	vadd.s32 v19, v9  }
0x32b: {  	v29 =	vadd.f32 v31, v29;
	_ =	sdelay $0x1  }
0x32c: {  	[tilespmem:v47+s12+$0x0] =	vst.idx.msk $0xffff, v29  }
0x32d: {  	v29 =	vld.idx.msk [tilespmem:v37+s10+$0x0], $0xffff  }
0x32e: {  	v31 =	vadd.s32 v19, v21;
	v37 =	vld.idx.msk [tilespmem:v26+s10+$0x0], $0xffff  }
0x32f: {  	v26 =	vld [tilespmem:$0x1FE30];
	_ =	sdelay $0x2  }
0x330: {  	v19 =	vld [tilespmem:$0x1FB40]  }
0x331: {  	v31 =	vld.idx.msk [tilespmem:v31+s10+$0x0], $0xffff  }
0x332: {  	v47 =	vsel vm0, v26, v27  }
0x333: {  	v48 =	vcombine.low v48, v47  }
0x334: {  	v29 =	vmul.f32 v29, v16;
	v37 =	vmul.f32 v37, v38  }
0x335: {  	v48 =	vor.u32 v48, v25  }
0x336: {  	v31 =	vmul.f32 v31, v23;
	v29 =	vadd.f32 v37, v29;
	v37 =	vadd.s32 v19, v40  }
0x337: {  	v49 =	vadd.s32 v19, v9  }
0x338: {  	v29 =	vadd.f32 v31, v29  }
0x339: {  	v31 =	vadd.s32 v19, v21  }
0x33a: {  	v27 =	vld [tilespmem:$0x1FE40];
	[tilespmem:v48+s12+$0x0] =	vst.idx.msk $0xffff, v29  }
0x33b: {  	v29 =	vld.idx.msk [tilespmem:v37+s10+$0x0], $0xffff  }
0x33c: {  	v37 =	vld.idx.msk [tilespmem:v49+s10+$0x0], $0xffff  }
0x33d: {  	v19 =	vld [tilespmem:$0x1FB50]  }
0x33e: {  	v31 =	vld.idx.msk [tilespmem:v31+s10+$0x0], $0xffff  }
0x33f: {  	v48 =	vsel vm0, v27, v20  }
0x340: {  	v39 =	vcombine.low v39, v48  }
0x341: {  	v29 =	vmul.f32 v29, v16;
	v37 =	vmul.f32 v37, v38  }
0x342: {  	v39 =	vor.u32 v39, v25  }
0x343: {  	v31 =	vmul.f32 v31, v23;
	v29 =	vadd.f32 v37, v29;
	v37 =	vadd.s32 v19, v40  }
0x344: {  	v49 =	vadd.s32 v19, v9  }
0x345: {  	v29 =	vadd.f32 v31, v29  }
0x346: {  	v31 =	vadd.s32 v19, v21  }
0x347: {  	v20 =	vld [tilespmem:$0x1FE50];
	[tilespmem:v39+s12+$0x0] =	vst.idx.msk $0xffff, v29  }
0x348: {  	v29 =	vld.idx.msk [tilespmem:v37+s10+$0x0], $0xffff  }
0x349: {  	v49 =	vld.idx.msk [tilespmem:v49+s10+$0x0], $0xffff  }
0x34a: {  	v19 =	vld [tilespmem:$0x1FB60]  }
0x34b: {  	v31 =	vld.idx.msk [tilespmem:v31+s10+$0x0], $0xffff  }
0x34c: {  	v39 =	vsel vm0, v20, v22  }
0x34d: {  	v41 =	vcombine.low v41, v39  }
0x34e: {  	v29 =	vmul.f32 v29, v16;
	v37 =	vmul.f32 v49, v38  }
0x34f: {  	v41 =	vor.u32 v41, v25  }
0x350: {  	v22 =	vadd.s32 v19, v9;
	v29 =	vadd.f32 v37, v29;
	v31 =	vmul.f32 v31, v23;
	_ =	sdelay $0x1  }
0x351: {  	v29 =	vadd.f32 v31, v29  }
0x352: {  	v37 =	vadd.s32 v19, v40  }
0x353: {  	[tilespmem:v41+s12+$0x0] =	vst.idx.msk $0xffff, v29  }
0x354: {  	v31 =	vadd.s32 v19, v21;
	v49 =	vld.idx.msk [tilespmem:v22+s10+$0x0], $0xffff  }
0x355: {  	v22 =	vld [tilespmem:$0x1FE60];
	_ =	sdelay $0x1  }
0x356: {  	v29 =	vld.idx.msk [tilespmem:v37+s10+$0x0], $0xffff  }
0x357: {  	v19 =	vld [tilespmem:$0x1FB70]  }
0x358: {  	v31 =	vld.idx.msk [tilespmem:v31+s10+$0x0], $0xffff  }
0x359: {  	v41 =	vsel vm0, v22, v24  }
0x35a: {  	v42 =	vcombine.low v42, v41  }
0x35b: {  	v29 =	vmul.f32 v29, v16;
	v37 =	vmul.f32 v49, v38  }
0x35c: {  	v42 =	vor.u32 v42, v25  }
0x35d: {  	v24 =	vadd.s32 v19, v9;
	v29 =	vadd.f32 v37, v29;
	v31 =	vmul.f32 v31, v23;
	_ =	sdelay $0x1  }
0x35e: {  	v29 =	vadd.f32 v31, v29  }
0x35f: {  	v37 =	vadd.s32 v19, v40  }
0x360: {  	[tilespmem:v42+s12+$0x0] =	vst.idx.msk $0xffff, v29  }
0x361: {  	v31 =	vadd.s32 v19, v21;
	v49 =	vld.idx.msk [tilespmem:v24+s10+$0x0], $0xffff  }
0x362: {  	v24 =	vld [tilespmem:$0x1FE70];
	_ =	sdelay $0x1  }
0x363: {  	v29 =	vld.idx.msk [tilespmem:v37+s10+$0x0], $0xffff  }
0x364: {  	v19 =	vld [tilespmem:$0x1FB80]  }
0x365: {  	v31 =	vld.idx.msk [tilespmem:v31+s10+$0x0], $0xffff  }
0x366: {  	v42 =	vsel vm0, v24, v26  }
0x367: {  	v43 =	vcombine.low v43, v42  }
0x368: {  	v29 =	vmul.f32 v29, v16;
	v37 =	vmul.f32 v49, v38  }
0x369: {  	v43 =	vor.u32 v43, v25  }
0x36a: {  	v31 =	vmul.f32 v31, v23;
	v26 =	vadd.s32 v19, v9;
	v29 =	vadd.f32 v37, v29;
	_ =	sdelay $0x1  }
0x36b: {  	v29 =	vadd.f32 v31, v29  }
0x36c: {  	v37 =	vadd.s32 v19, v40  }
0x36d: {  	[tilespmem:v43+s12+$0x0] =	vst.idx.msk $0xffff, v29  }
0x36e: {  	v31 =	vadd.s32 v19, v21;
	v49 =	vld.idx.msk [tilespmem:v26+s10+$0x0], $0xffff  }
0x36f: {  	v26 =	vld [tilespmem:$0x1FE80];
	_ =	sdelay $0x1  }
0x370: {  	v29 =	vld.idx.msk [tilespmem:v37+s10+$0x0], $0xffff  }
0x371: {  	v19 =	vld [tilespmem:$0x1FB90]  }
0x372: {  	v31 =	vld.idx.msk [tilespmem:v31+s10+$0x0], $0xffff  }
0x373: {  	v43 =	vsel vm0, v26, v27  }
0x374: {  	v44 =	vcombine.low v44, v43  }
0x375: {  	v29 =	vmul.f32 v29, v16;
	v37 =	vmul.f32 v49, v38  }
0x376: {  	v44 =	vor.u32 v44, v25  }
0x377: {  	v31 =	vmul.f32 v31, v23;
	v29 =	vadd.f32 v37, v29;
	v37 =	vadd.s32 v19, v40  }
0x378: {  	v49 =	vadd.s32 v19, v9  }
0x379: {  	v29 =	vadd.f32 v31, v29  }
0x37a: {  	v31 =	vadd.s32 v19, v21  }
0x37b: {  	v27 =	vld [tilespmem:$0x1FE90];
	[tilespmem:v44+s12+$0x0] =	vst.idx.msk $0xffff, v29  }
0x37c: {  	v29 =	vld.idx.msk [tilespmem:v37+s10+$0x0], $0xffff  }
0x37d: {  	v49 =	vld.idx.msk [tilespmem:v49+s10+$0x0], $0xffff  }
0x37e: {  	v19 =	vld [tilespmem:$0x1FBA0]  }
0x37f: {  	v31 =	vld.idx.msk [tilespmem:v31+s10+$0x0], $0xffff  }
0x380: {  	v44 =	vsel vm0, v27, v20  }
0x381: {  	v45 =	vcombine.low v45, v44  }
0x382: {  	v29 =	vmul.f32 v29, v16;
	v37 =	vmul.f32 v49, v38  }
0x383: {  	v45 =	vor.u32 v45, v25  }
0x384: {  	v31 =	vmul.f32 v31, v23;
	v29 =	vadd.f32 v37, v29;
	v37 =	vadd.s32 v19, v40  }
0x385: {  	v49 =	vadd.s32 v19, v9  }
0x386: {  	v29 =	vadd.f32 v31, v29  }
0x387: {  	v31 =	vadd.s32 v19, v21  }
0x388: {  	v20 =	vld [tilespmem:$0x1FEA0];
	[tilespmem:v45+s12+$0x0] =	vst.idx.msk $0xffff, v29  }
0x389: {  	v29 =	vld.idx.msk [tilespmem:v37+s10+$0x0], $0xffff  }
0x38a: {  	v49 =	vld.idx.msk [tilespmem:v49+s10+$0x0], $0xffff  }
0x38b: {  	v19 =	vld [tilespmem:$0x1FBB0]  }
0x38c: {  	v31 =	vld.idx.msk [tilespmem:v31+s10+$0x0], $0xffff  }
0x38d: {  	v45 =	vsel vm0, v20, v22  }
0x38e: {  	v46 =	vcombine.low v46, v45  }
0x38f: {  	v29 =	vmul.f32 v29, v16;
	v37 =	vmul.f32 v49, v38  }
0x390: {  	v46 =	vor.u32 v46, v25  }
0x391: {  	v22 =	vadd.s32 v19, v9;
	v29 =	vadd.f32 v37, v29;
	v31 =	vmul.f32 v31, v23;
	_ =	sdelay $0x1  }
0x392: {  	v29 =	vadd.f32 v31, v29  }
0x393: {  	v37 =	vadd.s32 v19, v40  }
0x394: {  	[tilespmem:v46+s12+$0x0] =	vst.idx.msk $0xffff, v29  }
0x395: {  	v31 =	vadd.s32 v19, v21;
	v49 =	vld.idx.msk [tilespmem:v22+s10+$0x0], $0xffff  }
0x396: {  	v22 =	vld [tilespmem:$0x1FEB0];
	_ =	sdelay $0x1  }
0x397: {  	v29 =	vld.idx.msk [tilespmem:v37+s10+$0x0], $0xffff  }
0x398: {  	v19 =	vld [tilespmem:$0x1FBC0]  }
0x399: {  	v31 =	vld.idx.msk [tilespmem:v31+s10+$0x0], $0xffff  }
0x39a: {  	v46 =	vsel vm0, v22, v24  }
0x39b: {  	v47 =	vcombine.low v47, v46  }
0x39c: {  	v29 =	vmul.f32 v29, v16;
	v37 =	vmul.f32 v49, v38  }
0x39d: {  	v47 =	vor.u32 v47, v25  }
0x39e: {  	v29 =	vadd.f32 v37, v29;
	v31 =	vmul.f32 v31, v23;
	v37 =	vadd.s32 v19, v40  }
0x39f: {  	v24 =	vadd.s32 v19, v9  }
0x3a0: {  	v29 =	vadd.f32 v31, v29;
	_ =	sdelay $0x1  }
0x3a1: {  	[tilespmem:v47+s12+$0x0] =	vst.idx.msk $0xffff, v29  }
0x3a2: {  	v29 =	vld.idx.msk [tilespmem:v37+s10+$0x0], $0xffff  }
0x3a3: {  	v31 =	vadd.s32 v19, v21;
	v37 =	vld.idx.msk [tilespmem:v24+s10+$0x0], $0xffff  }
0x3a4: {  	v24 =	vld [tilespmem:$0x1FEC0];
	_ =	sdelay $0x2  }
0x3a5: {  	v19 =	vld [tilespmem:$0x1FBD0]  }
0x3a6: {  	v31 =	vld.idx.msk [tilespmem:v31+s10+$0x0], $0xffff  }
0x3a7: {  	v47 =	vsel vm0, v24, v26  }
0x3a8: {  	v48 =	vcombine.low v48, v47  }
0x3a9: {  	v29 =	vmul.f32 v29, v16;
	v37 =	vmul.f32 v37, v38  }
0x3aa: {  	v48 =	vor.u32 v48, v25  }
0x3ab: {  	v31 =	vmul.f32 v31, v23;
	v29 =	vadd.f32 v37, v29;
	v37 =	vadd.s32 v19, v40  }
0x3ac: {  	v26 =	vadd.s32 v19, v9  }
0x3ad: {  	v29 =	vadd.f32 v31, v29;
	_ =	sdelay $0x1  }
0x3ae: {  	[tilespmem:v48+s12+$0x0] =	vst.idx.msk $0xffff, v29  }
0x3af: {  	v29 =	vld.idx.msk [tilespmem:v37+s10+$0x0], $0xffff  }
0x3b0: {  	v31 =	vadd.s32 v19, v21;
	v37 =	vld.idx.msk [tilespmem:v26+s10+$0x0], $0xffff  }
0x3b1: {  	v26 =	vld [tilespmem:$0x1FED0];
	_ =	sdelay $0x2  }
0x3b2: {  	v19 =	vld [tilespmem:$0x1FBE0]  }
0x3b3: {  	v31 =	vld.idx.msk [tilespmem:v31+s10+$0x0], $0xffff  }
0x3b4: {  	v48 =	vsel vm0, v26, v27  }
0x3b5: {  	v39 =	vcombine.low v39, v48  }
0x3b6: {  	v29 =	vmul.f32 v29, v16;
	v37 =	vmul.f32 v37, v38  }
0x3b7: {  	v39 =	vor.u32 v39, v25  }
0x3b8: {  	v31 =	vmul.f32 v31, v23;
	v29 =	vadd.f32 v37, v29;
	v37 =	vadd.s32 v19, v40  }
0x3b9: {  	v49 =	vadd.s32 v19, v9  }
0x3ba: {  	v29 =	vadd.f32 v31, v29  }
0x3bb: {  	v31 =	vadd.s32 v19, v21  }
0x3bc: {  	v27 =	vld [tilespmem:$0x1FEE0];
	[tilespmem:v39+s12+$0x0] =	vst.idx.msk $0xffff, v29  }
0x3bd: {  	v29 =	vld.idx.msk [tilespmem:v37+s10+$0x0], $0xffff  }
0x3be: {  	v49 =	vld.idx.msk [tilespmem:v49+s10+$0x0], $0xffff  }
0x3bf: {  	v19 =	vld [tilespmem:$0x1FBF0]  }
0x3c0: {  	v31 =	vld.idx.msk [tilespmem:v31+s10+$0x0], $0xffff  }
0x3c1: {  	v39 =	vsel vm0, v27, v20  }
0x3c2: {  	v41 =	vcombine.low v41, v39  }
0x3c3: {  	v29 =	vmul.f32 v29, v16;
	v37 =	vmul.f32 v49, v38  }
0x3c4: {  	v41 =	vor.u32 v41, v25  }
0x3c5: {  	v31 =	vmul.f32 v31, v23;
	v29 =	vadd.f32 v37, v29;
	v37 =	vadd.s32 v19, v40  }
0x3c6: {  	v49 =	vadd.s32 v19, v9  }
0x3c7: {  	v29 =	vadd.f32 v31, v29  }
0x3c8: {  	v31 =	vadd.s32 v19, v21  }
0x3c9: {  	v20 =	vld [tilespmem:$0x1FEF0];
	[tilespmem:v41+s12+$0x0] =	vst.idx.msk $0xffff, v29  }
0x3ca: {  	v29 =	vld.idx.msk [tilespmem:v37+s10+$0x0], $0xffff  }
0x3cb: {  	v49 =	vld.idx.msk [tilespmem:v49+s10+$0x0], $0xffff  }
0x3cc: {  	v19 =	vld [tilespmem:$0x1FC00]  }
0x3cd: {  	v31 =	vld.idx.msk [tilespmem:v31+s10+$0x0], $0xffff  }
0x3ce: {  	v41 =	vsel vm0, v20, v22  }
0x3cf: {  	v42 =	vcombine.low v42, v41  }
0x3d0: {  	v29 =	vmul.f32 v29, v16;
	v37 =	vmul.f32 v49, v38  }
0x3d1: {  	v42 =	vor.u32 v42, v25  }
0x3d2: {  	v22 =	vadd.s32 v19, v9;
	v29 =	vadd.f32 v37, v29;
	v31 =	vmul.f32 v31, v23;
	_ =	sdelay $0x1  }
0x3d3: {  	v29 =	vadd.f32 v31, v29  }
0x3d4: {  	v37 =	vadd.s32 v19, v40  }
0x3d5: {  	[tilespmem:v42+s12+$0x0] =	vst.idx.msk $0xffff, v29  }
0x3d6: {  	v31 =	vadd.s32 v19, v21;
	v49 =	vld.idx.msk [tilespmem:v22+s10+$0x0], $0xffff  }
0x3d7: {  	v22 =	vld [tilespmem:$0x1FF00];
	_ =	sdelay $0x1  }
0x3d8: {  	v29 =	vld.idx.msk [tilespmem:v37+s10+$0x0], $0xffff  }
0x3d9: {  	v19 =	vld [tilespmem:$0x1FC10]  }
0x3da: {  	v31 =	vld.idx.msk [tilespmem:v31+s10+$0x0], $0xffff  }
0x3db: {  	v42 =	vsel vm0, v22, v24  }
0x3dc: {  	v43 =	vcombine.low v43, v42  }
0x3dd: {  	v29 =	vmul.f32 v29, v16;
	v37 =	vmul.f32 v49, v38  }
0x3de: {  	v43 =	vor.u32 v43, v25  }
0x3df: {  	v24 =	vadd.s32 v19, v9;
	v29 =	vadd.f32 v37, v29;
	v31 =	vmul.f32 v31, v23;
	_ =	sdelay $0x1  }
0x3e0: {  	v29 =	vadd.f32 v31, v29  }
0x3e1: {  	v37 =	vadd.s32 v19, v40  }
0x3e2: {  	[tilespmem:v43+s12+$0x0] =	vst.idx.msk $0xffff, v29  }
0x3e3: {  	v31 =	vadd.s32 v19, v21;
	v49 =	vld.idx.msk [tilespmem:v24+s10+$0x0], $0xffff  }
0x3e4: {  	v24 =	vld [tilespmem:$0x1FF10];
	_ =	sdelay $0x1  }
0x3e5: {  	v29 =	vld.idx.msk [tilespmem:v37+s10+$0x0], $0xffff  }
0x3e6: {  	v19 =	vld [tilespmem:$0x1FC20]  }
0x3e7: {  	v31 =	vld.idx.msk [tilespmem:v31+s10+$0x0], $0xffff  }
0x3e8: {  	v43 =	vsel vm0, v24, v26  }
0x3e9: {  	v44 =	vcombine.low v44, v43  }
0x3ea: {  	v29 =	vmul.f32 v29, v16;
	v37 =	vmul.f32 v49, v38  }
0x3eb: {  	v44 =	vor.u32 v44, v25  }
0x3ec: {  	v31 =	vmul.f32 v31, v23;
	v26 =	vadd.s32 v19, v9;
	v29 =	vadd.f32 v37, v29;
	_ =	sdelay $0x1  }
0x3ed: {  	v29 =	vadd.f32 v31, v29  }
0x3ee: {  	v37 =	vadd.s32 v19, v40  }
0x3ef: {  	[tilespmem:v44+s12+$0x0] =	vst.idx.msk $0xffff, v29  }
0x3f0: {  	v31 =	vadd.s32 v19, v21;
	v49 =	vld.idx.msk [tilespmem:v26+s10+$0x0], $0xffff  }
0x3f1: {  	v26 =	vld [tilespmem:$0x1FF20];
	_ =	sdelay $0x1  }
0x3f2: {  	v29 =	vld.idx.msk [tilespmem:v37+s10+$0x0], $0xffff  }
0x3f3: {  	v19 =	vld [tilespmem:$0x1FC30]  }
0x3f4: {  	v31 =	vld.idx.msk [tilespmem:v31+s10+$0x0], $0xffff  }
0x3f5: {  	v44 =	vsel vm0, v26, v27  }
0x3f6: {  	v45 =	vcombine.low v45, v44  }
0x3f7: {  	v29 =	vmul.f32 v29, v16;
	v37 =	vmul.f32 v49, v38  }
0x3f8: {  	v45 =	vor.u32 v45, v25  }
0x3f9: {  	v31 =	vmul.f32 v31, v23;
	v29 =	vadd.f32 v37, v29;
	v37 =	vadd.s32 v19, v40  }
0x3fa: {  	v49 =	vadd.s32 v19, v9  }
0x3fb: {  	v29 =	vadd.f32 v31, v29  }
0x3fc: {  	v31 =	vadd.s32 v19, v21  }
0x3fd: {  	v27 =	vld [tilespmem:$0x1FF30];
	[tilespmem:v45+s12+$0x0] =	vst.idx.msk $0xffff, v29  }
0x3fe: {  	v29 =	vld.idx.msk [tilespmem:v37+s10+$0x0], $0xffff  }
0x3ff: {  	v49 =	vld.idx.msk [tilespmem:v49+s10+$0x0], $0xffff  }
0x400: {  	v19 =	vld [tilespmem:$0x1FC40]  }
0x401: {  	v31 =	vld.idx.msk [tilespmem:v31+s10+$0x0], $0xffff  }
0x402: {  	v45 =	vsel vm0, v27, v20  }
0x403: {  	v46 =	vcombine.low v46, v45  }
0x404: {  	v29 =	vmul.f32 v29, v16;
	v37 =	vmul.f32 v49, v38  }
0x405: {  	v46 =	vor.u32 v46, v25  }
0x406: {  	v31 =	vmul.f32 v31, v23;
	v29 =	vadd.f32 v37, v29;
	v37 =	vadd.s32 v19, v40  }
0x407: {  	v49 =	vadd.s32 v19, v9  }
0x408: {  	v29 =	vadd.f32 v31, v29  }
0x409: {  	v31 =	vadd.s32 v19, v21  }
0x40a: {  	v20 =	vld [tilespmem:$0x1FF40];
	[tilespmem:v46+s12+$0x0] =	vst.idx.msk $0xffff, v29  }
0x40b: {  	v29 =	vld.idx.msk [tilespmem:v37+s10+$0x0], $0xffff  }
0x40c: {  	v49 =	vld.idx.msk [tilespmem:v49+s10+$0x0], $0xffff  }
0x40d: {  	v19 =	vld [tilespmem:$0x1FC50]  }
0x40e: {  	v31 =	vld.idx.msk [tilespmem:v31+s10+$0x0], $0xffff  }
0x40f: {  	v46 =	vsel vm0, v20, v22  }
0x410: {  	v47 =	vcombine.low v47, v46  }
0x411: {  	v29 =	vmul.f32 v29, v16;
	v37 =	vmul.f32 v49, v38  }
0x412: {  	v47 =	vor.u32 v47, v25  }
0x413: {  	v29 =	vadd.f32 v37, v29;
	v31 =	vmul.f32 v31, v23;
	v37 =	vadd.s32 v19, v40  }
0x414: {  	v22 =	vadd.s32 v19, v9  }
0x415: {  	v29 =	vadd.f32 v31, v29;
	_ =	sdelay $0x1  }
0x416: {  	[tilespmem:v47+s12+$0x0] =	vst.idx.msk $0xffff, v29  }
0x417: {  	v29 =	vld.idx.msk [tilespmem:v37+s10+$0x0], $0xffff  }
0x418: {  	v31 =	vadd.s32 v19, v21;
	v37 =	vld.idx.msk [tilespmem:v22+s10+$0x0], $0xffff  }
0x419: {  	v22 =	vld [tilespmem:$0x1FF50];
	_ =	sdelay $0x2  }
0x41a: {  	v19 =	vld [tilespmem:$0x1FC60]  }
0x41b: {  	v31 =	vld.idx.msk [tilespmem:v31+s10+$0x0], $0xffff  }
0x41c: {  	v47 =	vsel vm0, v22, v24  }
0x41d: {  	v48 =	vcombine.low v48, v47  }
0x41e: {  	v29 =	vmul.f32 v29, v16;
	v37 =	vmul.f32 v37, v38  }
0x41f: {  	v48 =	vor.u32 v48, v25  }
0x420: {  	v29 =	vadd.f32 v37, v29;
	v31 =	vmul.f32 v31, v23;
	v37 =	vadd.s32 v19, v40  }
0x421: {  	v24 =	vadd.s32 v19, v9  }
0x422: {  	v29 =	vadd.f32 v31, v29;
	_ =	sdelay $0x1  }
0x423: {  	[tilespmem:v48+s12+$0x0] =	vst.idx.msk $0xffff, v29  }
0x424: {  	v29 =	vld.idx.msk [tilespmem:v37+s10+$0x0], $0xffff  }
0x425: {  	v31 =	vadd.s32 v19, v21;
	v37 =	vld.idx.msk [tilespmem:v24+s10+$0x0], $0xffff  }
0x426: {  	v24 =	vld [tilespmem:$0x1FF60];
	_ =	sdelay $0x2  }
0x427: {  	v19 =	vld [tilespmem:$0x1FC70]  }
0x428: {  	v31 =	vld.idx.msk [tilespmem:v31+s10+$0x0], $0xffff  }
0x429: {  	v48 =	vsel vm0, v24, v26  }
0x42a: {  	v39 =	vcombine.low v39, v48  }
0x42b: {  	v29 =	vmul.f32 v29, v16;
	v37 =	vmul.f32 v37, v38  }
0x42c: {  	v39 =	vor.u32 v39, v25  }
0x42d: {  	v31 =	vmul.f32 v31, v23;
	v26 =	vadd.s32 v19, v9;
	v29 =	vadd.f32 v37, v29;
	_ =	sdelay $0x1  }
0x42e: {  	v29 =	vadd.f32 v31, v29  }
0x42f: {  	v37 =	vadd.s32 v19, v40  }
0x430: {  	[tilespmem:v39+s12+$0x0] =	vst.idx.msk $0xffff, v29  }
0x431: {  	v31 =	vadd.s32 v19, v21;
	v49 =	vld.idx.msk [tilespmem:v26+s10+$0x0], $0xffff  }
0x432: {  	v26 =	vld [tilespmem:$0x1FF70];
	_ =	sdelay $0x1  }
0x433: {  	v29 =	vld.idx.msk [tilespmem:v37+s10+$0x0], $0xffff  }
0x434: {  	v19 =	vld [tilespmem:$0x1FC80]  }
0x435: {  	v31 =	vld.idx.msk [tilespmem:v31+s10+$0x0], $0xffff  }
0x436: {  	v39 =	vsel vm0, v26, v27  }
0x437: {  	v41 =	vcombine.low v41, v39  }
0x438: {  	v29 =	vmul.f32 v29, v16;
	v37 =	vmul.f32 v49, v38  }
0x439: {  	v41 =	vor.u32 v41, v25  }
0x43a: {  	v31 =	vmul.f32 v31, v23;
	v29 =	vadd.f32 v37, v29;
	v37 =	vadd.s32 v19, v40  }
0x43b: {  	v49 =	vadd.s32 v19, v9  }
0x43c: {  	v29 =	vadd.f32 v31, v29  }
0x43d: {  	v31 =	vadd.s32 v19, v21  }
0x43e: {  	v27 =	vld [tilespmem:$0x1FF80];
	[tilespmem:v41+s12+$0x0] =	vst.idx.msk $0xffff, v29  }
0x43f: {  	v29 =	vld.idx.msk [tilespmem:v37+s10+$0x0], $0xffff  }
0x440: {  	v49 =	vld.idx.msk [tilespmem:v49+s10+$0x0], $0xffff  }
0x441: {  	v19 =	vld [tilespmem:$0x1FCA0]  }
0x442: {  	v31 =	vld.idx.msk [tilespmem:v31+s10+$0x0], $0xffff  }
0x443: {  	v41 =	vsel vm0, v27, v20  }
0x444: {  	v42 =	vcombine.low v42, v41  }
0x445: {  	v29 =	vmul.f32 v29, v16;
	v37 =	vmul.f32 v49, v38  }
0x446: {  	v42 =	vor.u32 v42, v25  }
0x447: {  	v31 =	vmul.f32 v31, v23;
	v29 =	vadd.f32 v37, v29;
	v37 =	vadd.s32 v19, v40  }
0x448: {  	v49 =	vadd.s32 v19, v9  }
0x449: {  	v29 =	vadd.f32 v31, v29  }
0x44a: {  	v31 =	vadd.s32 v19, v21  }
0x44b: {  	v20 =	vld [tilespmem:$0x1FF90];
	[tilespmem:v42+s12+$0x0] =	vst.idx.msk $0xffff, v29  }
0x44c: {  	v29 =	vld.idx.msk [tilespmem:v37+s10+$0x0], $0xffff  }
0x44d: {  	v49 =	vld.idx.msk [tilespmem:v49+s10+$0x0], $0xffff  }
0x44e: {  	v19 =	vld [tilespmem:$0x1FCC0]  }
0x44f: {  	v31 =	vld.idx.msk [tilespmem:v31+s10+$0x0], $0xffff  }
0x450: {  	v42 =	vsel vm0, v20, v22  }
0x451: {  	v43 =	vcombine.low v43, v42  }
0x452: {  	v29 =	vmul.f32 v29, v16;
	v37 =	vmul.f32 v49, v38  }
0x453: {  	v43 =	vor.u32 v43, v25  }
0x454: {  	v22 =	vadd.s32 v19, v9;
	v29 =	vadd.f32 v37, v29;
	v31 =	vmul.f32 v31, v23;
	_ =	sdelay $0x1  }
0x455: {  	v29 =	vadd.f32 v31, v29  }
0x456: {  	v37 =	vadd.s32 v19, v40  }
0x457: {  	[tilespmem:v43+s12+$0x0] =	vst.idx.msk $0xffff, v29  }
0x458: {  	v31 =	vadd.s32 v19, v21;
	v49 =	vld.idx.msk [tilespmem:v22+s10+$0x0], $0xffff  }
0x459: {  	v22 =	vld [tilespmem:$0x1FFA0];
	_ =	sdelay $0x1  }
0x45a: {  	v29 =	vld.idx.msk [tilespmem:v37+s10+$0x0], $0xffff  }
0x45b: {  	v19 =	vld [tilespmem:$0x1FCE0]  }
0x45c: {  	v31 =	vld.idx.msk [tilespmem:v31+s10+$0x0], $0xffff  }
0x45d: {  	v43 =	vsel vm0, v22, v24  }
0x45e: {  	v44 =	vcombine.low v44, v43  }
0x45f: {  	v29 =	vmul.f32 v29, v16;
	v37 =	vmul.f32 v49, v38  }
0x460: {  	v44 =	vor.u32 v44, v25  }
0x461: {  	v24 =	vadd.s32 v19, v9;
	v29 =	vadd.f32 v37, v29;
	v31 =	vmul.f32 v31, v23;
	_ =	sdelay $0x1  }
0x462: {  	v29 =	vadd.f32 v31, v29  }
0x463: {  	v37 =	vadd.s32 v19, v40  }
0x464: {  	[tilespmem:v44+s12+$0x0] =	vst.idx.msk $0xffff, v29  }
0x465: {  	v31 =	vadd.s32 v19, v21;
	v49 =	vld.idx.msk [tilespmem:v24+s10+$0x0], $0xffff  }
0x466: {  	v24 =	vld [tilespmem:$0x1FFB0];
	_ =	sdelay $0x1  }
0x467: {  	v29 =	vld.idx.msk [tilespmem:v37+s10+$0x0], $0xffff  }
0x468: {  	v19 =	vld [tilespmem:$0x1FD00]  }
0x469: {  	v31 =	vld.idx.msk [tilespmem:v31+s10+$0x0], $0xffff  }
0x46a: {  	v44 =	vsel vm0, v24, v26  }
0x46b: {  	v45 =	vcombine.low v45, v44  }
0x46c: {  	v29 =	vmul.f32 v29, v16;
	v37 =	vmul.f32 v49, v38  }
0x46d: {  	v45 =	vor.u32 v45, v25  }
0x46e: {  	v31 =	vmul.f32 v31, v23;
	v26 =	vadd.s32 v19, v9;
	v29 =	vadd.f32 v37, v29;
	_ =	sdelay $0x1  }
0x46f: {  	v29 =	vadd.f32 v31, v29  }
0x470: {  	v37 =	vadd.s32 v19, v40  }
0x471: {  	[tilespmem:v45+s12+$0x0] =	vst.idx.msk $0xffff, v29  }
0x472: {  	v31 =	vadd.s32 v19, v21;
	v49 =	vld.idx.msk [tilespmem:v26+s10+$0x0], $0xffff  }
0x473: {  	v26 =	vld [tilespmem:$0x1FFC0];
	_ =	sdelay $0x1  }
0x474: {  	v29 =	vld.idx.msk [tilespmem:v37+s10+$0x0], $0xffff  }
0x475: {  	v19 =	vld [tilespmem:$0x1FD10]  }
0x476: {  	v31 =	vld.idx.msk [tilespmem:v31+s10+$0x0], $0xffff  }
0x477: {  	v45 =	vsel vm0, v26, v27  }
0x478: {  	v46 =	vcombine.low v46, v45  }
0x479: {  	v29 =	vmul.f32 v29, v16;
	v37 =	vmul.f32 v49, v38  }
0x47a: {  	v46 =	vor.u32 v46, v25  }
0x47b: {  	v31 =	vmul.f32 v31, v23;
	v29 =	vadd.f32 v37, v29;
	v37 =	vadd.s32 v19, v40  }
0x47c: {  	v49 =	vadd.s32 v19, v9  }
0x47d: {  	v29 =	vadd.f32 v31, v29;
	_ =	sdelay $0x1  }
0x47e: {  	[tilespmem:v46+s12+$0x0] =	vst.idx.msk $0xffff, v29  }
0x47f: {  	v29 =	vld.idx.msk [tilespmem:v37+s10+$0x0], $0xffff  }
0x480: {  	v31 =	vadd.s32 v19, v21;
	v37 =	vld.idx.msk [tilespmem:v49+s10+$0x0], $0xffff  }
0x481: {  	v49 =	vld [tilespmem:$0x1F810];
	_ =	sdelay $0x3  }
0x482: {  	v31 =	vld.idx.msk [tilespmem:v31+s10+$0x0], $0xffff  }
0x483: {  	v46 =	vsel vm0, v49, v20  }
0x484: {  	v47 =	vcombine.low v47, v46  }
0x485: {  	v29 =	vmul.f32 v29, v16;
	v37 =	vmul.f32 v37, v38  }
0x486: {  	v47 =	vor.u32 v47, v25  }
0x487: {  	v31 =	vmul.f32 v31, v23;
	v29 =	vadd.f32 v37, v29;
	v37 =	vadd.s32 v28, v40  }
0x488: {  	v49 =	vadd.s32 v28, v9  }
0x489: {  	v29 =	vadd.f32 v31, v29;
	_ =	sdelay $0x1  }
0x48a: {  	[tilespmem:v47+s12+$0x0] =	vst.idx.msk $0xffff, v29  }
0x48b: {  	v29 =	vld.idx.msk [tilespmem:v37+s10+$0x0], $0xffff  }
0x48c: {  	v31 =	vadd.s32 v28, v21;
	v37 =	vld.idx.msk [tilespmem:v49+s10+$0x0], $0xffff  }
0x48d: {  	v49 =	vld [tilespmem:$0x1F830];
	_ =	sdelay $0x3  }
0x48e: {  	v31 =	vld.idx.msk [tilespmem:v31+s10+$0x0], $0xffff  }
0x48f: {  	v47 =	vsel vm0, v49, v22  }
0x490: {  	v48 =	vcombine.low v48, v47  }
0x491: {  	v29 =	vmul.f32 v29, v16;
	v37 =	vmul.f32 v37, v38  }
0x492: {  	v48 =	vor.u32 v48, v25  }
0x493: {  	v31 =	vmul.f32 v31, v23;
	v29 =	vadd.f32 v37, v29;
	v37 =	vadd.s32 v30, v40  }
0x494: {  	v22 =	vadd.s32 v30, v9  }
0x495: {  	v29 =	vadd.f32 v31, v29;
	_ =	sdelay $0x1  }
0x496: {  	[tilespmem:v48+s12+$0x0] =	vst.idx.msk $0xffff, v29  }
0x497: {  	v29 =	vld.idx.msk [tilespmem:v37+s10+$0x0], $0xffff  }
0x498: {  	v31 =	vadd.s32 v30, v21;
	v37 =	vld.idx.msk [tilespmem:v22+s10+$0x0], $0xffff  }
0x499: {  	v22 =	vld [tilespmem:$0x1F850];
	_ =	sdelay $0x3  }
0x49a: {  	v31 =	vld.idx.msk [tilespmem:v31+s10+$0x0], $0xffff  }
0x49b: {  	v48 =	vsel vm0, v22, v24  }
0x49c: {  	v39 =	vcombine.low v39, v48  }
0x49d: {  	v29 =	vmul.f32 v29, v16;
	v37 =	vmul.f32 v37, v38  }
0x49e: {  	v39 =	vor.u32 v39, v25  }
0x49f: {  	v31 =	vmul.f32 v31, v23;
	v22 =	vadd.s32 v32, v40;
	v29 =	vadd.f32 v37, v29  }
0x4a0: {  	v24 =	vadd.s32 v32, v9  }
0x4a1: {  	v29 =	vadd.f32 v31, v29;
	_ =	sdelay $0x1  }
0x4a2: {  	[tilespmem:v39+s12+$0x0] =	vst.idx.msk $0xffff, v29  }
0x4a3: {  	v29 =	vld.idx.msk [tilespmem:v22+s10+$0x0], $0xffff  }
0x4a4: {  	v31 =	vadd.s32 v32, v21;
	v22 =	vld.idx.msk [tilespmem:v24+s10+$0x0], $0xffff  }
0x4a5: {  	v24 =	vld [tilespmem:$0x1F880];
	_ =	sdelay $0x3  }
0x4a6: {  	v31 =	vld.idx.msk [tilespmem:v31+s10+$0x0], $0xffff  }
0x4a7: {  	v39 =	vsel vm0, v24, v26  }
0x4a8: {  	v41 =	vcombine.low v41, v39  }
0x4a9: {  	v29 =	vmul.f32 v29, v16;
	v37 =	vmul.f32 v22, v38  }
0x4aa: {  	v41 =	vor.u32 v41, v25  }
0x4ab: {  	v31 =	vmul.f32 v31, v23;
	v26 =	vadd.s32 v33, v40;
	v29 =	vadd.f32 v37, v29;
	_ =	sdelay $0x1  }
0x4ac: {  	v22 =	vadd.s32 v33, v9;
	v29 =	vadd.f32 v31, v29;
	_ =	sdelay $0x1  }
0x4ad: {  	v31 =	vadd.s32 v33, v21;
	[tilespmem:v41+s12+$0x0] =	vst.idx.msk $0xffff, v29  }
0x4ae: {  	v29 =	vld.idx.msk [tilespmem:v26+s10+$0x0], $0xffff  }
0x4af: {  	v26 =	vld [tilespmem:$0x1F960]  }
0x4b0: {  	v24 =	vld.idx.msk [tilespmem:v22+s10+$0x0], $0xffff;
	_ =	sdelay $0x1  }
0x4b1: {  	v31 =	vld.idx.msk [tilespmem:v31+s10+$0x0], $0xffff;
	_ =	sdelay $0x1  }
0x4b2: {  	v49 =	vmovc v58;
	v58 =	vmovc v12;
	v12 =	vmov v34;
	v34 =	vmov v35;
	v41 =	vcombine.low v42, v26  }
0x4b3: {  	v35 =	vmovc v36;
	v36 =	vmovc v1;
	v1 =	vmov v5;
	v29 =	vmul.f32 v29, v16;
	v37 =	vmul.f32 v24, v38  }
0x4b4: {  	v5 =	vmovc v14;
	v14 =	vmovc v11;
	v11 =	vmov v13;
	v13 =	vmov v17;
	v41 =	vor.u32 v41, v25  }
0x4b5: {  	v17 =	vmovc v51;
	v51 =	vadd.s32 v12, v40;
	v31 =	vmul.f32 v31, v23;
	v29 =	vadd.f32 v37, v29  }
0x4b6: {  	v22 =	vadd.s32 v12, v9  }
0x4b7: {  	v29 =	vadd.f32 v31, v29  }
0x4b8: {  	v31 =	vadd.s32 v12, v21  }
0x4b9: {  	[tilespmem:v41+s12+$0x0] =	vst.idx.msk $0xffff, v29  }
0x4ba: {  	v29 =	vld.idx.msk [tilespmem:v51+s10+$0x0], $0xffff  }
0x4bb: {  	v24 =	vld.idx.msk [tilespmem:v22+s10+$0x0], $0xffff;
	_ =	sdelay $0x1  }
0x4bc: {  	v31 =	vld.idx.msk [tilespmem:v31+s10+$0x0], $0xffff;
	_ =	sdelay $0x1  }
0x4bd: {  	v26 =	vcombine.low v43, v53  }
0x4be: {  	v29 =	vmul.f32 v29, v16;
	v37 =	vmul.f32 v24, v38  }
0x4bf: {  	v41 =	vor.u32 v26, v25  }
0x4c0: {  	v51 =	vadd.s32 v34, v40;
	v31 =	vmul.f32 v31, v23;
	v29 =	vadd.f32 v37, v29  }
0x4c1: {  	v43 =	vmov v53;
	v53 =	vadd.s32 v34, v9  }
0x4c2: {  	v29 =	vadd.f32 v31, v29  }
0x4c3: {  	v31 =	vadd.s32 v34, v21  }
0x4c4: {  	[tilespmem:v41+s12+$0x0] =	vst.idx.msk $0xffff, v29  }
0x4c5: {  	v29 =	vld.idx.msk [tilespmem:v51+s10+$0x0], $0xffff  }
0x4c6: {  	v22 =	vld.idx.msk [tilespmem:v53+s10+$0x0], $0xffff;
	_ =	sdelay $0x1  }
0x4c7: {  	v31 =	vld.idx.msk [tilespmem:v31+s10+$0x0], $0xffff;
	_ =	sdelay $0x1  }
0x4c8: {  	v24 =	vcombine.low v44, v49  }
0x4c9: {  	v29 =	vmul.f32 v29, v16;
	v37 =	vmul.f32 v22, v38  }
0x4ca: {  	v41 =	vor.u32 v24, v25  }
0x4cb: {  	v51 =	vadd.s32 v35, v40;
	v29 =	vadd.f32 v37, v29;
	v31 =	vmul.f32 v31, v23  }
0x4cc: {  	v53 =	vadd.s32 v35, v9  }
0x4cd: {  	v29 =	vadd.f32 v31, v29  }
0x4ce: {  	v31 =	vadd.s32 v35, v21  }
0x4cf: {  	v26 =	vld [tilespmem:$0x1FA70];
	[tilespmem:v41+s12+$0x0] =	vst.idx.msk $0xffff, v29  }
0x4d0: {  	v29 =	vld.idx.msk [tilespmem:v51+s10+$0x0], $0xffff  }
0x4d1: {  	v22 =	vld.idx.msk [tilespmem:v53+s10+$0x0], $0xffff;
	_ =	sdelay $0x1  }
0x4d2: {  	v31 =	vld.idx.msk [tilespmem:v31+s10+$0x0], $0xffff;
	_ =	sdelay $0x1  }
0x4d3: {  	v24 =	vcombine.low v45, v26  }
0x4d4: {  	v29 =	vmul.f32 v29, v16;
	v37 =	vmul.f32 v22, v38  }
0x4d5: {  	v41 =	vor.u32 v24, v25  }
0x4d6: {  	v26 =	vadd.s32 v36, v40;
	v29 =	vadd.f32 v37, v29;
	v31 =	vmul.f32 v31, v23  }
0x4d7: {  	v51 =	vadd.s32 v36, v9  }
0x4d8: {  	v29 =	vadd.f32 v31, v29  }
0x4d9: {  	v31 =	vadd.s32 v36, v21  }
0x4da: {  	[tilespmem:v41+s12+$0x0] =	vst.idx.msk $0xffff, v29  }
0x4db: {  	v29 =	vld.idx.msk [tilespmem:v26+s10+$0x0], $0xffff  }
0x4dc: {  	v53 =	vld.idx.msk [tilespmem:v51+s10+$0x0], $0xffff;
	_ =	sdelay $0x1  }
0x4dd: {  	v31 =	vld.idx.msk [tilespmem:v31+s10+$0x0], $0xffff  }
0x4de: {  	v45 =	vmov v55  }
0x4df: {  	v44 =	vmov v52;
	v52 =	vmov v61;
	v61 =	vcombine.low v46, v45  }
0x4e0: {  	v29 =	vmul.f32 v29, v16;
	v37 =	vmul.f32 v53, v38  }
0x4e1: {  	v41 =	vor.u32 v61, v25  }
0x4e2: {  	v22 =	vadd.s32 v1, v40;
	v29 =	vadd.f32 v37, v29;
	v31 =	vmul.f32 v31, v23  }
0x4e3: {  	v24 =	vadd.s32 v1, v9  }
0x4e4: {  	v29 =	vadd.f32 v31, v29  }
0x4e5: {  	v31 =	vadd.s32 v1, v21  }
0x4e6: {  	[tilespmem:v41+s12+$0x0] =	vst.idx.msk $0xffff, v29  }
0x4e7: {  	v29 =	vld.idx.msk [tilespmem:v22+s10+$0x0], $0xffff  }
0x4e8: {  	v26 =	vld.idx.msk [tilespmem:v24+s10+$0x0], $0xffff;
	_ =	sdelay $0x1  }
0x4e9: {  	v31 =	vld.idx.msk [tilespmem:v31+s10+$0x0], $0xffff  }
0x4ea: {  	v46 =	vmov v56  }
0x4eb: {  	v51 =	vcombine.low v47, v46  }
0x4ec: {  	v29 =	vmul.f32 v29, v16;
	v37 =	vmul.f32 v26, v38  }
0x4ed: {  	v41 =	vor.u32 v51, v25  }
0x4ee: {  	v53 =	vadd.s32 v5, v40;
	v29 =	vadd.f32 v37, v29;
	v31 =	vmul.f32 v31, v23  }
0x4ef: {  	v61 =	vadd.s32 v5, v9  }
0x4f0: {  	v29 =	vadd.f32 v31, v29  }
0x4f1: {  	v31 =	vadd.s32 v5, v21  }
0x4f2: {  	v24 =	vld [tilespmem:$0x1F9E0];
	[tilespmem:v41+s12+$0x0] =	vst.idx.msk $0xffff, v29  }
0x4f3: {  	v29 =	vld.idx.msk [tilespmem:v53+s10+$0x0], $0xffff  }
0x4f4: {  	v22 =	vld.idx.msk [tilespmem:v61+s10+$0x0], $0xffff;
	_ =	sdelay $0x1  }
0x4f5: {  	v31 =	vld.idx.msk [tilespmem:v31+s10+$0x0], $0xffff;
	_ =	sdelay $0x1  }
0x4f6: {  	v26 =	vcombine.low v48, v24  }
0x4f7: {  	v29 =	vmul.f32 v29, v16;
	v37 =	vmul.f32 v22, v38  }
0x4f8: {  	v41 =	vor.u32 v26, v25  }
0x4f9: {  	v53 =	vadd.s32 v14, v40;
	v29 =	vadd.f32 v37, v29;
	v31 =	vmul.f32 v31, v23  }
0x4fa: {  	v9 =	vadd.s32 v14, v9  }
0x4fb: {  	v29 =	vadd.f32 v31, v29  }
0x4fc: {  	v21 =	vadd.s32 v14, v21  }
0x4fd: {  	v61 =	vld [tilespmem:$0x1F950];
	[tilespmem:v41+s12+$0x0] =	vst.idx.msk $0xffff, v29  }
0x4fe: {  	v29 =	vld.idx.msk [tilespmem:v53+s10+$0x0], $0xffff  }
0x4ff: {  	v9 =	vld.idx.msk [tilespmem:v9+s10+$0x0], $0xffff;
	_ =	sdelay $0x1  }
0x500: {  	v21 =	vld.idx.msk [tilespmem:v21+s10+$0x0], $0xffff;
	_ =	sdelay $0x1  }
0x501: {  	v31 =	vcombine.low v39, v61  }
0x502: {  	v16 =	vmul.f32 v29, v16;
	v9 =	vmul.f32 v9, v38  }
0x503: {  	p0 =	sne.s32 s17, $0x3F0;
	v25 =	vor.u32 v31, v25  }
.Ltmp0:
0x504: {  	v9 =	vadd.f32 v9, v16;
	v16 =	vmul.f32 v21, v23;
	(pc) =	sbr.rel @p0 .LBB2_3-.Ltmp0, $4  }
0x505: {  	v55 =	vmov v2;
	v2 =	vld [tilespmem:$0x1FFD0]  }
0x506: {  	v56 =	vmov v4;
	v4 =	vld [tilespmem:$0x1FFE0];
	v9 =	vadd.f32 v16, v9  }
0x507: {  	v47 =	vmov v57;
	v57 =	vmov v7;
	v7 =	vld [tilespmem:$0x1FFF0]  }
0x508: {  	s17 =	sadd.s32 $0x10, s17;
	v48 =	vmovc v63;
	v63 =	vmovc v60;
	v60 =	vld [tilespmem:$0x1FA50];
	v39 =	vimm.s32 $0xFFFFFFF7;
	v31 =	vimm.s32 $0xFFFFFFFD;
	v29 =	vimm.s32 $0xFFFFFFFF;
	[tilespmem:v25+s12+$0x0] =	vst.idx.msk $0xffff, v9  }
0x509: {  	s17 =	sshll.u32 s16, $0x12;
	s16 =	sadd.s32 $0x1, s16  }
0x50a: {  	p0 =	sne.s32 s16, $0x8  }
.Ltmp1:
0x50b: {  	s17 =	sadd.s32 s17, s6;
	(pc) =	sbr.rel @p0 .LBB2_2-.Ltmp1, $4  }
0x50c: {  	[hbm4b:s17+s13] =	stream.strided.scatter [tilespmem:s12], [sflag:$0x1], $0x10000, s14, s13, $0x38;
	[tilespmem:$0x12780] =	vst v63  }
0x50d: {  	_ =	swait.ge [sflag:s11], $0x10000  }
0x50e: {  	[sflag:s11] =	ssyncset.done $0x0  }
0x50f: {  	[sflag:s11] =	ssyncadd.s32 $0xFFFF0000  }
0x510: {  	s15 =	sadd.s32 $0x1, s15  }
0x511: {  	p0 =	sne.s32 s15, s7  }
.Ltmp2:
0x512: {  	_ = 	snop;
	(pc) =	sbr.rel @p0 .LBB2_1-.Ltmp2, $1  }
0x513: {  	_ =	sdelay $0x3  }
0x514: {  	_ =	sfence.sel $0x180000  }
0x515: {  	[bflag:$0x0] =	sbarrier.arrive $0xFFFF  }
0x516: {  	p0 =	sne.s32 s2, $0x0;
	_ =	strace $0x90000047  }
0x517: {  	s0 =	sadd.s32 @!p0 $0x100000, s1;
	[bflag:$0x2] =	sbarrier.arrive $0xFFFF  }
0x518: {  	[sflag:s0] =	ssyncadd.tile.s32 @!p0 $0x1;
	_ =	shalt  }
.Lfunc_end2:
_tile_overlayer_lowered:
.L_overlay_start_2:
0x519: {  	(tag) =	ssettag $0x2  }
0x51a: {  	s0 =	rddreg [dreg:$0x0];
	s2 =	stileid.u32  }
0x51b: {  	s1 =	rddreg [dreg:$0x1];
	p0 =	sne.s32 s2, $0x0  }
0x51c: {  	s3 =	rddreg [dreg:$0x2];
	[bflag:$0x3] =	sbarrier.arrive $0xFFFF;
	s2 =	simm.s32 @!p0 $0x1C01  }
0x51d: {  	[timem:s3], [sflag:s2] =	dma.local @!p0 [hbm:s0], s1  }
0x51e: {  	s0 =	simm.s32 @!p0 $0x1  }
0x51f: {  	_ =	swait.ge @!p0 [sflag:s0], s1  }
0x520: {  	s1 =	ssub.s32 @!p0 $0x0, s1;
	[sflag:s0] =	ssyncset.done @!p0 $0x0  }
0x521: {  	[sflag:s0] =	ssyncadd.s32 @!p0 s1  }
0x522: {  	[bflag:$0x3] =	sbarrier.arrive $0xFFFF  }
0x523: {  	_ =	shalt  }

</sc_bundles>
